<compile_context>
chip_gen: v7x
topology: tpu7x:2x2x1
jax: 0.10.2.dev20260603
libtpu: 0.0.44.dev20260713+nightly
codegen_flags: <defaults>
</compile_context>

<pallas_src>
import functools

import jax
import jax.numpy as jnp
from jax import lax
from jax.experimental import pallas as pl
from jax.experimental.pallas import tpu as pltpu
from jax.experimental.pallas import tpu_sc as plsc

D_NODE = 128
D_EDGE = 16
D_OUT = D_NODE + D_EDGE
BLK = 128
N_WORKERS = 32
MAX_BLOCKS_PER_W = 79


def _node_proj_kernel(x_ref, wt_ref, b_ref, o_ref):
    o_ref[...] = (
        jnp.dot(x_ref[...], wt_ref[...], preferred_element_type=jnp.float32)
        + b_ref[...]
    )


def _node_project(x, wt, b, block_rows):
    n = x.shape[0]
    d = x.shape[1]
    return pl.pallas_call(
        _node_proj_kernel,
        grid=(n // block_rows,),
        in_specs=[
            pl.BlockSpec((block_rows, d), lambda i: (i, 0)),
            pl.BlockSpec((d, d), lambda i: (0, 0)),
            pl.BlockSpec((1, d), lambda i: (0, 0)),
        ],
        out_specs=pl.BlockSpec((block_rows, d), lambda i: (i, 0)),
        out_shape=jax.ShapeDtypeStruct((n, d), jnp.float32),
    )(x, wt, b.reshape(1, d))


def _edge_proj_kernel(ef_ref, w_ref, b_ref, alias_ref, o_ref):
    del alias_ref
    o_ref[...] = (
        jnp.dot(w_ref[...], ef_ref[...], preferred_element_type=jnp.float32)
        + b_ref[...]
    )


def _edge_project_into(ef_t, w, b, out_t, block_cols):
    e = ef_t.shape[1]
    grid = e // block_cols
    return pl.pallas_call(
        _edge_proj_kernel,
        grid=(grid,),
        in_specs=[
            pl.BlockSpec((D_EDGE, block_cols), lambda j: (0, j)),
            pl.BlockSpec((D_EDGE, D_EDGE), lambda j: (0, 0)),
            pl.BlockSpec((D_EDGE, 1), lambda j: (0, 0)),
            pl.BlockSpec(memory_space=pl.ANY),
        ],
        out_specs=pl.BlockSpec((D_EDGE, block_cols), lambda j: (8, j)),
        out_shape=jax.ShapeDtypeStruct((D_OUT, e), jnp.float32),
        input_output_aliases={3: 0},
    )(ef_t, w, b.reshape(D_EDGE, 1), out_t)


def _make_sc_gather_t(n_edges):
    n_blocks = n_edges // BLK
    idx_cap = MAX_BLOCKS_PER_W * BLK
    mesh = plsc.VectorSubcoreMesh(core_axis_name="c", subcore_axis_name="s")

    @functools.partial(
        pl.kernel,
        mesh=mesh,
        compiler_params=pltpu.CompilerParams(
            use_tc_tiling_on_sc=True, needs_layout_passes=False
        ),
        out_type=jax.ShapeDtypeStruct((D_OUT, n_edges), jnp.float32),
        scratch_types=[
            pltpu.VMEM((idx_cap,), jnp.int32),
            pltpu.VMEM((BLK, D_NODE), jnp.float32),
            pltpu.VMEM((BLK, D_NODE), jnp.float32),
            pltpu.VMEM((D_NODE, BLK), jnp.float32),
            pltpu.VMEM((D_NODE, BLK), jnp.float32),
            pltpu.SemaphoreType.DMA,
            pltpu.SemaphoreType.DMA,
            pltpu.SemaphoreType.DMA,
            pltpu.SemaphoreType.DMA,
        ],
    )
    def sc_gather_t(
        node_h_hbm,
        src_hbm,
        out_hbm,
        idx_all,
        rows_a,
        rows_b,
        tbuf_a,
        tbuf_b,
        sem_ga,
        sem_gb,
        sem_oa,
        sem_ob,
    ):
        wid = lax.axis_index("s") * 2 + lax.axis_index("c")
        lo = (wid * n_blocks) // N_WORKERS
        hi = ((wid + 1) * n_blocks) // N_WORKERS
        nb = hi - lo

        pltpu.sync_copy(src_hbm.at[pl.ds(lo * BLK, idx_cap)], idx_all)

        def launch_gather(j, rows_x, sem_x):
            idx_slice = idx_all.at[pl.ds((j - lo) * BLK, BLK)]
            pltpu.async_copy(node_h_hbm.at[idx_slice], rows_x, sem_x)

        def wait_gather(rows_x, sem_x):
            pltpu.make_async_copy(
                node_h_hbm.at[idx_all.at[pl.ds(0, BLK)]], rows_x, sem_x
            ).wait()

        def out_window(j):
            return out_hbm.at[pl.ds(0, D_NODE), pl.ds(j * BLK, BLK)]

        def transpose(rows_x, tbuf_x):
            def body2(i, carry2):
                for r in range(8):
                    d = 8 * i + r
                    dvec = jnp.full((16,), d, jnp.int32)
                    vals = []
                    for v in range(8):
                        evec = 16 * v + lax.iota(jnp.int32, 16)
                        vals.append(plsc.load_gather(rows_x, [evec, dvec]))
                    for v in range(8):
                        tbuf_x[d, pl.ds(16 * v, 16)] = vals[v]
                return carry2

            lax.fori_loop(0, 16, body2, 0)

        def step(j, rows_x, sem_gx, tbuf_x, sem_ox, rows_y, sem_gy):
            @pl.when(j < hi)
            def _():
                wait_gather(rows_x, sem_gx)

                @pl.when(j + 1 < hi)
                def _():
                    launch_gather(j + 1, rows_y, sem_gy)

                @pl.when(j >= lo + 2)
                def _():
                    pltpu.make_async_copy(tbuf_x, out_window(j), sem_ox).wait()

                transpose(rows_x, tbuf_x)
                pltpu.async_copy(tbuf_x, out_window(j), sem_ox)

        launch_gather(lo, rows_a, sem_ga)

        def pair(jj, carry):
            j0 = lo + 2 * jj
            step(j0, rows_a, sem_ga, tbuf_a, sem_oa, rows_b, sem_gb)
            step(j0 + 1, rows_b, sem_gb, tbuf_b, sem_ob, rows_a, sem_ga)
            return carry

        lax.fori_loop(0, (nb + 1) // 2, pair, 0)

        @pl.when(nb >= 1)
        def _():
            pltpu.make_async_copy(tbuf_a, out_window(lo), sem_oa).wait()

        @pl.when(nb >= 2)
        def _():
            pltpu.make_async_copy(tbuf_b, out_window(lo), sem_ob).wait()

    return sc_gather_t


def kernel(node_feats, edge_feats, W_node, b_node, W_edge, b_edge, edge_index):
    n_edges = edge_feats.shape[0]

    node_h = _node_project(node_feats, W_node.T, b_node, block_rows=2000)
    src = jnp.asarray(edge_index[0], dtype=jnp.int32)

    out_t = _make_sc_gather_t(n_edges)(node_h, src)
    out_t = _edge_project_into(edge_feats.T, W_edge, b_edge, out_t, block_cols=6400)
    return out_t.T

# --- scband reference (transcript-rebuilt; emitter-appended) ---
"""Pipeline reference for scband-input-initializer-9758165696784 (READ-ONLY COPY).

The authoritative reference and input builder live on the scoring server;
editing this copy changes nothing except your own understanding.
"""

import jax, jax.numpy as jnp
import numpy as np

N_NODES = 10000
N_EDGES = 320000
D_NODE = 128
D_EDGE = 16


def setup_inputs(seed: int = 0) -> dict:
    key = jax.random.key(seed)
    k1, k2, k3, k4, k5, k6, k7 = jax.random.split(key, 7)
    node_feats = jax.random.normal(k1, (N_NODES, D_NODE), dtype=jnp.float32)
    edge_feats = jax.random.normal(k2, (N_EDGES, D_EDGE), dtype=jnp.float32)
    edge_index = jax.random.randint(k3, (2, N_EDGES), 0, N_NODES, dtype=jnp.int64)
    # nn.Linear params (PyTorch convention: y = x @ W.T + b), kaiming-uniform-ish init
    bn_lim = 1.0 / np.sqrt(D_NODE)
    W_node = jax.random.uniform(k4, (D_NODE, D_NODE), minval=-bn_lim, maxval=bn_lim, dtype=jnp.float32)
    b_node = jax.random.uniform(k5, (D_NODE,), minval=-bn_lim, maxval=bn_lim, dtype=jnp.float32)
    be_lim = 1.0 / np.sqrt(D_EDGE)
    W_edge = jax.random.uniform(k6, (D_EDGE, D_EDGE), minval=-be_lim, maxval=be_lim, dtype=jnp.float32)
    b_edge = jax.random.uniform(k7, (D_EDGE,), minval=-be_lim, maxval=be_lim, dtype=jnp.float32)
    return {
        "node_feats": node_feats,
        "edge_feats": edge_feats,
        "W_node": W_node,
        "b_node": b_node,
        "W_edge": W_edge,
        "b_edge": b_edge,
        "edge_index": edge_index,
    }


def reference(node_feats, edge_feats, W_node, b_node, W_edge, b_edge, edge_index):
    # project_nodes: Linear(in_node_feats, in_node_feats)
    node_h = node_feats @ W_node.T + b_node
    # project_edges: Linear(in_edge_feats, in_edge_feats)
    edge_h = edge_feats @ W_edge.T + b_edge
    # apply_edges(copy_u('hv','he')): gather source-node representation per edge
    src = edge_index[0]
    he = jnp.take(node_h, src, axis=0)
    # concat edge copies of source node feats with projected edge feats
    return jnp.concatenate([he, edge_h], axis=1)

if __name__ == "__main__":
    import jax
    _d = setup_inputs()
    print(jax.jit(kernel)(*tuple(_d.values())))

</pallas_src>

<mosaic_0001>
#map = affine_map<(d0, d1) -> (0, 0)>
#map1 = affine_map<(d0, d1) -> (0)>
module attributes {stable_mosaic.version = 14 : i64} {
  func.func @sc_gather_t(%arg0: i32, %arg1: i32, %arg2: memref<10000x128xf32, #tpu.memory_space<hbm>>, %arg3: memref<320000xi32, #tpu.memory_space<hbm>>, %arg4: memref<144x320000xf32, #tpu.memory_space<hbm>>, %arg5: memref<10112xi32, #tpu.memory_space<vmem>>, %arg6: memref<128x128xf32, #tpu.memory_space<vmem>>, %arg7: memref<128x128xf32, #tpu.memory_space<vmem>>, %arg8: memref<128x128xf32, #tpu.memory_space<vmem>>, %arg9: memref<128x128xf32, #tpu.memory_space<vmem>>, %arg10: memref<!tpu.dma_semaphore, #tpu.memory_space<semaphore_mem>>, %arg11: memref<!tpu.dma_semaphore, #tpu.memory_space<semaphore_mem>>, %arg12: memref<!tpu.dma_semaphore, #tpu.memory_space<semaphore_mem>>, %arg13: memref<!tpu.dma_semaphore, #tpu.memory_space<semaphore_mem>>) attributes {dimension_semantics = [#tpu.dimension_semantics<core_parallel>, #tpu.dimension_semantics<subcore_parallel>], iteration_bounds = array<i64: 2, 16>, scalar_prefetch = 0 : i64, scratch_operands = 9 : i64, tpu.core_type = #tpu.core_type<sc_vector_subcore>, window_params = [{transform_indices = #map}, {transform_indices = #map1}, {transform_indices = #map}]} {
    %mul3A = arith.constant 2 : i32
    %mul3A_0 = arith.muli %arg1, %mul3A : i32
    %add3A = arith.addi %mul3A_0, %arg0 : i32
    %mul3A_1 = arith.constant 2500 : i32
    %mul3A_2 = arith.muli %add3A, %mul3A_1 : i32
    %jit3A = arith.constant 32 : i32
    %div3A = arith.divsi %mul3A_2, %jit3A : i32
    %sign3A = arith.constant 0 : i32
    %sign3A_3 = arith.cmpi sgt, %mul3A_2, %sign3A : i32
    %sign3A_4 = arith.extui %sign3A_3 : i1 to i32
    %sign3A_5 = arith.constant 0 : i32
    %sign3A_6 = arith.cmpi slt, %mul3A_2, %sign3A_5 : i32
    %sign3A_7 = arith.extui %sign3A_6 : i1 to i32
    %sign3A_8 = arith.subi %sign3A_4, %sign3A_7 : i32
    %sign3A_9 = arith.constant 0 : i32
    %sign3A_10 = arith.cmpi sgt, %jit3A, %sign3A_9 : i32
    %sign3A_11 = arith.extui %sign3A_10 : i1 to i32
    %sign3A_12 = arith.constant 0 : i32
    %sign3A_13 = arith.cmpi slt, %jit3A, %sign3A_12 : i32
    %sign3A_14 = arith.extui %sign3A_13 : i1 to i32
    %sign3A_15 = arith.subi %sign3A_11, %sign3A_14 : i32
    %ne3A = arith.cmpi ne, %sign3A_8, %sign3A_15 : i32
    %rem3A = arith.remsi %mul3A_2, %jit3A : i32
    %ne3A_16 = arith.constant 0 : i32
    %ne3A_17 = arith.cmpi ne, %rem3A, %ne3A_16 : i32
    %and3A = arith.andi %ne3A, %ne3A_17 : i1
    %sub3A = arith.constant 1 : i32
    %sub3A_18 = arith.subi %div3A, %sub3A : i32
    %select_n3A = arith.select %and3A, %sub3A_18, %div3A : i32
    %add3A_19 = arith.constant 1 : i32
    %add3A_20 = arith.addi %add3A, %add3A_19 : i32
    %mul3A_21 = arith.constant 2500 : i32
    %mul3A_22 = arith.muli %add3A_20, %mul3A_21 : i32
    %jit3A_23 = arith.constant 32 : i32
    %div3A_24 = arith.divsi %mul3A_22, %jit3A_23 : i32
    %sign3A_25 = arith.constant 0 : i32
    %sign3A_26 = arith.cmpi sgt, %mul3A_22, %sign3A_25 : i32
    %sign3A_27 = arith.extui %sign3A_26 : i1 to i32
    %sign3A_28 = arith.constant 0 : i32
    %sign3A_29 = arith.cmpi slt, %mul3A_22, %sign3A_28 : i32
    %sign3A_30 = arith.extui %sign3A_29 : i1 to i32
    %sign3A_31 = arith.subi %sign3A_27, %sign3A_30 : i32
    %sign3A_32 = arith.constant 0 : i32
    %sign3A_33 = arith.cmpi sgt, %jit3A_23, %sign3A_32 : i32
    %sign3A_34 = arith.extui %sign3A_33 : i1 to i32
    %sign3A_35 = arith.constant 0 : i32
    %sign3A_36 = arith.cmpi slt, %jit3A_23, %sign3A_35 : i32
    %sign3A_37 = arith.extui %sign3A_36 : i1 to i32
    %sign3A_38 = arith.subi %sign3A_34, %sign3A_37 : i32
    %ne3A_39 = arith.cmpi ne, %sign3A_31, %sign3A_38 : i32
    %rem3A_40 = arith.remsi %mul3A_22, %jit3A_23 : i32
    %ne3A_41 = arith.constant 0 : i32
    %ne3A_42 = arith.cmpi ne, %rem3A_40, %ne3A_41 : i32
    %and3A_43 = arith.andi %ne3A_39, %ne3A_42 : i1
    %sub3A_44 = arith.constant 1 : i32
    %sub3A_45 = arith.subi %div3A_24, %sub3A_44 : i32
    %select_n3A_46 = arith.select %and3A_43, %sub3A_45, %div3A_24 : i32
    %sub3A_47 = arith.subi %select_n3A_46, %select_n3A : i32
    %mul3A_48 = arith.constant 128 : i32
    %mul3A_49 = arith.muli %select_n3A, %mul3A_48 : i32
    "tpu.region"() ({
      %run_scoped3A = tpu.sem_alloc : memref<!tpu.dma_semaphore, #tpu.memory_space<semaphore_mem>>
      %dma_start3A_98 = tpu.memref_slice %arg3[%mul3A_49] : memref<320000xi32, #tpu.memory_space<hbm>> -> memref<10112xi32, #tpu.memory_space<hbm>>
      %dma_start3A_99 = tpu.memref_slice %arg3[%mul3A_49] : memref<320000xi32, #tpu.memory_space<hbm>> -> memref<10112xi32, #tpu.memory_space<hbm>>
      tpu.enqueue_dma source(%dma_start3A_99 : memref<10112xi32, #tpu.memory_space<hbm>>) target(%arg5 : memref<10112xi32, #tpu.memory_space<vmem>>) target_semaphore(%run_scoped3A : memref<!tpu.dma_semaphore, #tpu.memory_space<semaphore_mem>>)
      %dma_wait3A = tpu.memref_slice %arg3[%mul3A_49] : memref<320000xi32, #tpu.memory_space<hbm>> -> memref<10112xi32, #tpu.memory_space<hbm>>
      %dma_wait3A_100 = tpu.memref_slice %arg3[%mul3A_49] : memref<320000xi32, #tpu.memory_space<hbm>> -> memref<10112xi32, #tpu.memory_space<hbm>>
      tpu.wait_dma2 semaphore(%run_scoped3A : memref<!tpu.dma_semaphore, #tpu.memory_space<semaphore_mem>>) src(%dma_wait3A_100 : memref<10112xi32, #tpu.memory_space<hbm>>) dst(%arg5 : memref<10112xi32, #tpu.memory_space<vmem>>)
      tpu.yield
    }) : () -> ()
    %sub3A_50 = arith.subi %select_n3A, %select_n3A : i32
    %mul3A_51 = arith.constant 128 : i32
    %mul3A_52 = arith.muli %sub3A_50, %mul3A_51 : i32
    %dma_start3A = tpu.memref_slice %arg5[%mul3A_52] : memref<10112xi32, #tpu.memory_space<vmem>> -> memref<128xi32, #tpu.memory_space<vmem>>
    %dma_start3A_53 = arith.constant 0 : i32
    %dma_start3A_54 = arith.constant 0 : i32
    %dma_start3A_55 = tpu.memref_slice %arg2[%dma_start3A_53, %dma_start3A_54] : memref<10000x128xf32, #tpu.memory_space<hbm>> -> memref<10000x128xf32, #tpu.memory_space<hbm>>
    tpu.enqueue_indirect_dma source(%dma_start3A_55 : memref<10000x128xf32, #tpu.memory_space<hbm>>) target(%arg6 : memref<128x128xf32, #tpu.memory_space<vmem>>) offsets(%dma_start3A : memref<128xi32, #tpu.memory_space<vmem>>) semaphore(%arg10 : memref<!tpu.dma_semaphore, #tpu.memory_space<semaphore_mem>>)
    %add3A_56 = arith.constant 1 : i32
    %add3A_57 = arith.addi %sub3A_47, %add3A_56 : i32
    %jit3A_58 = arith.constant 2 : i32
    %div3A_59 = arith.divsi %add3A_57, %jit3A_58 : i32
    %sign3A_60 = arith.constant 0 : i32
    %sign3A_61 = arith.cmpi sgt, %add3A_57, %sign3A_60 : i32
    %sign3A_62 = arith.extui %sign3A_61 : i1 to i32
    %sign3A_63 = arith.constant 0 : i32
    %sign3A_64 = arith.cmpi slt, %add3A_57, %sign3A_63 : i32
    %sign3A_65 = arith.extui %sign3A_64 : i1 to i32
    %sign3A_66 = arith.subi %sign3A_62, %sign3A_65 : i32
    %sign3A_67 = arith.constant 0 : i32
    %sign3A_68 = arith.cmpi sgt, %jit3A_58, %sign3A_67 : i32
    %sign3A_69 = arith.extui %sign3A_68 : i1 to i32
    %sign3A_70 = arith.constant 0 : i32
    %sign3A_71 = arith.cmpi slt, %jit3A_58, %sign3A_70 : i32
    %sign3A_72 = arith.extui %sign3A_71 : i1 to i32
    %sign3A_73 = arith.subi %sign3A_69, %sign3A_72 : i32
    %ne3A_74 = arith.cmpi ne, %sign3A_66, %sign3A_73 : i32
    %rem3A_75 = arith.remsi %add3A_57, %jit3A_58 : i32
    %ne3A_76 = arith.constant 0 : i32
    %ne3A_77 = arith.cmpi ne, %rem3A_75, %ne3A_76 : i32
    %and3A_78 = arith.andi %ne3A_74, %ne3A_77 : i1
    %sub3A_79 = arith.constant 1 : i32
    %sub3A_80 = arith.subi %div3A_59, %sub3A_79 : i32
    %select_n3A_81 = arith.select %and3A_78, %sub3A_80, %div3A_59 : i32
    %while3A = arith.constant 0 : i32
    %while3A_82 = arith.constant 0 : i32
    %while3A_83 = arith.subi %select_n3A_81, %while3A_82 : i32
    %while3A_84 = arith.addi %while3A_82, %while3A_83 : i32
    %while3A_85 = arith.constant 1 : i32
    %while3A_86 = arith.divsi %while3A_83, %while3A_85 : i32
    %while3A_87 = arith.muli %while3A_86, %while3A_85 : i32
    %while3A_88 = arith.addi %while3A_82, %while3A_87 : i32
    %while3A_89 = arith.constant 1 : i32
    scf.for %while3A_98 = %while3A_82 to %while3A_88 step %while3A_89  : i32 {
      %mul3A_99 = arith.constant 2 : i32
      %mul3A_100 = arith.muli %mul3A_99, %while3A_98 : i32
      %add3A_101 = arith.addi %select_n3A, %mul3A_100 : i32
      %lt3A = arith.cmpi slt, %add3A_101, %select_n3A_46 : i32
      %convert_element_type3A_102 = arith.extui %lt3A : i1 to i32
      %cond3A_103 = arith.constant 0 : i32
      %cond3A_104 = arith.cmpi ne, %convert_element_type3A_102, %cond3A_103 : i32
      scf.if %cond3A_104 {
        %dma_wait3A = arith.constant 0 : i32
        %dma_wait3A_111 = tpu.memref_slice %arg5[%dma_wait3A] : memref<10112xi32, #tpu.memory_space<vmem>> -> memref<128xi32, #tpu.memory_space<vmem>>
        %dma_wait3A_112 = arith.constant 0 : i32
        %dma_wait3A_113 = arith.constant 0 : i32
        %dma_wait3A_114 = tpu.memref_slice %arg2[%dma_wait3A_112, %dma_wait3A_113] : memref<10000x128xf32, #tpu.memory_space<hbm>> -> memref<10000x128xf32, #tpu.memory_space<hbm>>
        tpu.wait_indirect_dma semaphore(%arg10 : memref<!tpu.dma_semaphore, #tpu.memory_space<semaphore_mem>>) src(%dma_wait3A_114 : memref<10000x128xf32, #tpu.memory_space<hbm>>) dst(%arg6 : memref<128x128xf32, #tpu.memory_space<vmem>>)
        %add3A_115 = arith.constant 1 : i32
        %add3A_116 = arith.addi %add3A_101, %add3A_115 : i32
        %lt3A_117 = arith.cmpi slt, %add3A_116, %select_n3A_46 : i32
        %convert_element_type3A_118 = arith.extui %lt3A_117 : i1 to i32
        %cond3A_119 = arith.constant 0 : i32
        %cond3A_120 = arith.cmpi ne, %convert_element_type3A_118, %cond3A_119 : i32
        scf.if %cond3A_120 {
          %add3A_138 = arith.constant 1 : i32
          %add3A_139 = arith.addi %add3A_101, %add3A_138 : i32
          %sub3A_140 = arith.subi %add3A_139, %select_n3A : i32
          %mul3A_141 = arith.constant 128 : i32
          %mul3A_142 = arith.muli %sub3A_140, %mul3A_141 : i32
          %dma_start3A_143 = tpu.memref_slice %arg5[%mul3A_142] : memref<10112xi32, #tpu.memory_space<vmem>> -> memref<128xi32, #tpu.memory_space<vmem>>
          %dma_start3A_144 = arith.constant 0 : i32
          %dma_start3A_145 = arith.constant 0 : i32
          %dma_start3A_146 = tpu.memref_slice %arg2[%dma_start3A_144, %dma_start3A_145] : memref<10000x128xf32, #tpu.memory_space<hbm>> -> memref<10000x128xf32, #tpu.memory_space<hbm>>
          tpu.enqueue_indirect_dma source(%dma_start3A_146 : memref<10000x128xf32, #tpu.memory_space<hbm>>) target(%arg7 : memref<128x128xf32, #tpu.memory_space<vmem>>) offsets(%dma_start3A_143 : memref<128xi32, #tpu.memory_space<vmem>>) semaphore(%arg11 : memref<!tpu.dma_semaphore, #tpu.memory_space<semaphore_mem>>)
        } else {
        }
        %add3A_121 = arith.constant 2 : i32
        %add3A_122 = arith.addi %select_n3A, %add3A_121 : i32
        %ge3A_123 = arith.cmpi sge, %add3A_101, %add3A_122 : i32
        %convert_element_type3A_124 = arith.extui %ge3A_123 : i1 to i32
        %cond3A_125 = arith.constant 0 : i32
        %cond3A_126 = arith.cmpi ne, %convert_element_type3A_124, %cond3A_125 : i32
        scf.if %cond3A_126 {
          %mul3A_138 = arith.constant 128 : i32
          %mul3A_139 = arith.muli %add3A_101, %mul3A_138 : i32
          %dma_wait3A_140 = arith.constant 0 : i32
          %dma_wait3A_141 = tpu.memref_slice %arg4[%dma_wait3A_140, %mul3A_139] : memref<144x320000xf32, #tpu.memory_space<hbm>> -> memref<128x128xf32, #tpu.memory_space<hbm>>
          %dma_wait3A_142 = arith.constant 0 : i32
          %dma_wait3A_143 = tpu.memref_slice %arg4[%dma_wait3A_142, %mul3A_139] : memref<144x320000xf32, #tpu.memory_space<hbm>> -> memref<128x128xf32, #tpu.memory_space<hbm>>
          tpu.wait_dma2 semaphore(%arg12 : memref<!tpu.dma_semaphore, #tpu.memory_space<semaphore_mem>>) src(%arg8 : memref<128x128xf32, #tpu.memory_space<vmem>>) dst(%dma_wait3A_143 : memref<128x128xf32, #tpu.memory_space<hbm>>)
        } else {
        }
        %scan3A = arith.constant 0 : i32
        %scan3A_127 = arith.constant 0 : i32
        %scan3A_128 = arith.constant 16 : i32
        %scan3A_129 = arith.addi %scan3A_127, %scan3A_128 : i32
        %scan3A_130 = arith.constant 1 : i32
        scf.for %scan3A_138 = %scan3A_127 to %scan3A_129 step %scan3A_130  : i32 {
          %mul3A_139 = arith.constant 8 : i32
          %mul3A_140 = arith.muli %mul3A_139, %scan3A_138 : i32
          %add3A_141 = arith.constant 0 : i32
          %add3A_142 = arith.addi %mul3A_140, %add3A_141 : i32
          %broadcast_in_dim3A = vector.broadcast %add3A_142 : i32 to vector<16xi32>
          %iota3A = tpu.iota {dimensions = array<i32: 0>} : vector<16xi32>
          %add3A_143 = arith.constant 0 : i32
          %add3A_144 = vector.broadcast %add3A_143 : i32 to vector<16xi32>
          %add3A_145 = arith.addi %add3A_144, %iota3A : vector<16xi32>
          %gather3A = tpu.vector_load_idx %arg6[%add3A_145, %broadcast_in_dim3A] : memref<128x128xf32, #tpu.memory_space<vmem>>[vector<16xi32>, vector<16xi32>], vector<16xf32>,
          %iota3A_146 = tpu.iota {dimensions = array<i32: 0>} : vector<16xi32>
          %add3A_147 = arith.constant 16 : i32
          %add3A_148 = vector.broadcast %add3A_147 : i32 to vector<16xi32>
          %add3A_149 = arith.addi %add3A_148, %iota3A_146 : vector<16xi32>
          %gather3A_150 = tpu.vector_load_idx %arg6[%add3A_149, %broadcast_in_dim3A] : memref<128x128xf32, #tpu.memory_space<vmem>>[vector<16xi32>, vector<16xi32>], vector<16xf32>,
          %iota3A_151 = tpu.iota {dimensions = array<i32: 0>} : vector<16xi32>
          %add3A_152 = arith.constant 32 : i32
          %add3A_153 = vector.broadcast %add3A_152 : i32 to vector<16xi32>
          %add3A_154 = arith.addi %add3A_153, %iota3A_151 : vector<16xi32>
          %gather3A_155 = tpu.vector_load_idx %arg6[%add3A_154, %broadcast_in_dim3A] : memref<128x128xf32, #tpu.memory_space<vmem>>[vector<16xi32>, vector<16xi32>], vector<16xf32>,
          %iota3A_156 = tpu.iota {dimensions = array<i32: 0>} : vector<16xi32>
          %add3A_157 = arith.constant 48 : i32
          %add3A_158 = vector.broadcast %add3A_157 : i32 to vector<16xi32>
          %add3A_159 = arith.addi %add3A_158, %iota3A_156 : vector<16xi32>
          %gather3A_160 = tpu.vector_load_idx %arg6[%add3A_159, %broadcast_in_dim3A] : memref<128x128xf32, #tpu.memory_space<vmem>>[vector<16xi32>, vector<16xi32>], vector<16xf32>,
          %iota3A_161 = tpu.iota {dimensions = array<i32: 0>} : vector<16xi32>
          %add3A_162 = arith.constant 64 : i32
          %add3A_163 = vector.broadcast %add3A_162 : i32 to vector<16xi32>
          %add3A_164 = arith.addi %add3A_163, %iota3A_161 : vector<16xi32>
          %gather3A_165 = tpu.vector_load_idx %arg6[%add3A_164, %broadcast_in_dim3A] : memref<128x128xf32, #tpu.memory_space<vmem>>[vector<16xi32>, vector<16xi32>], vector<16xf32>,
          %iota3A_166 = tpu.iota {dimensions = array<i32: 0>} : vector<16xi32>
          %add3A_167 = arith.constant 80 : i32
          %add3A_168 = vector.broadcast %add3A_167 : i32 to vector<16xi32>
          %add3A_169 = arith.addi %add3A_168, %iota3A_166 : vector<16xi32>
          %gather3A_170 = tpu.vector_load_idx %arg6[%add3A_169, %broadcast_in_dim3A] : memref<128x128xf32, #tpu.memory_space<vmem>>[vector<16xi32>, vector<16xi32>], vector<16xf32>,
          %iota3A_171 = tpu.iota {dimensions = array<i32: 0>} : vector<16xi32>
          %add3A_172 = arith.constant 96 : i32
          %add3A_173 = vector.broadcast %add3A_172 : i32 to vector<16xi32>
          %add3A_174 = arith.addi %add3A_173, %iota3A_171 : vector<16xi32>
          %gather3A_175 = tpu.vector_load_idx %arg6[%add3A_174, %broadcast_in_dim3A] : memref<128x128xf32, #tpu.memory_space<vmem>>[vector<16xi32>, vector<16xi32>], vector<16xf32>,
          %iota3A_176 = tpu.iota {dimensions = array<i32: 0>} : vector<16xi32>
          %add3A_177 = arith.constant 112 : i32
          %add3A_178 = vector.broadcast %add3A_177 : i32 to vector<16xi32>
          %add3A_179 = arith.addi %add3A_178, %iota3A_176 : vector<16xi32>
          %gather3A_180 = tpu.vector_load_idx %arg6[%add3A_179, %broadcast_in_dim3A] : memref<128x128xf32, #tpu.memory_space<vmem>>[vector<16xi32>, vector<16xi32>], vector<16xf32>,
          %swap3A = arith.index_cast %add3A_142 : i32 to index
          %swap3A_181 = arith.constant 0 : index
          %swap3A_182 = tpu.vector_load %arg8[%swap3A, %swap3A_181] {strides = array<i32>} : memref<128x128xf32, #tpu.memory_space<vmem>>, vector<16xf32>,
          tpu.vector_store %arg8[%swap3A, %swap3A_181], %gather3A {strides = array<i32>} : memref<128x128xf32, #tpu.memory_space<vmem>>, vector<16xf32>,
          %swap3A_183 = arith.index_cast %add3A_142 : i32 to index
          %swap3A_184 = arith.constant 16 : index
          %swap3A_185 = tpu.vector_load %arg8[%swap3A_183, %swap3A_184] {strides = array<i32>} : memref<128x128xf32, #tpu.memory_space<vmem>>, vector<16xf32>,
          tpu.vector_store %arg8[%swap3A_183, %swap3A_184], %gather3A_150 {strides = array<i32>} : memref<128x128xf32, #tpu.memory_space<vmem>>, vector<16xf32>,
          %swap3A_186 = arith.index_cast %add3A_142 : i32 to index
          %swap3A_187 = arith.constant 32 : index
          %swap3A_188 = tpu.vector_load %arg8[%swap3A_186, %swap3A_187] {strides = array<i32>} : memref<128x128xf32, #tpu.memory_space<vmem>>, vector<16xf32>,
          tpu.vector_store %arg8[%swap3A_186, %swap3A_187], %gather3A_155 {strides = array<i32>} : memref<128x128xf32, #tpu.memory_space<vmem>>, vector<16xf32>,
          %swap3A_189 = arith.index_cast %add3A_142 : i32 to index
          %swap3A_190 = arith.constant 48 : index
          %swap3A_191 = tpu.vector_load %arg8[%swap3A_189, %swap3A_190] {strides = array<i32>} : memref<128x128xf32, #tpu.memory_space<vmem>>, vector<16xf32>,
          tpu.vector_store %arg8[%swap3A_189, %swap3A_190], %gather3A_160 {strides = array<i32>} : memref<128x128xf32, #tpu.memory_space<vmem>>, vector<16xf32>,
          %swap3A_192 = arith.index_cast %add3A_142 : i32 to index
          %swap3A_193 = arith.constant 64 : index
          %swap3A_194 = tpu.vector_load %arg8[%swap3A_192, %swap3A_193] {strides = array<i32>} : memref<128x128xf32, #tpu.memory_space<vmem>>, vector<16xf32>,
          tpu.vector_store %arg8[%swap3A_192, %swap3A_193], %gather3A_165 {strides = array<i32>} : memref<128x128xf32, #tpu.memory_space<vmem>>, vector<16xf32>,
          %swap3A_195 = arith.index_cast %add3A_142 : i32 to index
          %swap3A_196 = arith.constant 80 : index
          %swap3A_197 = tpu.vector_load %arg8[%swap3A_195, %swap3A_196] {strides = array<i32>} : memref<128x128xf32, #tpu.memory_space<vmem>>, vector<16xf32>,
          tpu.vector_store %arg8[%swap3A_195, %swap3A_196], %gather3A_170 {strides = array<i32>} : memref<128x128xf32, #tpu.memory_space<vmem>>, vector<16xf32>,
          %swap3A_198 = arith.index_cast %add3A_142 : i32 to index
          %swap3A_199 = arith.constant 96 : index
          %swap3A_200 = tpu.vector_load %arg8[%swap3A_198, %swap3A_199] {strides = array<i32>} : memref<128x128xf32, #tpu.memory_space<vmem>>, vector<16xf32>,
          tpu.vector_store %arg8[%swap3A_198, %swap3A_199], %gather3A_175 {strides = array<i32>} : memref<128x128xf32, #tpu.memory_space<vmem>>, vector<16xf32>,
          %swap3A_201 = arith.index_cast %add3A_142 : i32 to index
          %swap3A_202 = arith.constant 112 : index
          %swap3A_203 = tpu.vector_load %arg8[%swap3A_201, %swap3A_202] {strides = array<i32>} : memref<128x128xf32, #tpu.memory_space<vmem>>, vector<16xf32>,
          tpu.vector_store %arg8[%swap3A_201, %swap3A_202], %gather3A_180 {strides = array<i32>} : memref<128x128xf32, #tpu.memory_space<vmem>>, vector<16xf32>,
          %mul3A_204 = arith.constant 8 : i32
          %mul3A_205 = arith.muli %mul3A_204, %scan3A_138 : i32
          %add3A_206 = arith.constant 1 : i32
          %add3A_207 = arith.addi %mul3A_205, %add3A_206 : i32
          %broadcast_in_dim3A_208 = vector.broadcast %add3A_207 : i32 to vector<16xi32>
          %iota3A_209 = tpu.iota {dimensions = array<i32: 0>} : vector<16xi32>
          %add3A_210 = arith.constant 0 : i32
          %add3A_211 = vector.broadcast %add3A_210 : i32 to vector<16xi32>
          %add3A_212 = arith.addi %add3A_211, %iota3A_209 : vector<16xi32>
          %gather3A_213 = tpu.vector_load_idx %arg6[%add3A_212, %broadcast_in_dim3A_208] : memref<128x128xf32, #tpu.memory_space<vmem>>[vector<16xi32>, vector<16xi32>], vector<16xf32>,
          %iota3A_214 = tpu.iota {dimensions = array<i32: 0>} : vector<16xi32>
          %add3A_215 = arith.constant 16 : i32
          %add3A_216 = vector.broadcast %add3A_215 : i32 to vector<16xi32>
          %add3A_217 = arith.addi %add3A_216, %iota3A_214 : vector<16xi32>
          %gather3A_218 = tpu.vector_load_idx %arg6[%add3A_217, %broadcast_in_dim3A_208] : memref<128x128xf32, #tpu.memory_space<vmem>>[vector<16xi32>, vector<16xi32>], vector<16xf32>,
          %iota3A_219 = tpu.iota {dimensions = array<i32: 0>} : vector<16xi32>
          %add3A_220 = arith.constant 32 : i32
          %add3A_221 = vector.broadcast %add3A_220 : i32 to vector<16xi32>
          %add3A_222 = arith.addi %add3A_221, %iota3A_219 : vector<16xi32>
          %gather3A_223 = tpu.vector_load_idx %arg6[%add3A_222, %broadcast_in_dim3A_208] : memref<128x128xf32, #tpu.memory_space<vmem>>[vector<16xi32>, vector<16xi32>], vector<16xf32>,
          %iota3A_224 = tpu.iota {dimensions = array<i32: 0>} : vector<16xi32>
          %add3A_225 = arith.constant 48 : i32
          %add3A_226 = vector.broadcast %add3A_225 : i32 to vector<16xi32>
          %add3A_227 = arith.addi %add3A_226, %iota3A_224 : vector<16xi32>
          %gather3A_228 = tpu.vector_load_idx %arg6[%add3A_227, %broadcast_in_dim3A_208] : memref<128x128xf32, #tpu.memory_space<vmem>>[vector<16xi32>, vector<16xi32>], vector<16xf32>,
          %iota3A_229 = tpu.iota {dimensions = array<i32: 0>} : vector<16xi32>
          %add3A_230 = arith.constant 64 : i32
          %add3A_231 = vector.broadcast %add3A_230 : i32 to vector<16xi32>
          %add3A_232 = arith.addi %add3A_231, %iota3A_229 : vector<16xi32>
          %gather3A_233 = tpu.vector_load_idx %arg6[%add3A_232, %broadcast_in_dim3A_208] : memref<128x128xf32, #tpu.memory_space<vmem>>[vector<16xi32>, vector<16xi32>], vector<16xf32>,
          %iota3A_234 = tpu.iota {dimensions = array<i32: 0>} : vector<16xi32>
          %add3A_235 = arith.constant 80 : i32
          %add3A_236 = vector.broadcast %add3A_235 : i32 to vector<16xi32>
          %add3A_237 = arith.addi %add3A_236, %iota3A_234 : vector<16xi32>
          %gather3A_238 = tpu.vector_load_idx %arg6[%add3A_237, %broadcast_in_dim3A_208] : memref<128x128xf32, #tpu.memory_space<vmem>>[vector<16xi32>, vector<16xi32>], vector<16xf32>,
          %iota3A_239 = tpu.iota {dimensions = array<i32: 0>} : vector<16xi32>
          %add3A_240 = arith.constant 96 : i32
          %add3A_241 = vector.broadcast %add3A_240 : i32 to vector<16xi32>
          %add3A_242 = arith.addi %add3A_241, %iota3A_239 : vector<16xi32>
          %gather3A_243 = tpu.vector_load_idx %arg6[%add3A_242, %broadcast_in_dim3A_208] : memref<128x128xf32, #tpu.memory_space<vmem>>[vector<16xi32>, vector<16xi32>], vector<16xf32>,
          %iota3A_244 = tpu.iota {dimensions = array<i32: 0>} : vector<16xi32>
          %add3A_245 = arith.constant 112 : i32
          %add3A_246 = vector.broadcast %add3A_245 : i32 to vector<16xi32>
          %add3A_247 = arith.addi %add3A_246, %iota3A_244 : vector<16xi32>
          %gather3A_248 = tpu.vector_load_idx %arg6[%add3A_247, %broadcast_in_dim3A_208] : memref<128x128xf32, #tpu.memory_space<vmem>>[vector<16xi32>, vector<16xi32>], vector<16xf32>,
          %swap3A_249 = arith.index_cast %add3A_207 : i32 to index
          %swap3A_250 = arith.constant 0 : index
          %swap3A_251 = tpu.vector_load %arg8[%swap3A_249, %swap3A_250] {strides = array<i32>} : memref<128x128xf32, #tpu.memory_space<vmem>>, vector<16xf32>,
          tpu.vector_store %arg8[%swap3A_249, %swap3A_250], %gather3A_213 {strides = array<i32>} : memref<128x128xf32, #tpu.memory_space<vmem>>, vector<16xf32>,
          %swap3A_252 = arith.index_cast %add3A_207 : i32 to index
          %swap3A_253 = arith.constant 16 : index
          %swap3A_254 = tpu.vector_load %arg8[%swap3A_252, %swap3A_253] {strides = array<i32>} : memref<128x128xf32, #tpu.memory_space<vmem>>, vector<16xf32>,
          tpu.vector_store %arg8[%swap3A_252, %swap3A_253], %gather3A_218 {strides = array<i32>} : memref<128x128xf32, #tpu.memory_space<vmem>>, vector<16xf32>,
          %swap3A_255 = arith.index_cast %add3A_207 : i32 to index
          %swap3A_256 = arith.constant 32 : index
          %swap3A_257 = tpu.vector_load %arg8[%swap3A_255, %swap3A_256] {strides = array<i32>} : memref<128x128xf32, #tpu.memory_space<vmem>>, vector<16xf32>,
          tpu.vector_store %arg8[%swap3A_255, %swap3A_256], %gather3A_223 {strides = array<i32>} : memref<128x128xf32, #tpu.memory_space<vmem>>, vector<16xf32>,
          %swap3A_258 = arith.index_cast %add3A_207 : i32 to index
          %swap3A_259 = arith.constant 48 : index
          %swap3A_260 = tpu.vector_load %arg8[%swap3A_258, %swap3A_259] {strides = array<i32>} : memref<128x128xf32, #tpu.memory_space<vmem>>, vector<16xf32>,
          tpu.vector_store %arg8[%swap3A_258, %swap3A_259], %gather3A_228 {strides = array<i32>} : memref<128x128xf32, #tpu.memory_space<vmem>>, vector<16xf32>,
          %swap3A_261 = arith.index_cast %add3A_207 : i32 to index
          %swap3A_262 = arith.constant 64 : index
          %swap3A_263 = tpu.vector_load %arg8[%swap3A_261, %swap3A_262] {strides = array<i32>} : memref<128x128xf32, #tpu.memory_space<vmem>>, vector<16xf32>,
          tpu.vector_store %arg8[%swap3A_261, %swap3A_262], %gather3A_233 {strides = array<i32>} : memref<128x128xf32, #tpu.memory_space<vmem>>, vector<16xf32>,
          %swap3A_264 = arith.index_cast %add3A_207 : i32 to index
          %swap3A_265 = arith.constant 80 : index
          %swap3A_266 = tpu.vector_load %arg8[%swap3A_264, %swap3A_265] {strides = array<i32>} : memref<128x128xf32, #tpu.memory_space<vmem>>, vector<16xf32>,
          tpu.vector_store %arg8[%swap3A_264, %swap3A_265], %gather3A_238 {strides = array<i32>} : memref<128x128xf32, #tpu.memory_space<vmem>>, vector<16xf32>,
          %swap3A_267 = arith.index_cast %add3A_207 : i32 to index
          %swap3A_268 = arith.constant 96 : index
          %swap3A_269 = tpu.vector_load %arg8[%swap3A_267, %swap3A_268] {strides = array<i32>} : memref<128x128xf32, #tpu.memory_space<vmem>>, vector<16xf32>,
          tpu.vector_store %arg8[%swap3A_267, %swap3A_268], %gather3A_243 {strides = array<i32>} : memref<128x128xf32, #tpu.memory_space<vmem>>, vector<16xf32>,
          %swap3A_270 = arith.index_cast %add3A_207 : i32 to index
          %swap3A_271 = arith.constant 112 : index
          %swap3A_272 = tpu.vector_load %arg8[%swap3A_270, %swap3A_271] {strides = array<i32>} : memref<128x128xf32, #tpu.memory_space<vmem>>, vector<16xf32>,
          tpu.vector_store %arg8[%swap3A_270, %swap3A_271], %gather3A_248 {strides = array<i32>} : memref<128x128xf32, #tpu.memory_space<vmem>>, vector<16xf32>,
          %mul3A_273 = arith.constant 8 : i32
          %mul3A_274 = arith.muli %mul3A_273, %scan3A_138 : i32
          %add3A_275 = arith.constant 2 : i32
          %add3A_276 = arith.addi %mul3A_274, %add3A_275 : i32
          %broadcast_in_dim3A_277 = vector.broadcast %add3A_276 : i32 to vector<16xi32>
          %iota3A_278 = tpu.iota {dimensions = array<i32: 0>} : vector<16xi32>
          %add3A_279 = arith.constant 0 : i32
          %add3A_280 = vector.broadcast %add3A_279 : i32 to vector<16xi32>
          %add3A_281 = arith.addi %add3A_280, %iota3A_278 : vector<16xi32>
          %gather3A_282 = tpu.vector_load_idx %arg6[%add3A_281, %broadcast_in_dim3A_277] : memref<128x128xf32, #tpu.memory_space<vmem>>[vector<16xi32>, vector<16xi32>], vector<16xf32>,
          %iota3A_283 = tpu.iota {dimensions = array<i32: 0>} : vector<16xi32>
          %add3A_284 = arith.constant 16 : i32
          %add3A_285 = vector.broadcast %add3A_284 : i32 to vector<16xi32>
          %add3A_286 = arith.addi %add3A_285, %iota3A_283 : vector<16xi32>
          %gather3A_287 = tpu.vector_load_idx %arg6[%add3A_286, %broadcast_in_dim3A_277] : memref<128x128xf32, #tpu.memory_space<vmem>>[vector<16xi32>, vector<16xi32>], vector<16xf32>,
          %iota3A_288 = tpu.iota {dimensions = array<i32: 0>} : vector<16xi32>
          %add3A_289 = arith.constant 32 : i32
          %add3A_290 = vector.broadcast %add3A_289 : i32 to vector<16xi32>
          %add3A_291 = arith.addi %add3A_290, %iota3A_288 : vector<16xi32>
          %gather3A_292 = tpu.vector_load_idx %arg6[%add3A_291, %broadcast_in_dim3A_277] : memref<128x128xf32, #tpu.memory_space<vmem>>[vector<16xi32>, vector<16xi32>], vector<16xf32>,
          %iota3A_293 = tpu.iota {dimensions = array<i32: 0>} : vector<16xi32>
          %add3A_294 = arith.constant 48 : i32
          %add3A_295 = vector.broadcast %add3A_294 : i32 to vector<16xi32>
          %add3A_296 = arith.addi %add3A_295, %iota3A_293 : vector<16xi32>
          %gather3A_297 = tpu.vector_load_idx %arg6[%add3A_296, %broadcast_in_dim3A_277] : memref<128x128xf32, #tpu.memory_space<vmem>>[vector<16xi32>, vector<16xi32>], vector<16xf32>,
          %iota3A_298 = tpu.iota {dimensions = array<i32: 0>} : vector<16xi32>
          %add3A_299 = arith.constant 64 : i32
          %add3A_300 = vector.broadcast %add3A_299 : i32 to vector<16xi32>
          %add3A_301 = arith.addi %add3A_300, %iota3A_298 : vector<16xi32>
          %gather3A_302 = tpu.vector_load_idx %arg6[%add3A_301, %broadcast_in_dim3A_277] : memref<128x128xf32, #tpu.memory_space<vmem>>[vector<16xi32>, vector<16xi32>], vector<16xf32>,
          %iota3A_303 = tpu.iota {dimensions = array<i32: 0>} : vector<16xi32>
          %add3A_304 = arith.constant 80 : i32
          %add3A_305 = vector.broadcast %add3A_304 : i32 to vector<16xi32>
          %add3A_306 = arith.addi %add3A_305, %iota3A_303 : vector<16xi32>
          %gather3A_307 = tpu.vector_load_idx %arg6[%add3A_306, %broadcast_in_dim3A_277] : memref<128x128xf32, #tpu.memory_space<vmem>>[vector<16xi32>, vector<16xi32>], vector<16xf32>,
          %iota3A_308 = tpu.iota {dimensions = array<i32: 0>} : vector<16xi32>
          %add3A_309 = arith.constant 96 : i32
          %add3A_310 = vector.broadcast %add3A_309 : i32 to vector<16xi32>
          %add3A_311 = arith.addi %add3A_310, %iota3A_308 : vector<16xi32>
          %gather3A_312 = tpu.vector_load_idx %arg6[%add3A_311, %broadcast_in_dim3A_277] : memref<128x128xf32, #tpu.memory_space<vmem>>[vector<16xi32>, vector<16xi32>], vector<16xf32>,
          %iota3A_313 = tpu.iota {dimensions = array<i32: 0>} : vector<16xi32>
          %add3A_314 = arith.constant 112 : i32
          %add3A_315 = vector.broadcast %add3A_314 : i32 to vector<16xi32>
          %add3A_316 = arith.addi %add3A_315, %iota3A_313 : vector<16xi32>
          %gather3A_317 = tpu.vector_load_idx %arg6[%add3A_316, %broadcast_in_dim3A_277] : memref<128x128xf32, #tpu.memory_space<vmem>>[vector<16xi32>, vector<16xi32>], vector<16xf32>,
          %swap3A_318 = arith.index_cast %add3A_276 : i32 to index
          %swap3A_319 = arith.constant 0 : index
          %swap3A_320 = tpu.vector_load %arg8[%swap3A_318, %swap3A_319] {strides = array<i32>} : memref<128x128xf32, #tpu.memory_space<vmem>>, vector<16xf32>,
          tpu.vector_store %arg8[%swap3A_318, %swap3A_319], %gather3A_282 {strides = array<i32>} : memref<128x128xf32, #tpu.memory_space<vmem>>, vector<16xf32>,
          %swap3A_321 = arith.index_cast %add3A_276 : i32 to index
          %swap3A_322 = arith.constant 16 : index
          %swap3A_323 = tpu.vector_load %arg8[%swap3A_321, %swap3A_322] {strides = array<i32>} : memref<128x128xf32, #tpu.memory_space<vmem>>, vector<16xf32>,
          tpu.vector_store %arg8[%swap3A_321, %swap3A_322], %gather3A_287 {strides = array<i32>} : memref<128x128xf32, #tpu.memory_space<vmem>>, vector<16xf32>,
          %swap3A_324 = arith.index_cast %add3A_276 : i32 to index
          %swap3A_325 = arith.constant 32 : index
          %swap3A_326 = tpu.vector_load %arg8[%swap3A_324, %swap3A_325] {strides = array<i32>} : memref<128x128xf32, #tpu.memory_space<vmem>>, vector<16xf32>,
          tpu.vector_store %arg8[%swap3A_324, %swap3A_325], %gather3A_292 {strides = array<i32>} : memref<128x128xf32, #tpu.memory_space<vmem>>, vector<16xf32>,
          %swap3A_327 = arith.index_cast %add3A_276 : i32 to index
          %swap3A_328 = arith.constant 48 : index
          %swap3A_329 = tpu.vector_load %arg8[%swap3A_327, %swap3A_328] {strides = array<i32>} : memref<128x128xf32, #tpu.memory_space<vmem>>, vector<16xf32>,
          tpu.vector_store %arg8[%swap3A_327, %swap3A_328], %gather3A_297 {strides = array<i32>} : memref<128x128xf32, #tpu.memory_space<vmem>>, vector<16xf32>,
          %swap3A_330 = arith.index_cast %add3A_276 : i32 to index
          %swap3A_331 = arith.constant 64 : index
          %swap3A_332 = tpu.vector_load %arg8[%swap3A_330, %swap3A_331] {strides = array<i32>} : memref<128x128xf32, #tpu.memory_space<vmem>>, vector<16xf32>,
          tpu.vector_store %arg8[%swap3A_330, %swap3A_331], %gather3A_302 {strides = array<i32>} : memref<128x128xf32, #tpu.memory_space<vmem>>, vector<16xf32>,
          %swap3A_333 = arith.index_cast %add3A_276 : i32 to index
          %swap3A_334 = arith.constant 80 : index
          %swap3A_335 = tpu.vector_load %arg8[%swap3A_333, %swap3A_334] {strides = array<i32>} : memref<128x128xf32, #tpu.memory_space<vmem>>, vector<16xf32>,
          tpu.vector_store %arg8[%swap3A_333, %swap3A_334], %gather3A_307 {strides = array<i32>} : memref<128x128xf32, #tpu.memory_space<vmem>>, vector<16xf32>,
          %swap3A_336 = arith.index_cast %add3A_276 : i32 to index
          %swap3A_337 = arith.constant 96 : index
          %swap3A_338 = tpu.vector_load %arg8[%swap3A_336, %swap3A_337] {strides = array<i32>} : memref<128x128xf32, #tpu.memory_space<vmem>>, vector<16xf32>,
          tpu.vector_store %arg8[%swap3A_336, %swap3A_337], %gather3A_312 {strides = array<i32>} : memref<128x128xf32, #tpu.memory_space<vmem>>, vector<16xf32>,
          %swap3A_339 = arith.index_cast %add3A_276 : i32 to index
          %swap3A_340 = arith.constant 112 : index
          %swap3A_341 = tpu.vector_load %arg8[%swap3A_339, %swap3A_340] {strides = array<i32>} : memref<128x128xf32, #tpu.memory_space<vmem>>, vector<16xf32>,
          tpu.vector_store %arg8[%swap3A_339, %swap3A_340], %gather3A_317 {strides = array<i32>} : memref<128x128xf32, #tpu.memory_space<vmem>>, vector<16xf32>,
          %mul3A_342 = arith.constant 8 : i32
          %mul3A_343 = arith.muli %mul3A_342, %scan3A_138 : i32
          %add3A_344 = arith.constant 3 : i32
          %add3A_345 = arith.addi %mul3A_343, %add3A_344 : i32
          %broadcast_in_dim3A_346 = vector.broadcast %add3A_345 : i32 to vector<16xi32>
          %iota3A_347 = tpu.iota {dimensions = array<i32: 0>} : vector<16xi32>
          %add3A_348 = arith.constant 0 : i32
          %add3A_349 = vector.broadcast %add3A_348 : i32 to vector<16xi32>
          %add3A_350 = arith.addi %add3A_349, %iota3A_347 : vector<16xi32>
          %gather3A_351 = tpu.vector_load_idx %arg6[%add3A_350, %broadcast_in_dim3A_346] : memref<128x128xf32, #tpu.memory_space<vmem>>[vector<16xi32>, vector<16xi32>], vector<16xf32>,
          %iota3A_352 = tpu.iota {dimensions = array<i32: 0>} : vector<16xi32>
          %add3A_353 = arith.constant 16 : i32
          %add3A_354 = vector.broadcast %add3A_353 : i32 to vector<16xi32>
          %add3A_355 = arith.addi %add3A_354, %iota3A_352 : vector<16xi32>
          %gather3A_356 = tpu.vector_load_idx %arg6[%add3A_355, %broadcast_in_dim3A_346] : memref<128x128xf32, #tpu.memory_space<vmem>>[vector<16xi32>, vector<16xi32>], vector<16xf32>,
          %iota3A_357 = tpu.iota {dimensions = array<i32: 0>} : vector<16xi32>
          %add3A_358 = arith.constant 32 : i32
          %add3A_359 = vector.broadcast %add3A_358 : i32 to vector<16xi32>
          %add3A_360 = arith.addi %add3A_359, %iota3A_357 : vector<16xi32>
          %gather3A_361 = tpu.vector_load_idx %arg6[%add3A_360, %broadcast_in_dim3A_346] : memref<128x128xf32, #tpu.memory_space<vmem>>[vector<16xi32>, vector<16xi32>], vector<16xf32>,
          %iota3A_362 = tpu.iota {dimensions = array<i32: 0>} : vector<16xi32>
          %add3A_363 = arith.constant 48 : i32
          %add3A_364 = vector.broadcast %add3A_363 : i32 to vector<16xi32>
          %add3A_365 = arith.addi %add3A_364, %iota3A_362 : vector<16xi32>
          %gather3A_366 = tpu.vector_load_idx %arg6[%add3A_365, %broadcast_in_dim3A_346] : memref<128x128xf32, #tpu.memory_space<vmem>>[vector<16xi32>, vector<16xi32>], vector<16xf32>,
          %iota3A_367 = tpu.iota {dimensions = array<i32: 0>} : vector<16xi32>
          %add3A_368 = arith.constant 64 : i32
          %add3A_369 = vector.broadcast %add3A_368 : i32 to vector<16xi32>
          %add3A_370 = arith.addi %add3A_369, %iota3A_367 : vector<16xi32>
          %gather3A_371 = tpu.vector_load_idx %arg6[%add3A_370, %broadcast_in_dim3A_346] : memref<128x128xf32, #tpu.memory_space<vmem>>[vector<16xi32>, vector<16xi32>], vector<16xf32>,
          %iota3A_372 = tpu.iota {dimensions = array<i32: 0>} : vector<16xi32>
          %add3A_373 = arith.constant 80 : i32
          %add3A_374 = vector.broadcast %add3A_373 : i32 to vector<16xi32>
          %add3A_375 = arith.addi %add3A_374, %iota3A_372 : vector<16xi32>
          %gather3A_376 = tpu.vector_load_idx %arg6[%add3A_375, %broadcast_in_dim3A_346] : memref<128x128xf32, #tpu.memory_space<vmem>>[vector<16xi32>, vector<16xi32>], vector<16xf32>,
          %iota3A_377 = tpu.iota {dimensions = array<i32: 0>} : vector<16xi32>
          %add3A_378 = arith.constant 96 : i32
          %add3A_379 = vector.broadcast %add3A_378 : i32 to vector<16xi32>
          %add3A_380 = arith.addi %add3A_379, %iota3A_377 : vector<16xi32>
          %gather3A_381 = tpu.vector_load_idx %arg6[%add3A_380, %broadcast_in_dim3A_346] : memref<128x128xf32, #tpu.memory_space<vmem>>[vector<16xi32>, vector<16xi32>], vector<16xf32>,
          %iota3A_382 = tpu.iota {dimensions = array<i32: 0>} : vector<16xi32>
          %add3A_383 = arith.constant 112 : i32
          %add3A_384 = vector.broadcast %add3A_383 : i32 to vector<16xi32>
          %add3A_385 = arith.addi %add3A_384, %iota3A_382 : vector<16xi32>
          %gather3A_386 = tpu.vector_load_idx %arg6[%add3A_385, %broadcast_in_dim3A_346] : memref<128x128xf32, #tpu.memory_space<vmem>>[vector<16xi32>, vector<16xi32>], vector<16xf32>,
          %swap3A_387 = arith.index_cast %add3A_345 : i32 to index
          %swap3A_388 = arith.constant 0 : index
          %swap3A_389 = tpu.vector_load %arg8[%swap3A_387, %swap3A_388] {strides = array<i32>} : memref<128x128xf32, #tpu.memory_space<vmem>>, vector<16xf32>,
          tpu.vector_store %arg8[%swap3A_387, %swap3A_388], %gather3A_351 {strides = array<i32>} : memref<128x128xf32, #tpu.memory_space<vmem>>, vector<16xf32>,
          %swap3A_390 = arith.index_cast %add3A_345 : i32 to index
          %swap3A_391 = arith.constant 16 : index
          %swap3A_392 = tpu.vector_load %arg8[%swap3A_390, %swap3A_391] {strides = array<i32>} : memref<128x128xf32, #tpu.memory_space<vmem>>, vector<16xf32>,
          tpu.vector_store %arg8[%swap3A_390, %swap3A_391], %gather3A_356 {strides = array<i32>} : memref<128x128xf32, #tpu.memory_space<vmem>>, vector<16xf32>,
          %swap3A_393 = arith.index_cast %add3A_345 : i32 to index
          %swap3A_394 = arith.constant 32 : index
          %swap3A_395 = tpu.vector_load %arg8[%swap3A_393, %swap3A_394] {strides = array<i32>} : memref<128x128xf32, #tpu.memory_space<vmem>>, vector<16xf32>,
          tpu.vector_store %arg8[%swap3A_393, %swap3A_394], %gather3A_361 {strides = array<i32>} : memref<128x128xf32, #tpu.memory_space<vmem>>, vector<16xf32>,
          %swap3A_396 = arith.index_cast %add3A_345 : i32 to index
          %swap3A_397 = arith.constant 48 : index
          %swap3A_398 = tpu.vector_load %arg8[%swap3A_396, %swap3A_397] {strides = array<i32>} : memref<128x128xf32, #tpu.memory_space<vmem>>, vector<16xf32>,
          tpu.vector_store %arg8[%swap3A_396, %swap3A_397], %gather3A_366 {strides = array<i32>} : memref<128x128xf32, #tpu.memory_space<vmem>>, vector<16xf32>,
          %swap3A_399 = arith.index_cast %add3A_345 : i32 to index
          %swap3A_400 = arith.constant 64 : index
          %swap3A_401 = tpu.vector_load %arg8[%swap3A_399, %swap3A_400] {strides = array<i32>} : memref<128x128xf32, #tpu.memory_space<vmem>>, vector<16xf32>,
          tpu.vector_store %arg8[%swap3A_399, %swap3A_400], %gather3A_371 {strides = array<i32>} : memref<128x128xf32, #tpu.memory_space<vmem>>, vector<16xf32>,
          %swap3A_402 = arith.index_cast %add3A_345 : i32 to index
          %swap3A_403 = arith.constant 80 : index
          %swap3A_404 = tpu.vector_load %arg8[%swap3A_402, %swap3A_403] {strides = array<i32>} : memref<128x128xf32, #tpu.memory_space<vmem>>, vector<16xf32>,
          tpu.vector_store %arg8[%swap3A_402, %swap3A_403], %gather3A_376 {strides = array<i32>} : memref<128x128xf32, #tpu.memory_space<vmem>>, vector<16xf32>,
          %swap3A_405 = arith.index_cast %add3A_345 : i32 to index
          %swap3A_406 = arith.constant 96 : index
          %swap3A_407 = tpu.vector_load %arg8[%swap3A_405, %swap3A_406] {strides = array<i32>} : memref<128x128xf32, #tpu.memory_space<vmem>>, vector<16xf32>,
          tpu.vector_store %arg8[%swap3A_405, %swap3A_406], %gather3A_381 {strides = array<i32>} : memref<128x128xf32, #tpu.memory_space<vmem>>, vector<16xf32>,
          %swap3A_408 = arith.index_cast %add3A_345 : i32 to index
          %swap3A_409 = arith.constant 112 : index
          %swap3A_410 = tpu.vector_load %arg8[%swap3A_408, %swap3A_409] {strides = array<i32>} : memref<128x128xf32, #tpu.memory_space<vmem>>, vector<16xf32>,
          tpu.vector_store %arg8[%swap3A_408, %swap3A_409], %gather3A_386 {strides = array<i32>} : memref<128x128xf32, #tpu.memory_space<vmem>>, vector<16xf32>,
          %mul3A_411 = arith.constant 8 : i32
          %mul3A_412 = arith.muli %mul3A_411, %scan3A_138 : i32
          %add3A_413 = arith.constant 4 : i32
          %add3A_414 = arith.addi %mul3A_412, %add3A_413 : i32
          %broadcast_in_dim3A_415 = vector.broadcast %add3A_414 : i32 to vector<16xi32>
          %iota3A_416 = tpu.iota {dimensions = array<i32: 0>} : vector<16xi32>
          %add3A_417 = arith.constant 0 : i32
          %add3A_418 = vector.broadcast %add3A_417 : i32 to vector<16xi32>
          %add3A_419 = arith.addi %add3A_418, %iota3A_416 : vector<16xi32>
          %gather3A_420 = tpu.vector_load_idx %arg6[%add3A_419, %broadcast_in_dim3A_415] : memref<128x128xf32, #tpu.memory_space<vmem>>[vector<16xi32>, vector<16xi32>], vector<16xf32>,
          %iota3A_421 = tpu.iota {dimensions = array<i32: 0>} : vector<16xi32>
          %add3A_422 = arith.constant 16 : i32
          %add3A_423 = vector.broadcast %add3A_422 : i32 to vector<16xi32>
          %add3A_424 = arith.addi %add3A_423, %iota3A_421 : vector<16xi32>
          %gather3A_425 = tpu.vector_load_idx %arg6[%add3A_424, %broadcast_in_dim3A_415] : memref<128x128xf32, #tpu.memory_space<vmem>>[vector<16xi32>, vector<16xi32>], vector<16xf32>,
          %iota3A_426 = tpu.iota {dimensions = array<i32: 0>} : vector<16xi32>
          %add3A_427 = arith.constant 32 : i32
          %add3A_428 = vector.broadcast %add3A_427 : i32 to vector<16xi32>
          %add3A_429 = arith.addi %add3A_428, %iota3A_426 : vector<16xi32>
          %gather3A_430 = tpu.vector_load_idx %arg6[%add3A_429, %broadcast_in_dim3A_415] : memref<128x128xf32, #tpu.memory_space<vmem>>[vector<16xi32>, vector<16xi32>], vector<16xf32>,
          %iota3A_431 = tpu.iota {dimensions = array<i32: 0>} : vector<16xi32>
          %add3A_432 = arith.constant 48 : i32
          %add3A_433 = vector.broadcast %add3A_432 : i32 to vector<16xi32>
          %add3A_434 = arith.addi %add3A_433, %iota3A_431 : vector<16xi32>
          %gather3A_435 = tpu.vector_load_idx %arg6[%add3A_434, %broadcast_in_dim3A_415] : memref<128x128xf32, #tpu.memory_space<vmem>>[vector<16xi32>, vector<16xi32>], vector<16xf32>,
          %iota3A_436 = tpu.iota {dimensions = array<i32: 0>} : vector<16xi32>
          %add3A_437 = arith.constant 64 : i32
          %add3A_438 = vector.broadcast %add3A_437 : i32 to vector<16xi32>
          %add3A_439 = arith.addi %add3A_438, %iota3A_436 : vector<16xi32>
          %gather3A_440 = tpu.vector_load_idx %arg6[%add3A_439, %broadcast_in_dim3A_415] : memref<128x128xf32, #tpu.memory_space<vmem>>[vector<16xi32>, vector<16xi32>], vector<16xf32>,
          %iota3A_441 = tpu.iota {dimensions = array<i32: 0>} : vector<16xi32>
          %add3A_442 = arith.constant 80 : i32
          %add3A_443 = vector.broadcast %add3A_442 : i32 to vector<16xi32>
          %add3A_444 = arith.addi %add3A_443, %iota3A_441 : vector<16xi32>
          %gather3A_445 = tpu.vector_load_idx %arg6[%add3A_444, %broadcast_in_dim3A_415] : memref<128x128xf32, #tpu.memory_space<vmem>>[vector<16xi32>, vector<16xi32>], vector<16xf32>,
          %iota3A_446 = tpu.iota {dimensions = array<i32: 0>} : vector<16xi32>
          %add3A_447 = arith.constant 96 : i32
          %add3A_448 = vector.broadcast %add3A_447 : i32 to vector<16xi32>
          %add3A_449 = arith.addi %add3A_448, %iota3A_446 : vector<16xi32>
          %gather3A_450 = tpu.vector_load_idx %arg6[%add3A_449, %broadcast_in_dim3A_415] : memref<128x128xf32, #tpu.memory_space<vmem>>[vector<16xi32>, vector<16xi32>], vector<16xf32>,
          %iota3A_451 = tpu.iota {dimensions = array<i32: 0>} : vector<16xi32>
          %add3A_452 = arith.constant 112 : i32
          %add3A_453 = vector.broadcast %add3A_452 : i32 to vector<16xi32>
          %add3A_454 = arith.addi %add3A_453, %iota3A_451 : vector<16xi32>
          %gather3A_455 = tpu.vector_load_idx %arg6[%add3A_454, %broadcast_in_dim3A_415] : memref<128x128xf32, #tpu.memory_space<vmem>>[vector<16xi32>, vector<16xi32>], vector<16xf32>,
          %swap3A_456 = arith.index_cast %add3A_414 : i32 to index
          %swap3A_457 = arith.constant 0 : index
          %swap3A_458 = tpu.vector_load %arg8[%swap3A_456, %swap3A_457] {strides = array<i32>} : memref<128x128xf32, #tpu.memory_space<vmem>>, vector<16xf32>,
          tpu.vector_store %arg8[%swap3A_456, %swap3A_457], %gather3A_420 {strides = array<i32>} : memref<128x128xf32, #tpu.memory_space<vmem>>, vector<16xf32>,
          %swap3A_459 = arith.index_cast %add3A_414 : i32 to index
          %swap3A_460 = arith.constant 16 : index
          %swap3A_461 = tpu.vector_load %arg8[%swap3A_459, %swap3A_460] {strides = array<i32>} : memref<128x128xf32, #tpu.memory_space<vmem>>, vector<16xf32>,
          tpu.vector_store %arg8[%swap3A_459, %swap3A_460], %gather3A_425 {strides = array<i32>} : memref<128x128xf32, #tpu.memory_space<vmem>>, vector<16xf32>,
          %swap3A_462 = arith.index_cast %add3A_414 : i32 to index
          %swap3A_463 = arith.constant 32 : index
          %swap3A_464 = tpu.vector_load %arg8[%swap3A_462, %swap3A_463] {strides = array<i32>} : memref<128x128xf32, #tpu.memory_space<vmem>>, vector<16xf32>,
          tpu.vector_store %arg8[%swap3A_462, %swap3A_463], %gather3A_430 {strides = array<i32>} : memref<128x128xf32, #tpu.memory_space<vmem>>, vector<16xf32>,
          %swap3A_465 = arith.index_cast %add3A_414 : i32 to index
          %swap3A_466 = arith.constant 48 : index
          %swap3A_467 = tpu.vector_load %arg8[%swap3A_465, %swap3A_466] {strides = array<i32>} : memref<128x128xf32, #tpu.memory_space<vmem>>, vector<16xf32>,
          tpu.vector_store %arg8[%swap3A_465, %swap3A_466], %gather3A_435 {strides = array<i32>} : memref<128x128xf32, #tpu.memory_space<vmem>>, vector<16xf32>,
          %swap3A_468 = arith.index_cast %add3A_414 : i32 to index
          %swap3A_469 = arith.constant 64 : index
          %swap3A_470 = tpu.vector_load %arg8[%swap3A_468, %swap3A_469] {strides = array<i32>} : memref<128x128xf32, #tpu.memory_space<vmem>>, vector<16xf32>,
          tpu.vector_store %arg8[%swap3A_468, %swap3A_469], %gather3A_440 {strides = array<i32>} : memref<128x128xf32, #tpu.memory_space<vmem>>, vector<16xf32>,
          %swap3A_471 = arith.index_cast %add3A_414 : i32 to index
          %swap3A_472 = arith.constant 80 : index
          %swap3A_473 = tpu.vector_load %arg8[%swap3A_471, %swap3A_472] {strides = array<i32>} : memref<128x128xf32, #tpu.memory_space<vmem>>, vector<16xf32>,
          tpu.vector_store %arg8[%swap3A_471, %swap3A_472], %gather3A_445 {strides = array<i32>} : memref<128x128xf32, #tpu.memory_space<vmem>>, vector<16xf32>,
          %swap3A_474 = arith.index_cast %add3A_414 : i32 to index
          %swap3A_475 = arith.constant 96 : index
          %swap3A_476 = tpu.vector_load %arg8[%swap3A_474, %swap3A_475] {strides = array<i32>} : memref<128x128xf32, #tpu.memory_space<vmem>>, vector<16xf32>,
          tpu.vector_store %arg8[%swap3A_474, %swap3A_475], %gather3A_450 {strides = array<i32>} : memref<128x128xf32, #tpu.memory_space<vmem>>, vector<16xf32>,
          %swap3A_477 = arith.index_cast %add3A_414 : i32 to index
          %swap3A_478 = arith.constant 112 : index
          %swap3A_479 = tpu.vector_load %arg8[%swap3A_477, %swap3A_478] {strides = array<i32>} : memref<128x128xf32, #tpu.memory_space<vmem>>, vector<16xf32>,
          tpu.vector_store %arg8[%swap3A_477, %swap3A_478], %gather3A_455 {strides = array<i32>} : memref<128x128xf32, #tpu.memory_space<vmem>>, vector<16xf32>,
          %mul3A_480 = arith.constant 8 : i32
          %mul3A_481 = arith.muli %mul3A_480, %scan3A_138 : i32
          %add3A_482 = arith.constant 5 : i32
          %add3A_483 = arith.addi %mul3A_481, %add3A_482 : i32
          %broadcast_in_dim3A_484 = vector.broadcast %add3A_483 : i32 to vector<16xi32>
          %iota3A_485 = tpu.iota {dimensions = array<i32: 0>} : vector<16xi32>
          %add3A_486 = arith.constant 0 : i32
          %add3A_487 = vector.broadcast %add3A_486 : i32 to vector<16xi32>
          %add3A_488 = arith.addi %add3A_487, %iota3A_485 : vector<16xi32>
          %gather3A_489 = tpu.vector_load_idx %arg6[%add3A_488, %broadcast_in_dim3A_484] : memref<128x128xf32, #tpu.memory_space<vmem>>[vector<16xi32>, vector<16xi32>], vector<16xf32>,
          %iota3A_490 = tpu.iota {dimensions = array<i32: 0>} : vector<16xi32>
          %add3A_491 = arith.constant 16 : i32
          %add3A_492 = vector.broadcast %add3A_491 : i32 to vector<16xi32>
          %add3A_493 = arith.addi %add3A_492, %iota3A_490 : vector<16xi32>
          %gather3A_494 = tpu.vector_load_idx %arg6[%add3A_493, %broadcast_in_dim3A_484] : memref<128x128xf32, #tpu.memory_space<vmem>>[vector<16xi32>, vector<16xi32>], vector<16xf32>,
          %iota3A_495 = tpu.iota {dimensions = array<i32: 0>} : vector<16xi32>
          %add3A_496 = arith.constant 32 : i32
          %add3A_497 = vector.broadcast %add3A_496 : i32 to vector<16xi32>
          %add3A_498 = arith.addi %add3A_497, %iota3A_495 : vector<16xi32>
          %gather3A_499 = tpu.vector_load_idx %arg6[%add3A_498, %broadcast_in_dim3A_484] : memref<128x128xf32, #tpu.memory_space<vmem>>[vector<16xi32>, vector<16xi32>], vector<16xf32>,
          %iota3A_500 = tpu.iota {dimensions = array<i32: 0>} : vector<16xi32>
          %add3A_501 = arith.constant 48 : i32
          %add3A_502 = vector.broadcast %add3A_501 : i32 to vector<16xi32>
          %add3A_503 = arith.addi %add3A_502, %iota3A_500 : vector<16xi32>
          %gather3A_504 = tpu.vector_load_idx %arg6[%add3A_503, %broadcast_in_dim3A_484] : memref<128x128xf32, #tpu.memory_space<vmem>>[vector<16xi32>, vector<16xi32>], vector<16xf32>,
          %iota3A_505 = tpu.iota {dimensions = array<i32: 0>} : vector<16xi32>
          %add3A_506 = arith.constant 64 : i32
          %add3A_507 = vector.broadcast %add3A_506 : i32 to vector<16xi32>
          %add3A_508 = arith.addi %add3A_507, %iota3A_505 : vector<16xi32>
          %gather3A_509 = tpu.vector_load_idx %arg6[%add3A_508, %broadcast_in_dim3A_484] : memref<128x128xf32, #tpu.memory_space<vmem>>[vector<16xi32>, vector<16xi32>], vector<16xf32>,
          %iota3A_510 = tpu.iota {dimensions = array<i32: 0>} : vector<16xi32>
          %add3A_511 = arith.constant 80 : i32
          %add3A_512 = vector.broadcast %add3A_511 : i32 to vector<16xi32>
          %add3A_513 = arith.addi %add3A_512, %iota3A_510 : vector<16xi32>
          %gather3A_514 = tpu.vector_load_idx %arg6[%add3A_513, %broadcast_in_dim3A_484] : memref<128x128xf32, #tpu.memory_space<vmem>>[vector<16xi32>, vector<16xi32>], vector<16xf32>,
          %iota3A_515 = tpu.iota {dimensions = array<i32: 0>} : vector<16xi32>
          %add3A_516 = arith.constant 96 : i32
          %add3A_517 = vector.broadcast %add3A_516 : i32 to vector<16xi32>
          %add3A_518 = arith.addi %add3A_517, %iota3A_515 : vector<16xi32>
          %gather3A_519 = tpu.vector_load_idx %arg6[%add3A_518, %broadcast_in_dim3A_484] : memref<128x128xf32, #tpu.memory_space<vmem>>[vector<16xi32>, vector<16xi32>], vector<16xf32>,
          %iota3A_520 = tpu.iota {dimensions = array<i32: 0>} : vector<16xi32>
          %add3A_521 = arith.constant 112 : i32
          %add3A_522 = vector.broadcast %add3A_521 : i32 to vector<16xi32>
          %add3A_523 = arith.addi %add3A_522, %iota3A_520 : vector<16xi32>
          %gather3A_524 = tpu.vector_load_idx %arg6[%add3A_523, %broadcast_in_dim3A_484] : memref<128x128xf32, #tpu.memory_space<vmem>>[vector<16xi32>, vector<16xi32>], vector<16xf32>,
          %swap3A_525 = arith.index_cast %add3A_483 : i32 to index
          %swap3A_526 = arith.constant 0 : index
          %swap3A_527 = tpu.vector_load %arg8[%swap3A_525, %swap3A_526] {strides = array<i32>} : memref<128x128xf32, #tpu.memory_space<vmem>>, vector<16xf32>,
          tpu.vector_store %arg8[%swap3A_525, %swap3A_526], %gather3A_489 {strides = array<i32>} : memref<128x128xf32, #tpu.memory_space<vmem>>, vector<16xf32>,
          %swap3A_528 = arith.index_cast %add3A_483 : i32 to index
          %swap3A_529 = arith.constant 16 : index
          %swap3A_530 = tpu.vector_load %arg8[%swap3A_528, %swap3A_529] {strides = array<i32>} : memref<128x128xf32, #tpu.memory_space<vmem>>, vector<16xf32>,
          tpu.vector_store %arg8[%swap3A_528, %swap3A_529], %gather3A_494 {strides = array<i32>} : memref<128x128xf32, #tpu.memory_space<vmem>>, vector<16xf32>,
          %swap3A_531 = arith.index_cast %add3A_483 : i32 to index
          %swap3A_532 = arith.constant 32 : index
          %swap3A_533 = tpu.vector_load %arg8[%swap3A_531, %swap3A_532] {strides = array<i32>} : memref<128x128xf32, #tpu.memory_space<vmem>>, vector<16xf32>,
          tpu.vector_store %arg8[%swap3A_531, %swap3A_532], %gather3A_499 {strides = array<i32>} : memref<128x128xf32, #tpu.memory_space<vmem>>, vector<16xf32>,
          %swap3A_534 = arith.index_cast %add3A_483 : i32 to index
          %swap3A_535 = arith.constant 48 : index
          %swap3A_536 = tpu.vector_load %arg8[%swap3A_534, %swap3A_535] {strides = array<i32>} : memref<128x128xf32, #tpu.memory_space<vmem>>, vector<16xf32>,
          tpu.vector_store %arg8[%swap3A_534, %swap3A_535], %gather3A_504 {strides = array<i32>} : memref<128x128xf32, #tpu.memory_space<vmem>>, vector<16xf32>,
          %swap3A_537 = arith.index_cast %add3A_483 : i32 to index
          %swap3A_538 = arith.constant 64 : index
          %swap3A_539 = tpu.vector_load %arg8[%swap3A_537, %swap3A_538] {strides = array<i32>} : memref<128x128xf32, #tpu.memory_space<vmem>>, vector<16xf32>,
          tpu.vector_store %arg8[%swap3A_537, %swap3A_538], %gather3A_509 {strides = array<i32>} : memref<128x128xf32, #tpu.memory_space<vmem>>, vector<16xf32>,
          %swap3A_540 = arith.index_cast %add3A_483 : i32 to index
          %swap3A_541 = arith.constant 80 : index
          %swap3A_542 = tpu.vector_load %arg8[%swap3A_540, %swap3A_541] {strides = array<i32>} : memref<128x128xf32, #tpu.memory_space<vmem>>, vector<16xf32>,
          tpu.vector_store %arg8[%swap3A_540, %swap3A_541], %gather3A_514 {strides = array<i32>} : memref<128x128xf32, #tpu.memory_space<vmem>>, vector<16xf32>,
          %swap3A_543 = arith.index_cast %add3A_483 : i32 to index
          %swap3A_544 = arith.constant 96 : index
          %swap3A_545 = tpu.vector_load %arg8[%swap3A_543, %swap3A_544] {strides = array<i32>} : memref<128x128xf32, #tpu.memory_space<vmem>>, vector<16xf32>,
          tpu.vector_store %arg8[%swap3A_543, %swap3A_544], %gather3A_519 {strides = array<i32>} : memref<128x128xf32, #tpu.memory_space<vmem>>, vector<16xf32>,
          %swap3A_546 = arith.index_cast %add3A_483 : i32 to index
          %swap3A_547 = arith.constant 112 : index
          %swap3A_548 = tpu.vector_load %arg8[%swap3A_546, %swap3A_547] {strides = array<i32>} : memref<128x128xf32, #tpu.memory_space<vmem>>, vector<16xf32>,
          tpu.vector_store %arg8[%swap3A_546, %swap3A_547], %gather3A_524 {strides = array<i32>} : memref<128x128xf32, #tpu.memory_space<vmem>>, vector<16xf32>,
          %mul3A_549 = arith.constant 8 : i32
          %mul3A_550 = arith.muli %mul3A_549, %scan3A_138 : i32
          %add3A_551 = arith.constant 6 : i32
          %add3A_552 = arith.addi %mul3A_550, %add3A_551 : i32
          %broadcast_in_dim3A_553 = vector.broadcast %add3A_552 : i32 to vector<16xi32>
          %iota3A_554 = tpu.iota {dimensions = array<i32: 0>} : vector<16xi32>
          %add3A_555 = arith.constant 0 : i32
          %add3A_556 = vector.broadcast %add3A_555 : i32 to vector<16xi32>
          %add3A_557 = arith.addi %add3A_556, %iota3A_554 : vector<16xi32>
          %gather3A_558 = tpu.vector_load_idx %arg6[%add3A_557, %broadcast_in_dim3A_553] : memref<128x128xf32, #tpu.memory_space<vmem>>[vector<16xi32>, vector<16xi32>], vector<16xf32>,
          %iota3A_559 = tpu.iota {dimensions = array<i32: 0>} : vector<16xi32>
          %add3A_560 = arith.constant 16 : i32
          %add3A_561 = vector.broadcast %add3A_560 : i32 to vector<16xi32>
          %add3A_562 = arith.addi %add3A_561, %iota3A_559 : vector<16xi32>
          %gather3A_563 = tpu.vector_load_idx %arg6[%add3A_562, %broadcast_in_dim3A_553] : memref<128x128xf32, #tpu.memory_space<vmem>>[vector<16xi32>, vector<16xi32>], vector<16xf32>,
          %iota3A_564 = tpu.iota {dimensions = array<i32: 0>} : vector<16xi32>
          %add3A_565 = arith.constant 32 : i32
          %add3A_566 = vector.broadcast %add3A_565 : i32 to vector<16xi32>
          %add3A_567 = arith.addi %add3A_566, %iota3A_564 : vector<16xi32>
          %gather3A_568 = tpu.vector_load_idx %arg6[%add3A_567, %broadcast_in_dim3A_553] : memref<128x128xf32, #tpu.memory_space<vmem>>[vector<16xi32>, vector<16xi32>], vector<16xf32>,
          %iota3A_569 = tpu.iota {dimensions = array<i32: 0>} : vector<16xi32>
          %add3A_570 = arith.constant 48 : i32
          %add3A_571 = vector.broadcast %add3A_570 : i32 to vector<16xi32>
          %add3A_572 = arith.addi %add3A_571, %iota3A_569 : vector<16xi32>
          %gather3A_573 = tpu.vector_load_idx %arg6[%add3A_572, %broadcast_in_dim3A_553] : memref<128x128xf32, #tpu.memory_space<vmem>>[vector<16xi32>, vector<16xi32>], vector<16xf32>,
          %iota3A_574 = tpu.iota {dimensions = array<i32: 0>} : vector<16xi32>
          %add3A_575 = arith.constant 64 : i32
          %add3A_576 = vector.broadcast %add3A_575 : i32 to vector<16xi32>
          %add3A_577 = arith.addi %add3A_576, %iota3A_574 : vector<16xi32>
          %gather3A_578 = tpu.vector_load_idx %arg6[%add3A_577, %broadcast_in_dim3A_553] : memref<128x128xf32, #tpu.memory_space<vmem>>[vector<16xi32>, vector<16xi32>], vector<16xf32>,
          %iota3A_579 = tpu.iota {dimensions = array<i32: 0>} : vector<16xi32>
          %add3A_580 = arith.constant 80 : i32
          %add3A_581 = vector.broadcast %add3A_580 : i32 to vector<16xi32>
          %add3A_582 = arith.addi %add3A_581, %iota3A_579 : vector<16xi32>
          %gather3A_583 = tpu.vector_load_idx %arg6[%add3A_582, %broadcast_in_dim3A_553] : memref<128x128xf32, #tpu.memory_space<vmem>>[vector<16xi32>, vector<16xi32>], vector<16xf32>,
          %iota3A_584 = tpu.iota {dimensions = array<i32: 0>} : vector<16xi32>
          %add3A_585 = arith.constant 96 : i32
          %add3A_586 = vector.broadcast %add3A_585 : i32 to vector<16xi32>
          %add3A_587 = arith.addi %add3A_586, %iota3A_584 : vector<16xi32>
          %gather3A_588 = tpu.vector_load_idx %arg6[%add3A_587, %broadcast_in_dim3A_553] : memref<128x128xf32, #tpu.memory_space<vmem>>[vector<16xi32>, vector<16xi32>], vector<16xf32>,
          %iota3A_589 = tpu.iota {dimensions = array<i32: 0>} : vector<16xi32>
          %add3A_590 = arith.constant 112 : i32
          %add3A_591 = vector.broadcast %add3A_590 : i32 to vector<16xi32>
          %add3A_592 = arith.addi %add3A_591, %iota3A_589 : vector<16xi32>
          %gather3A_593 = tpu.vector_load_idx %arg6[%add3A_592, %broadcast_in_dim3A_553] : memref<128x128xf32, #tpu.memory_space<vmem>>[vector<16xi32>, vector<16xi32>], vector<16xf32>,
          %swap3A_594 = arith.index_cast %add3A_552 : i32 to index
          %swap3A_595 = arith.constant 0 : index
          %swap3A_596 = tpu.vector_load %arg8[%swap3A_594, %swap3A_595] {strides = array<i32>} : memref<128x128xf32, #tpu.memory_space<vmem>>, vector<16xf32>,
          tpu.vector_store %arg8[%swap3A_594, %swap3A_595], %gather3A_558 {strides = array<i32>} : memref<128x128xf32, #tpu.memory_space<vmem>>, vector<16xf32>,
          %swap3A_597 = arith.index_cast %add3A_552 : i32 to index
          %swap3A_598 = arith.constant 16 : index
          %swap3A_599 = tpu.vector_load %arg8[%swap3A_597, %swap3A_598] {strides = array<i32>} : memref<128x128xf32, #tpu.memory_space<vmem>>, vector<16xf32>,
          tpu.vector_store %arg8[%swap3A_597, %swap3A_598], %gather3A_563 {strides = array<i32>} : memref<128x128xf32, #tpu.memory_space<vmem>>, vector<16xf32>,
          %swap3A_600 = arith.index_cast %add3A_552 : i32 to index
          %swap3A_601 = arith.constant 32 : index
          %swap3A_602 = tpu.vector_load %arg8[%swap3A_600, %swap3A_601] {strides = array<i32>} : memref<128x128xf32, #tpu.memory_space<vmem>>, vector<16xf32>,
          tpu.vector_store %arg8[%swap3A_600, %swap3A_601], %gather3A_568 {strides = array<i32>} : memref<128x128xf32, #tpu.memory_space<vmem>>, vector<16xf32>,
          %swap3A_603 = arith.index_cast %add3A_552 : i32 to index
          %swap3A_604 = arith.constant 48 : index
          %swap3A_605 = tpu.vector_load %arg8[%swap3A_603, %swap3A_604] {strides = array<i32>} : memref<128x128xf32, #tpu.memory_space<vmem>>, vector<16xf32>,
          tpu.vector_store %arg8[%swap3A_603, %swap3A_604], %gather3A_573 {strides = array<i32>} : memref<128x128xf32, #tpu.memory_space<vmem>>, vector<16xf32>,
          %swap3A_606 = arith.index_cast %add3A_552 : i32 to index
          %swap3A_607 = arith.constant 64 : index
          %swap3A_608 = tpu.vector_load %arg8[%swap3A_606, %swap3A_607] {strides = array<i32>} : memref<128x128xf32, #tpu.memory_space<vmem>>, vector<16xf32>,
          tpu.vector_store %arg8[%swap3A_606, %swap3A_607], %gather3A_578 {strides = array<i32>} : memref<128x128xf32, #tpu.memory_space<vmem>>, vector<16xf32>,
          %swap3A_609 = arith.index_cast %add3A_552 : i32 to index
          %swap3A_610 = arith.constant 80 : index
          %swap3A_611 = tpu.vector_load %arg8[%swap3A_609, %swap3A_610] {strides = array<i32>} : memref<128x128xf32, #tpu.memory_space<vmem>>, vector<16xf32>,
          tpu.vector_store %arg8[%swap3A_609, %swap3A_610], %gather3A_583 {strides = array<i32>} : memref<128x128xf32, #tpu.memory_space<vmem>>, vector<16xf32>,
          %swap3A_612 = arith.index_cast %add3A_552 : i32 to index
          %swap3A_613 = arith.constant 96 : index
          %swap3A_614 = tpu.vector_load %arg8[%swap3A_612, %swap3A_613] {strides = array<i32>} : memref<128x128xf32, #tpu.memory_space<vmem>>, vector<16xf32>,
          tpu.vector_store %arg8[%swap3A_612, %swap3A_613], %gather3A_588 {strides = array<i32>} : memref<128x128xf32, #tpu.memory_space<vmem>>, vector<16xf32>,
          %swap3A_615 = arith.index_cast %add3A_552 : i32 to index
          %swap3A_616 = arith.constant 112 : index
          %swap3A_617 = tpu.vector_load %arg8[%swap3A_615, %swap3A_616] {strides = array<i32>} : memref<128x128xf32, #tpu.memory_space<vmem>>, vector<16xf32>,
          tpu.vector_store %arg8[%swap3A_615, %swap3A_616], %gather3A_593 {strides = array<i32>} : memref<128x128xf32, #tpu.memory_space<vmem>>, vector<16xf32>,
          %mul3A_618 = arith.constant 8 : i32
          %mul3A_619 = arith.muli %mul3A_618, %scan3A_138 : i32
          %add3A_620 = arith.constant 7 : i32
          %add3A_621 = arith.addi %mul3A_619, %add3A_620 : i32
          %broadcast_in_dim3A_622 = vector.broadcast %add3A_621 : i32 to vector<16xi32>
          %iota3A_623 = tpu.iota {dimensions = array<i32: 0>} : vector<16xi32>
          %add3A_624 = arith.constant 0 : i32
          %add3A_625 = vector.broadcast %add3A_624 : i32 to vector<16xi32>
          %add3A_626 = arith.addi %add3A_625, %iota3A_623 : vector<16xi32>
          %gather3A_627 = tpu.vector_load_idx %arg6[%add3A_626, %broadcast_in_dim3A_622] : memref<128x128xf32, #tpu.memory_space<vmem>>[vector<16xi32>, vector<16xi32>], vector<16xf32>,
          %iota3A_628 = tpu.iota {dimensions = array<i32: 0>} : vector<16xi32>
          %add3A_629 = arith.constant 16 : i32
          %add3A_630 = vector.broadcast %add3A_629 : i32 to vector<16xi32>
          %add3A_631 = arith.addi %add3A_630, %iota3A_628 : vector<16xi32>
          %gather3A_632 = tpu.vector_load_idx %arg6[%add3A_631, %broadcast_in_dim3A_622] : memref<128x128xf32, #tpu.memory_space<vmem>>[vector<16xi32>, vector<16xi32>], vector<16xf32>,
          %iota3A_633 = tpu.iota {dimensions = array<i32: 0>} : vector<16xi32>
          %add3A_634 = arith.constant 32 : i32
          %add3A_635 = vector.broadcast %add3A_634 : i32 to vector<16xi32>
          %add3A_636 = arith.addi %add3A_635, %iota3A_633 : vector<16xi32>
          %gather3A_637 = tpu.vector_load_idx %arg6[%add3A_636, %broadcast_in_dim3A_622] : memref<128x128xf32, #tpu.memory_space<vmem>>[vector<16xi32>, vector<16xi32>], vector<16xf32>,
          %iota3A_638 = tpu.iota {dimensions = array<i32: 0>} : vector<16xi32>
          %add3A_639 = arith.constant 48 : i32
          %add3A_640 = vector.broadcast %add3A_639 : i32 to vector<16xi32>
          %add3A_641 = arith.addi %add3A_640, %iota3A_638 : vector<16xi32>
          %gather3A_642 = tpu.vector_load_idx %arg6[%add3A_641, %broadcast_in_dim3A_622] : memref<128x128xf32, #tpu.memory_space<vmem>>[vector<16xi32>, vector<16xi32>], vector<16xf32>,
          %iota3A_643 = tpu.iota {dimensions = array<i32: 0>} : vector<16xi32>
          %add3A_644 = arith.constant 64 : i32
          %add3A_645 = vector.broadcast %add3A_644 : i32 to vector<16xi32>
          %add3A_646 = arith.addi %add3A_645, %iota3A_643 : vector<16xi32>
          %gather3A_647 = tpu.vector_load_idx %arg6[%add3A_646, %broadcast_in_dim3A_622] : memref<128x128xf32, #tpu.memory_space<vmem>>[vector<16xi32>, vector<16xi32>], vector<16xf32>,
          %iota3A_648 = tpu.iota {dimensions = array<i32: 0>} : vector<16xi32>
          %add3A_649 = arith.constant 80 : i32
          %add3A_650 = vector.broadcast %add3A_649 : i32 to vector<16xi32>
          %add3A_651 = arith.addi %add3A_650, %iota3A_648 : vector<16xi32>
          %gather3A_652 = tpu.vector_load_idx %arg6[%add3A_651, %broadcast_in_dim3A_622] : memref<128x128xf32, #tpu.memory_space<vmem>>[vector<16xi32>, vector<16xi32>], vector<16xf32>,
          %iota3A_653 = tpu.iota {dimensions = array<i32: 0>} : vector<16xi32>
          %add3A_654 = arith.constant 96 : i32
          %add3A_655 = vector.broadcast %add3A_654 : i32 to vector<16xi32>
          %add3A_656 = arith.addi %add3A_655, %iota3A_653 : vector<16xi32>
          %gather3A_657 = tpu.vector_load_idx %arg6[%add3A_656, %broadcast_in_dim3A_622] : memref<128x128xf32, #tpu.memory_space<vmem>>[vector<16xi32>, vector<16xi32>], vector<16xf32>,
          %iota3A_658 = tpu.iota {dimensions = array<i32: 0>} : vector<16xi32>
          %add3A_659 = arith.constant 112 : i32
          %add3A_660 = vector.broadcast %add3A_659 : i32 to vector<16xi32>
          %add3A_661 = arith.addi %add3A_660, %iota3A_658 : vector<16xi32>
          %gather3A_662 = tpu.vector_load_idx %arg6[%add3A_661, %broadcast_in_dim3A_622] : memref<128x128xf32, #tpu.memory_space<vmem>>[vector<16xi32>, vector<16xi32>], vector<16xf32>,
          %swap3A_663 = arith.index_cast %add3A_621 : i32 to index
          %swap3A_664 = arith.constant 0 : index
          %swap3A_665 = tpu.vector_load %arg8[%swap3A_663, %swap3A_664] {strides = array<i32>} : memref<128x128xf32, #tpu.memory_space<vmem>>, vector<16xf32>,
          tpu.vector_store %arg8[%swap3A_663, %swap3A_664], %gather3A_627 {strides = array<i32>} : memref<128x128xf32, #tpu.memory_space<vmem>>, vector<16xf32>,
          %swap3A_666 = arith.index_cast %add3A_621 : i32 to index
          %swap3A_667 = arith.constant 16 : index
          %swap3A_668 = tpu.vector_load %arg8[%swap3A_666, %swap3A_667] {strides = array<i32>} : memref<128x128xf32, #tpu.memory_space<vmem>>, vector<16xf32>,
          tpu.vector_store %arg8[%swap3A_666, %swap3A_667], %gather3A_632 {strides = array<i32>} : memref<128x128xf32, #tpu.memory_space<vmem>>, vector<16xf32>,
          %swap3A_669 = arith.index_cast %add3A_621 : i32 to index
          %swap3A_670 = arith.constant 32 : index
          %swap3A_671 = tpu.vector_load %arg8[%swap3A_669, %swap3A_670] {strides = array<i32>} : memref<128x128xf32, #tpu.memory_space<vmem>>, vector<16xf32>,
          tpu.vector_store %arg8[%swap3A_669, %swap3A_670], %gather3A_637 {strides = array<i32>} : memref<128x128xf32, #tpu.memory_space<vmem>>, vector<16xf32>,
          %swap3A_672 = arith.index_cast %add3A_621 : i32 to index
          %swap3A_673 = arith.constant 48 : index
          %swap3A_674 = tpu.vector_load %arg8[%swap3A_672, %swap3A_673] {strides = array<i32>} : memref<128x128xf32, #tpu.memory_space<vmem>>, vector<16xf32>,
          tpu.vector_store %arg8[%swap3A_672, %swap3A_673], %gather3A_642 {strides = array<i32>} : memref<128x128xf32, #tpu.memory_space<vmem>>, vector<16xf32>,
          %swap3A_675 = arith.index_cast %add3A_621 : i32 to index
          %swap3A_676 = arith.constant 64 : index
          %swap3A_677 = tpu.vector_load %arg8[%swap3A_675, %swap3A_676] {strides = array<i32>} : memref<128x128xf32, #tpu.memory_space<vmem>>, vector<16xf32>,
          tpu.vector_store %arg8[%swap3A_675, %swap3A_676], %gather3A_647 {strides = array<i32>} : memref<128x128xf32, #tpu.memory_space<vmem>>, vector<16xf32>,
          %swap3A_678 = arith.index_cast %add3A_621 : i32 to index
          %swap3A_679 = arith.constant 80 : index
          %swap3A_680 = tpu.vector_load %arg8[%swap3A_678, %swap3A_679] {strides = array<i32>} : memref<128x128xf32, #tpu.memory_space<vmem>>, vector<16xf32>,
          tpu.vector_store %arg8[%swap3A_678, %swap3A_679], %gather3A_652 {strides = array<i32>} : memref<128x128xf32, #tpu.memory_space<vmem>>, vector<16xf32>,
          %swap3A_681 = arith.index_cast %add3A_621 : i32 to index
          %swap3A_682 = arith.constant 96 : index
          %swap3A_683 = tpu.vector_load %arg8[%swap3A_681, %swap3A_682] {strides = array<i32>} : memref<128x128xf32, #tpu.memory_space<vmem>>, vector<16xf32>,
          tpu.vector_store %arg8[%swap3A_681, %swap3A_682], %gather3A_657 {strides = array<i32>} : memref<128x128xf32, #tpu.memory_space<vmem>>, vector<16xf32>,
          %swap3A_684 = arith.index_cast %add3A_621 : i32 to index
          %swap3A_685 = arith.constant 112 : index
          %swap3A_686 = tpu.vector_load %arg8[%swap3A_684, %swap3A_685] {strides = array<i32>} : memref<128x128xf32, #tpu.memory_space<vmem>>, vector<16xf32>,
          tpu.vector_store %arg8[%swap3A_684, %swap3A_685], %gather3A_662 {strides = array<i32>} : memref<128x128xf32, #tpu.memory_space<vmem>>, vector<16xf32>,
        }
        %scan3A_131 = arith.constant 16 : i32
        %mul3A_132 = arith.constant 128 : i32
        %mul3A_133 = arith.muli %add3A_101, %mul3A_132 : i32
        %dma_start3A_134 = arith.constant 0 : i32
        %dma_start3A_135 = tpu.memref_slice %arg4[%dma_start3A_134, %mul3A_133] : memref<144x320000xf32, #tpu.memory_space<hbm>> -> memref<128x128xf32, #tpu.memory_space<hbm>>
        %dma_start3A_136 = arith.constant 0 : i32
        %dma_start3A_137 = tpu.memref_slice %arg4[%dma_start3A_136, %mul3A_133] : memref<144x320000xf32, #tpu.memory_space<hbm>> -> memref<128x128xf32, #tpu.memory_space<hbm>>
        tpu.enqueue_dma source(%arg8 : memref<128x128xf32, #tpu.memory_space<vmem>>) target(%dma_start3A_137 : memref<128x128xf32, #tpu.memory_space<hbm>>) target_semaphore(%arg12 : memref<!tpu.dma_semaphore, #tpu.memory_space<semaphore_mem>>)
      } else {
      }
      %add3A_105 = arith.constant 1 : i32
      %add3A_106 = arith.addi %add3A_101, %add3A_105 : i32
      %lt3A_107 = arith.cmpi slt, %add3A_106, %select_n3A_46 : i32
      %convert_element_type3A_108 = arith.extui %lt3A_107 : i1 to i32
      %cond3A_109 = arith.constant 0 : i32
      %cond3A_110 = arith.cmpi ne, %convert_element_type3A_108, %cond3A_109 : i32
      scf.if %cond3A_110 {
        %dma_wait3A = arith.constant 0 : i32
        %dma_wait3A_111 = tpu.memref_slice %arg5[%dma_wait3A] : memref<10112xi32, #tpu.memory_space<vmem>> -> memref<128xi32, #tpu.memory_space<vmem>>
        %dma_wait3A_112 = arith.constant 0 : i32
        %dma_wait3A_113 = arith.constant 0 : i32
        %dma_wait3A_114 = tpu.memref_slice %arg2[%dma_wait3A_112, %dma_wait3A_113] : memref<10000x128xf32, #tpu.memory_space<hbm>> -> memref<10000x128xf32, #tpu.memory_space<hbm>>
        tpu.wait_indirect_dma semaphore(%arg11 : memref<!tpu.dma_semaphore, #tpu.memory_space<semaphore_mem>>) src(%dma_wait3A_114 : memref<10000x128xf32, #tpu.memory_space<hbm>>) dst(%arg7 : memref<128x128xf32, #tpu.memory_space<vmem>>)
        %add3A_115 = arith.constant 1 : i32
        %add3A_116 = arith.addi %add3A_106, %add3A_115 : i32
        %lt3A_117 = arith.cmpi slt, %add3A_116, %select_n3A_46 : i32
        %convert_element_type3A_118 = arith.extui %lt3A_117 : i1 to i32
        %cond3A_119 = arith.constant 0 : i32
        %cond3A_120 = arith.cmpi ne, %convert_element_type3A_118, %cond3A_119 : i32
        scf.if %cond3A_120 {
          %add3A_138 = arith.constant 1 : i32
          %add3A_139 = arith.addi %add3A_106, %add3A_138 : i32
          %sub3A_140 = arith.subi %add3A_139, %select_n3A : i32
          %mul3A_141 = arith.constant 128 : i32
          %mul3A_142 = arith.muli %sub3A_140, %mul3A_141 : i32
          %dma_start3A_143 = tpu.memref_slice %arg5[%mul3A_142] : memref<10112xi32, #tpu.memory_space<vmem>> -> memref<128xi32, #tpu.memory_space<vmem>>
          %dma_start3A_144 = arith.constant 0 : i32
          %dma_start3A_145 = arith.constant 0 : i32
          %dma_start3A_146 = tpu.memref_slice %arg2[%dma_start3A_144, %dma_start3A_145] : memref<10000x128xf32, #tpu.memory_space<hbm>> -> memref<10000x128xf32, #tpu.memory_space<hbm>>
          tpu.enqueue_indirect_dma source(%dma_start3A_146 : memref<10000x128xf32, #tpu.memory_space<hbm>>) target(%arg6 : memref<128x128xf32, #tpu.memory_space<vmem>>) offsets(%dma_start3A_143 : memref<128xi32, #tpu.memory_space<vmem>>) semaphore(%arg10 : memref<!tpu.dma_semaphore, #tpu.memory_space<semaphore_mem>>)
        } else {
        }
        %add3A_121 = arith.constant 2 : i32
        %add3A_122 = arith.addi %select_n3A, %add3A_121 : i32
        %ge3A_123 = arith.cmpi sge, %add3A_106, %add3A_122 : i32
        %convert_element_type3A_124 = arith.extui %ge3A_123 : i1 to i32
        %cond3A_125 = arith.constant 0 : i32
        %cond3A_126 = arith.cmpi ne, %convert_element_type3A_124, %cond3A_125 : i32
        scf.if %cond3A_126 {
          %mul3A_138 = arith.constant 128 : i32
          %mul3A_139 = arith.muli %add3A_106, %mul3A_138 : i32
          %dma_wait3A_140 = arith.constant 0 : i32
          %dma_wait3A_141 = tpu.memref_slice %arg4[%dma_wait3A_140, %mul3A_139] : memref<144x320000xf32, #tpu.memory_space<hbm>> -> memref<128x128xf32, #tpu.memory_space<hbm>>
          %dma_wait3A_142 = arith.constant 0 : i32
          %dma_wait3A_143 = tpu.memref_slice %arg4[%dma_wait3A_142, %mul3A_139] : memref<144x320000xf32, #tpu.memory_space<hbm>> -> memref<128x128xf32, #tpu.memory_space<hbm>>
          tpu.wait_dma2 semaphore(%arg13 : memref<!tpu.dma_semaphore, #tpu.memory_space<semaphore_mem>>) src(%arg9 : memref<128x128xf32, #tpu.memory_space<vmem>>) dst(%dma_wait3A_143 : memref<128x128xf32, #tpu.memory_space<hbm>>)
        } else {
        }
        %scan3A = arith.constant 0 : i32
        %scan3A_127 = arith.constant 0 : i32
        %scan3A_128 = arith.constant 16 : i32
        %scan3A_129 = arith.addi %scan3A_127, %scan3A_128 : i32
        %scan3A_130 = arith.constant 1 : i32
        scf.for %scan3A_138 = %scan3A_127 to %scan3A_129 step %scan3A_130  : i32 {
          %mul3A_139 = arith.constant 8 : i32
          %mul3A_140 = arith.muli %mul3A_139, %scan3A_138 : i32
          %add3A_141 = arith.constant 0 : i32
          %add3A_142 = arith.addi %mul3A_140, %add3A_141 : i32
          %broadcast_in_dim3A = vector.broadcast %add3A_142 : i32 to vector<16xi32>
          %iota3A = tpu.iota {dimensions = array<i32: 0>} : vector<16xi32>
          %add3A_143 = arith.constant 0 : i32
          %add3A_144 = vector.broadcast %add3A_143 : i32 to vector<16xi32>
          %add3A_145 = arith.addi %add3A_144, %iota3A : vector<16xi32>
          %gather3A = tpu.vector_load_idx %arg7[%add3A_145, %broadcast_in_dim3A] : memref<128x128xf32, #tpu.memory_space<vmem>>[vector<16xi32>, vector<16xi32>], vector<16xf32>,
          %iota3A_146 = tpu.iota {dimensions = array<i32: 0>} : vector<16xi32>
          %add3A_147 = arith.constant 16 : i32
          %add3A_148 = vector.broadcast %add3A_147 : i32 to vector<16xi32>
          %add3A_149 = arith.addi %add3A_148, %iota3A_146 : vector<16xi32>
          %gather3A_150 = tpu.vector_load_idx %arg7[%add3A_149, %broadcast_in_dim3A] : memref<128x128xf32, #tpu.memory_space<vmem>>[vector<16xi32>, vector<16xi32>], vector<16xf32>,
          %iota3A_151 = tpu.iota {dimensions = array<i32: 0>} : vector<16xi32>
          %add3A_152 = arith.constant 32 : i32
          %add3A_153 = vector.broadcast %add3A_152 : i32 to vector<16xi32>
          %add3A_154 = arith.addi %add3A_153, %iota3A_151 : vector<16xi32>
          %gather3A_155 = tpu.vector_load_idx %arg7[%add3A_154, %broadcast_in_dim3A] : memref<128x128xf32, #tpu.memory_space<vmem>>[vector<16xi32>, vector<16xi32>], vector<16xf32>,
          %iota3A_156 = tpu.iota {dimensions = array<i32: 0>} : vector<16xi32>
          %add3A_157 = arith.constant 48 : i32
          %add3A_158 = vector.broadcast %add3A_157 : i32 to vector<16xi32>
          %add3A_159 = arith.addi %add3A_158, %iota3A_156 : vector<16xi32>
          %gather3A_160 = tpu.vector_load_idx %arg7[%add3A_159, %broadcast_in_dim3A] : memref<128x128xf32, #tpu.memory_space<vmem>>[vector<16xi32>, vector<16xi32>], vector<16xf32>,
          %iota3A_161 = tpu.iota {dimensions = array<i32: 0>} : vector<16xi32>
          %add3A_162 = arith.constant 64 : i32
          %add3A_163 = vector.broadcast %add3A_162 : i32 to vector<16xi32>
          %add3A_164 = arith.addi %add3A_163, %iota3A_161 : vector<16xi32>
          %gather3A_165 = tpu.vector_load_idx %arg7[%add3A_164, %broadcast_in_dim3A] : memref<128x128xf32, #tpu.memory_space<vmem>>[vector<16xi32>, vector<16xi32>], vector<16xf32>,
          %iota3A_166 = tpu.iota {dimensions = array<i32: 0>} : vector<16xi32>
          %add3A_167 = arith.constant 80 : i32
          %add3A_168 = vector.broadcast %add3A_167 : i32 to vector<16xi32>
          %add3A_169 = arith.addi %add3A_168, %iota3A_166 : vector<16xi32>
          %gather3A_170 = tpu.vector_load_idx %arg7[%add3A_169, %broadcast_in_dim3A] : memref<128x128xf32, #tpu.memory_space<vmem>>[vector<16xi32>, vector<16xi32>], vector<16xf32>,
          %iota3A_171 = tpu.iota {dimensions = array<i32: 0>} : vector<16xi32>
          %add3A_172 = arith.constant 96 : i32
          %add3A_173 = vector.broadcast %add3A_172 : i32 to vector<16xi32>
          %add3A_174 = arith.addi %add3A_173, %iota3A_171 : vector<16xi32>
          %gather3A_175 = tpu.vector_load_idx %arg7[%add3A_174, %broadcast_in_dim3A] : memref<128x128xf32, #tpu.memory_space<vmem>>[vector<16xi32>, vector<16xi32>], vector<16xf32>,
          %iota3A_176 = tpu.iota {dimensions = array<i32: 0>} : vector<16xi32>
          %add3A_177 = arith.constant 112 : i32
          %add3A_178 = vector.broadcast %add3A_177 : i32 to vector<16xi32>
          %add3A_179 = arith.addi %add3A_178, %iota3A_176 : vector<16xi32>
          %gather3A_180 = tpu.vector_load_idx %arg7[%add3A_179, %broadcast_in_dim3A] : memref<128x128xf32, #tpu.memory_space<vmem>>[vector<16xi32>, vector<16xi32>], vector<16xf32>,
          %swap3A = arith.index_cast %add3A_142 : i32 to index
          %swap3A_181 = arith.constant 0 : index
          %swap3A_182 = tpu.vector_load %arg9[%swap3A, %swap3A_181] {strides = array<i32>} : memref<128x128xf32, #tpu.memory_space<vmem>>, vector<16xf32>,
          tpu.vector_store %arg9[%swap3A, %swap3A_181], %gather3A {strides = array<i32>} : memref<128x128xf32, #tpu.memory_space<vmem>>, vector<16xf32>,
          %swap3A_183 = arith.index_cast %add3A_142 : i32 to index
          %swap3A_184 = arith.constant 16 : index
          %swap3A_185 = tpu.vector_load %arg9[%swap3A_183, %swap3A_184] {strides = array<i32>} : memref<128x128xf32, #tpu.memory_space<vmem>>, vector<16xf32>,
          tpu.vector_store %arg9[%swap3A_183, %swap3A_184], %gather3A_150 {strides = array<i32>} : memref<128x128xf32, #tpu.memory_space<vmem>>, vector<16xf32>,
          %swap3A_186 = arith.index_cast %add3A_142 : i32 to index
          %swap3A_187 = arith.constant 32 : index
          %swap3A_188 = tpu.vector_load %arg9[%swap3A_186, %swap3A_187] {strides = array<i32>} : memref<128x128xf32, #tpu.memory_space<vmem>>, vector<16xf32>,
          tpu.vector_store %arg9[%swap3A_186, %swap3A_187], %gather3A_155 {strides = array<i32>} : memref<128x128xf32, #tpu.memory_space<vmem>>, vector<16xf32>,
          %swap3A_189 = arith.index_cast %add3A_142 : i32 to index
          %swap3A_190 = arith.constant 48 : index
          %swap3A_191 = tpu.vector_load %arg9[%swap3A_189, %swap3A_190] {strides = array<i32>} : memref<128x128xf32, #tpu.memory_space<vmem>>, vector<16xf32>,
          tpu.vector_store %arg9[%swap3A_189, %swap3A_190], %gather3A_160 {strides = array<i32>} : memref<128x128xf32, #tpu.memory_space<vmem>>, vector<16xf32>,
          %swap3A_192 = arith.index_cast %add3A_142 : i32 to index
          %swap3A_193 = arith.constant 64 : index
          %swap3A_194 = tpu.vector_load %arg9[%swap3A_192, %swap3A_193] {strides = array<i32>} : memref<128x128xf32, #tpu.memory_space<vmem>>, vector<16xf32>,
          tpu.vector_store %arg9[%swap3A_192, %swap3A_193], %gather3A_165 {strides = array<i32>} : memref<128x128xf32, #tpu.memory_space<vmem>>, vector<16xf32>,
          %swap3A_195 = arith.index_cast %add3A_142 : i32 to index
          %swap3A_196 = arith.constant 80 : index
          %swap3A_197 = tpu.vector_load %arg9[%swap3A_195, %swap3A_196] {strides = array<i32>} : memref<128x128xf32, #tpu.memory_space<vmem>>, vector<16xf32>,
          tpu.vector_store %arg9[%swap3A_195, %swap3A_196], %gather3A_170 {strides = array<i32>} : memref<128x128xf32, #tpu.memory_space<vmem>>, vector<16xf32>,
          %swap3A_198 = arith.index_cast %add3A_142 : i32 to index
          %swap3A_199 = arith.constant 96 : index
          %swap3A_200 = tpu.vector_load %arg9[%swap3A_198, %swap3A_199] {strides = array<i32>} : memref<128x128xf32, #tpu.memory_space<vmem>>, vector<16xf32>,
          tpu.vector_store %arg9[%swap3A_198, %swap3A_199], %gather3A_175 {strides = array<i32>} : memref<128x128xf32, #tpu.memory_space<vmem>>, vector<16xf32>,
          %swap3A_201 = arith.index_cast %add3A_142 : i32 to index
          %swap3A_202 = arith.constant 112 : index
          %swap3A_203 = tpu.vector_load %arg9[%swap3A_201, %swap3A_202] {strides = array<i32>} : memref<128x128xf32, #tpu.memory_space<vmem>>, vector<16xf32>,
          tpu.vector_store %arg9[%swap3A_201, %swap3A_202], %gather3A_180 {strides = array<i32>} : memref<128x128xf32, #tpu.memory_space<vmem>>, vector<16xf32>,
          %mul3A_204 = arith.constant 8 : i32
          %mul3A_205 = arith.muli %mul3A_204, %scan3A_138 : i32
          %add3A_206 = arith.constant 1 : i32
          %add3A_207 = arith.addi %mul3A_205, %add3A_206 : i32
          %broadcast_in_dim3A_208 = vector.broadcast %add3A_207 : i32 to vector<16xi32>
          %iota3A_209 = tpu.iota {dimensions = array<i32: 0>} : vector<16xi32>
          %add3A_210 = arith.constant 0 : i32
          %add3A_211 = vector.broadcast %add3A_210 : i32 to vector<16xi32>
          %add3A_212 = arith.addi %add3A_211, %iota3A_209 : vector<16xi32>
          %gather3A_213 = tpu.vector_load_idx %arg7[%add3A_212, %broadcast_in_dim3A_208] : memref<128x128xf32, #tpu.memory_space<vmem>>[vector<16xi32>, vector<16xi32>], vector<16xf32>,
          %iota3A_214 = tpu.iota {dimensions = array<i32: 0>} : vector<16xi32>
          %add3A_215 = arith.constant 16 : i32
          %add3A_216 = vector.broadcast %add3A_215 : i32 to vector<16xi32>
          %add3A_217 = arith.addi %add3A_216, %iota3A_214 : vector<16xi32>
          %gather3A_218 = tpu.vector_load_idx %arg7[%add3A_217, %broadcast_in_dim3A_208] : memref<128x128xf32, #tpu.memory_space<vmem>>[vector<16xi32>, vector<16xi32>], vector<16xf32>,
          %iota3A_219 = tpu.iota {dimensions = array<i32: 0>} : vector<16xi32>
          %add3A_220 = arith.constant 32 : i32
          %add3A_221 = vector.broadcast %add3A_220 : i32 to vector<16xi32>
          %add3A_222 = arith.addi %add3A_221, %iota3A_219 : vector<16xi32>
          %gather3A_223 = tpu.vector_load_idx %arg7[%add3A_222, %broadcast_in_dim3A_208] : memref<128x128xf32, #tpu.memory_space<vmem>>[vector<16xi32>, vector<16xi32>], vector<16xf32>,
          %iota3A_224 = tpu.iota {dimensions = array<i32: 0>} : vector<16xi32>
          %add3A_225 = arith.constant 48 : i32
          %add3A_226 = vector.broadcast %add3A_225 : i32 to vector<16xi32>
          %add3A_227 = arith.addi %add3A_226, %iota3A_224 : vector<16xi32>
          %gather3A_228 = tpu.vector_load_idx %arg7[%add3A_227, %broadcast_in_dim3A_208] : memref<128x128xf32, #tpu.memory_space<vmem>>[vector<16xi32>, vector<16xi32>], vector<16xf32>,
          %iota3A_229 = tpu.iota {dimensions = array<i32: 0>} : vector<16xi32>
          %add3A_230 = arith.constant 64 : i32
          %add3A_231 = vector.broadcast %add3A_230 : i32 to vector<16xi32>
          %add3A_232 = arith.addi %add3A_231, %iota3A_229 : vector<16xi32>
          %gather3A_233 = tpu.vector_load_idx %arg7[%add3A_232, %broadcast_in_dim3A_208] : memref<128x128xf32, #tpu.memory_space<vmem>>[vector<16xi32>, vector<16xi32>], vector<16xf32>,
          %iota3A_234 = tpu.iota {dimensions = array<i32: 0>} : vector<16xi32>
          %add3A_235 = arith.constant 80 : i32
          %add3A_236 = vector.broadcast %add3A_235 : i32 to vector<16xi32>
          %add3A_237 = arith.addi %add3A_236, %iota3A_234 : vector<16xi32>
          %gather3A_238 = tpu.vector_load_idx %arg7[%add3A_237, %broadcast_in_dim3A_208] : memref<128x128xf32, #tpu.memory_space<vmem>>[vector<16xi32>, vector<16xi32>], vector<16xf32>,
          %iota3A_239 = tpu.iota {dimensions = array<i32: 0>} : vector<16xi32>
          %add3A_240 = arith.constant 96 : i32
          %add3A_241 = vector.broadcast %add3A_240 : i32 to vector<16xi32>
          %add3A_242 = arith.addi %add3A_241, %iota3A_239 : vector<16xi32>
          %gather3A_243 = tpu.vector_load_idx %arg7[%add3A_242, %broadcast_in_dim3A_208] : memref<128x128xf32, #tpu.memory_space<vmem>>[vector<16xi32>, vector<16xi32>], vector<16xf32>,
          %iota3A_244 = tpu.iota {dimensions = array<i32: 0>} : vector<16xi32>
          %add3A_245 = arith.constant 112 : i32
          %add3A_246 = vector.broadcast %add3A_245 : i32 to vector<16xi32>
          %add3A_247 = arith.addi %add3A_246, %iota3A_244 : vector<16xi32>
          %gather3A_248 = tpu.vector_load_idx %arg7[%add3A_247, %broadcast_in_dim3A_208] : memref<128x128xf32, #tpu.memory_space<vmem>>[vector<16xi32>, vector<16xi32>], vector<16xf32>,
          %swap3A_249 = arith.index_cast %add3A_207 : i32 to index
          %swap3A_250 = arith.constant 0 : index
          %swap3A_251 = tpu.vector_load %arg9[%swap3A_249, %swap3A_250] {strides = array<i32>} : memref<128x128xf32, #tpu.memory_space<vmem>>, vector<16xf32>,
          tpu.vector_store %arg9[%swap3A_249, %swap3A_250], %gather3A_213 {strides = array<i32>} : memref<128x128xf32, #tpu.memory_space<vmem>>, vector<16xf32>,
          %swap3A_252 = arith.index_cast %add3A_207 : i32 to index
          %swap3A_253 = arith.constant 16 : index
          %swap3A_254 = tpu.vector_load %arg9[%swap3A_252, %swap3A_253] {strides = array<i32>} : memref<128x128xf32, #tpu.memory_space<vmem>>, vector<16xf32>,
          tpu.vector_store %arg9[%swap3A_252, %swap3A_253], %gather3A_218 {strides = array<i32>} : memref<128x128xf32, #tpu.memory_space<vmem>>, vector<16xf32>,
          %swap3A_255 = arith.index_cast %add3A_207 : i32 to index
          %swap3A_256 = arith.constant 32 : index
          %swap3A_257 = tpu.vector_load %arg9[%swap3A_255, %swap3A_256] {strides = array<i32>} : memref<128x128xf32, #tpu.memory_space<vmem>>, vector<16xf32>,
          tpu.vector_store %arg9[%swap3A_255, %swap3A_256], %gather3A_223 {strides = array<i32>} : memref<128x128xf32, #tpu.memory_space<vmem>>, vector<16xf32>,
          %swap3A_258 = arith.index_cast %add3A_207 : i32 to index
          %swap3A_259 = arith.constant 48 : index
          %swap3A_260 = tpu.vector_load %arg9[%swap3A_258, %swap3A_259] {strides = array<i32>} : memref<128x128xf32, #tpu.memory_space<vmem>>, vector<16xf32>,
          tpu.vector_store %arg9[%swap3A_258, %swap3A_259], %gather3A_228 {strides = array<i32>} : memref<128x128xf32, #tpu.memory_space<vmem>>, vector<16xf32>,
          %swap3A_261 = arith.index_cast %add3A_207 : i32 to index
          %swap3A_262 = arith.constant 64 : index
          %swap3A_263 = tpu.vector_load %arg9[%swap3A_261, %swap3A_262] {strides = array<i32>} : memref<128x128xf32, #tpu.memory_space<vmem>>, vector<16xf32>,
          tpu.vector_store %arg9[%swap3A_261, %swap3A_262], %gather3A_233 {strides = array<i32>} : memref<128x128xf32, #tpu.memory_space<vmem>>, vector<16xf32>,
          %swap3A_264 = arith.index_cast %add3A_207 : i32 to index
          %swap3A_265 = arith.constant 80 : index
          %swap3A_266 = tpu.vector_load %arg9[%swap3A_264, %swap3A_265] {strides = array<i32>} : memref<128x128xf32, #tpu.memory_space<vmem>>, vector<16xf32>,
          tpu.vector_store %arg9[%swap3A_264, %swap3A_265], %gather3A_238 {strides = array<i32>} : memref<128x128xf32, #tpu.memory_space<vmem>>, vector<16xf32>,
          %swap3A_267 = arith.index_cast %add3A_207 : i32 to index
          %swap3A_268 = arith.constant 96 : index
          %swap3A_269 = tpu.vector_load %arg9[%swap3A_267, %swap3A_268] {strides = array<i32>} : memref<128x128xf32, #tpu.memory_space<vmem>>, vector<16xf32>,
          tpu.vector_store %arg9[%swap3A_267, %swap3A_268], %gather3A_243 {strides = array<i32>} : memref<128x128xf32, #tpu.memory_space<vmem>>, vector<16xf32>,
          %swap3A_270 = arith.index_cast %add3A_207 : i32 to index
          %swap3A_271 = arith.constant 112 : index
          %swap3A_272 = tpu.vector_load %arg9[%swap3A_270, %swap3A_271] {strides = array<i32>} : memref<128x128xf32, #tpu.memory_space<vmem>>, vector<16xf32>,
          tpu.vector_store %arg9[%swap3A_270, %swap3A_271], %gather3A_248 {strides = array<i32>} : memref<128x128xf32, #tpu.memory_space<vmem>>, vector<16xf32>,
          %mul3A_273 = arith.constant 8 : i32
          %mul3A_274 = arith.muli %mul3A_273, %scan3A_138 : i32
          %add3A_275 = arith.constant 2 : i32
          %add3A_276 = arith.addi %mul3A_274, %add3A_275 : i32
          %broadcast_in_dim3A_277 = vector.broadcast %add3A_276 : i32 to vector<16xi32>
          %iota3A_278 = tpu.iota {dimensions = array<i32: 0>} : vector<16xi32>
          %add3A_279 = arith.constant 0 : i32
          %add3A_280 = vector.broadcast %add3A_279 : i32 to vector<16xi32>
          %add3A_281 = arith.addi %add3A_280, %iota3A_278 : vector<16xi32>
          %gather3A_282 = tpu.vector_load_idx %arg7[%add3A_281, %broadcast_in_dim3A_277] : memref<128x128xf32, #tpu.memory_space<vmem>>[vector<16xi32>, vector<16xi32>], vector<16xf32>,
          %iota3A_283 = tpu.iota {dimensions = array<i32: 0>} : vector<16xi32>
          %add3A_284 = arith.constant 16 : i32
          %add3A_285 = vector.broadcast %add3A_284 : i32 to vector<16xi32>
          %add3A_286 = arith.addi %add3A_285, %iota3A_283 : vector<16xi32>
          %gather3A_287 = tpu.vector_load_idx %arg7[%add3A_286, %broadcast_in_dim3A_277] : memref<128x128xf32, #tpu.memory_space<vmem>>[vector<16xi32>, vector<16xi32>], vector<16xf32>,
          %iota3A_288 = tpu.iota {dimensions = array<i32: 0>} : vector<16xi32>
          %add3A_289 = arith.constant 32 : i32
          %add3A_290 = vector.broadcast %add3A_289 : i32 to vector<16xi32>
          %add3A_291 = arith.addi %add3A_290, %iota3A_288 : vector<16xi32>
          %gather3A_292 = tpu.vector_load_idx %arg7[%add3A_291, %broadcast_in_dim3A_277] : memref<128x128xf32, #tpu.memory_space<vmem>>[vector<16xi32>, vector<16xi32>], vector<16xf32>,
          %iota3A_293 = tpu.iota {dimensions = array<i32: 0>} : vector<16xi32>
          %add3A_294 = arith.constant 48 : i32
          %add3A_295 = vector.broadcast %add3A_294 : i32 to vector<16xi32>
          %add3A_296 = arith.addi %add3A_295, %iota3A_293 : vector<16xi32>
          %gather3A_297 = tpu.vector_load_idx %arg7[%add3A_296, %broadcast_in_dim3A_277] : memref<128x128xf32, #tpu.memory_space<vmem>>[vector<16xi32>, vector<16xi32>], vector<16xf32>,
          %iota3A_298 = tpu.iota {dimensions = array<i32: 0>} : vector<16xi32>
          %add3A_299 = arith.constant 64 : i32
          %add3A_300 = vector.broadcast %add3A_299 : i32 to vector<16xi32>
          %add3A_301 = arith.addi %add3A_300, %iota3A_298 : vector<16xi32>
          %gather3A_302 = tpu.vector_load_idx %arg7[%add3A_301, %broadcast_in_dim3A_277] : memref<128x128xf32, #tpu.memory_space<vmem>>[vector<16xi32>, vector<16xi32>], vector<16xf32>,
          %iota3A_303 = tpu.iota {dimensions = array<i32: 0>} : vector<16xi32>
          %add3A_304 = arith.constant 80 : i32
          %add3A_305 = vector.broadcast %add3A_304 : i32 to vector<16xi32>
          %add3A_306 = arith.addi %add3A_305, %iota3A_303 : vector<16xi32>
          %gather3A_307 = tpu.vector_load_idx %arg7[%add3A_306, %broadcast_in_dim3A_277] : memref<128x128xf32, #tpu.memory_space<vmem>>[vector<16xi32>, vector<16xi32>], vector<16xf32>,
          %iota3A_308 = tpu.iota {dimensions = array<i32: 0>} : vector<16xi32>
          %add3A_309 = arith.constant 96 : i32
          %add3A_310 = vector.broadcast %add3A_309 : i32 to vector<16xi32>
          %add3A_311 = arith.addi %add3A_310, %iota3A_308 : vector<16xi32>
          %gather3A_312 = tpu.vector_load_idx %arg7[%add3A_311, %broadcast_in_dim3A_277] : memref<128x128xf32, #tpu.memory_space<vmem>>[vector<16xi32>, vector<16xi32>], vector<16xf32>,
          %iota3A_313 = tpu.iota {dimensions = array<i32: 0>} : vector<16xi32>
          %add3A_314 = arith.constant 112 : i32
          %add3A_315 = vector.broadcast %add3A_314 : i32 to vector<16xi32>
          %add3A_316 = arith.addi %add3A_315, %iota3A_313 : vector<16xi32>
          %gather3A_317 = tpu.vector_load_idx %arg7[%add3A_316, %broadcast_in_dim3A_277] : memref<128x128xf32, #tpu.memory_space<vmem>>[vector<16xi32>, vector<16xi32>], vector<16xf32>,
          %swap3A_318 = arith.index_cast %add3A_276 : i32 to index
          %swap3A_319 = arith.constant 0 : index
          %swap3A_320 = tpu.vector_load %arg9[%swap3A_318, %swap3A_319] {strides = array<i32>} : memref<128x128xf32, #tpu.memory_space<vmem>>, vector<16xf32>,
          tpu.vector_store %arg9[%swap3A_318, %swap3A_319], %gather3A_282 {strides = array<i32>} : memref<128x128xf32, #tpu.memory_space<vmem>>, vector<16xf32>,
          %swap3A_321 = arith.index_cast %add3A_276 : i32 to index
          %swap3A_322 = arith.constant 16 : index
          %swap3A_323 = tpu.vector_load %arg9[%swap3A_321, %swap3A_322] {strides = array<i32>} : memref<128x128xf32, #tpu.memory_space<vmem>>, vector<16xf32>,
          tpu.vector_store %arg9[%swap3A_321, %swap3A_322], %gather3A_287 {strides = array<i32>} : memref<128x128xf32, #tpu.memory_space<vmem>>, vector<16xf32>,
          %swap3A_324 = arith.index_cast %add3A_276 : i32 to index
          %swap3A_325 = arith.constant 32 : index
          %swap3A_326 = tpu.vector_load %arg9[%swap3A_324, %swap3A_325] {strides = array<i32>} : memref<128x128xf32, #tpu.memory_space<vmem>>, vector<16xf32>,
          tpu.vector_store %arg9[%swap3A_324, %swap3A_325], %gather3A_292 {strides = array<i32>} : memref<128x128xf32, #tpu.memory_space<vmem>>, vector<16xf32>,
          %swap3A_327 = arith.index_cast %add3A_276 : i32 to index
          %swap3A_328 = arith.constant 48 : index
          %swap3A_329 = tpu.vector_load %arg9[%swap3A_327, %swap3A_328] {strides = array<i32>} : memref<128x128xf32, #tpu.memory_space<vmem>>, vector<16xf32>,
          tpu.vector_store %arg9[%swap3A_327, %swap3A_328], %gather3A_297 {strides = array<i32>} : memref<128x128xf32, #tpu.memory_space<vmem>>, vector<16xf32>,
          %swap3A_330 = arith.index_cast %add3A_276 : i32 to index
          %swap3A_331 = arith.constant 64 : index
          %swap3A_332 = tpu.vector_load %arg9[%swap3A_330, %swap3A_331] {strides = array<i32>} : memref<128x128xf32, #tpu.memory_space<vmem>>, vector<16xf32>,
          tpu.vector_store %arg9[%swap3A_330, %swap3A_331], %gather3A_302 {strides = array<i32>} : memref<128x128xf32, #tpu.memory_space<vmem>>, vector<16xf32>,
          %swap3A_333 = arith.index_cast %add3A_276 : i32 to index
          %swap3A_334 = arith.constant 80 : index
          %swap3A_335 = tpu.vector_load %arg9[%swap3A_333, %swap3A_334] {strides = array<i32>} : memref<128x128xf32, #tpu.memory_space<vmem>>, vector<16xf32>,
          tpu.vector_store %arg9[%swap3A_333, %swap3A_334], %gather3A_307 {strides = array<i32>} : memref<128x128xf32, #tpu.memory_space<vmem>>, vector<16xf32>,
          %swap3A_336 = arith.index_cast %add3A_276 : i32 to index
          %swap3A_337 = arith.constant 96 : index
          %swap3A_338 = tpu.vector_load %arg9[%swap3A_336, %swap3A_337] {strides = array<i32>} : memref<128x128xf32, #tpu.memory_space<vmem>>, vector<16xf32>,
          tpu.vector_store %arg9[%swap3A_336, %swap3A_337], %gather3A_312 {strides = array<i32>} : memref<128x128xf32, #tpu.memory_space<vmem>>, vector<16xf32>,
          %swap3A_339 = arith.index_cast %add3A_276 : i32 to index
          %swap3A_340 = arith.constant 112 : index
          %swap3A_341 = tpu.vector_load %arg9[%swap3A_339, %swap3A_340] {strides = array<i32>} : memref<128x128xf32, #tpu.memory_space<vmem>>, vector<16xf32>,
          tpu.vector_store %arg9[%swap3A_339, %swap3A_340], %gather3A_317 {strides = array<i32>} : memref<128x128xf32, #tpu.memory_space<vmem>>, vector<16xf32>,
          %mul3A_342 = arith.constant 8 : i32
          %mul3A_343 = arith.muli %mul3A_342, %scan3A_138 : i32
          %add3A_344 = arith.constant 3 : i32
          %add3A_345 = arith.addi %mul3A_343, %add3A_344 : i32
          %broadcast_in_dim3A_346 = vector.broadcast %add3A_345 : i32 to vector<16xi32>
          %iota3A_347 = tpu.iota {dimensions = array<i32: 0>} : vector<16xi32>
          %add3A_348 = arith.constant 0 : i32
          %add3A_349 = vector.broadcast %add3A_348 : i32 to vector<16xi32>
          %add3A_350 = arith.addi %add3A_349, %iota3A_347 : vector<16xi32>
          %gather3A_351 = tpu.vector_load_idx %arg7[%add3A_350, %broadcast_in_dim3A_346] : memref<128x128xf32, #tpu.memory_space<vmem>>[vector<16xi32>, vector<16xi32>], vector<16xf32>,
          %iota3A_352 = tpu.iota {dimensions = array<i32: 0>} : vector<16xi32>
          %add3A_353 = arith.constant 16 : i32
          %add3A_354 = vector.broadcast %add3A_353 : i32 to vector<16xi32>
          %add3A_355 = arith.addi %add3A_354, %iota3A_352 : vector<16xi32>
          %gather3A_356 = tpu.vector_load_idx %arg7[%add3A_355, %broadcast_in_dim3A_346] : memref<128x128xf32, #tpu.memory_space<vmem>>[vector<16xi32>, vector<16xi32>], vector<16xf32>,
          %iota3A_357 = tpu.iota {dimensions = array<i32: 0>} : vector<16xi32>
          %add3A_358 = arith.constant 32 : i32
          %add3A_359 = vector.broadcast %add3A_358 : i32 to vector<16xi32>
          %add3A_360 = arith.addi %add3A_359, %iota3A_357 : vector<16xi32>
          %gather3A_361 = tpu.vector_load_idx %arg7[%add3A_360, %broadcast_in_dim3A_346] : memref<128x128xf32, #tpu.memory_space<vmem>>[vector<16xi32>, vector<16xi32>], vector<16xf32>,
          %iota3A_362 = tpu.iota {dimensions = array<i32: 0>} : vector<16xi32>
          %add3A_363 = arith.constant 48 : i32
          %add3A_364 = vector.broadcast %add3A_363 : i32 to vector<16xi32>
          %add3A_365 = arith.addi %add3A_364, %iota3A_362 : vector<16xi32>
          %gather3A_366 = tpu.vector_load_idx %arg7[%add3A_365, %broadcast_in_dim3A_346] : memref<128x128xf32, #tpu.memory_space<vmem>>[vector<16xi32>, vector<16xi32>], vector<16xf32>,
          %iota3A_367 = tpu.iota {dimensions = array<i32: 0>} : vector<16xi32>
          %add3A_368 = arith.constant 64 : i32
          %add3A_369 = vector.broadcast %add3A_368 : i32 to vector<16xi32>
          %add3A_370 = arith.addi %add3A_369, %iota3A_367 : vector<16xi32>
          %gather3A_371 = tpu.vector_load_idx %arg7[%add3A_370, %broadcast_in_dim3A_346] : memref<128x128xf32, #tpu.memory_space<vmem>>[vector<16xi32>, vector<16xi32>], vector<16xf32>,
          %iota3A_372 = tpu.iota {dimensions = array<i32: 0>} : vector<16xi32>
          %add3A_373 = arith.constant 80 : i32
          %add3A_374 = vector.broadcast %add3A_373 : i32 to vector<16xi32>
          %add3A_375 = arith.addi %add3A_374, %iota3A_372 : vector<16xi32>
          %gather3A_376 = tpu.vector_load_idx %arg7[%add3A_375, %broadcast_in_dim3A_346] : memref<128x128xf32, #tpu.memory_space<vmem>>[vector<16xi32>, vector<16xi32>], vector<16xf32>,
          %iota3A_377 = tpu.iota {dimensions = array<i32: 0>} : vector<16xi32>
          %add3A_378 = arith.constant 96 : i32
          %add3A_379 = vector.broadcast %add3A_378 : i32 to vector<16xi32>
          %add3A_380 = arith.addi %add3A_379, %iota3A_377 : vector<16xi32>
          %gather3A_381 = tpu.vector_load_idx %arg7[%add3A_380, %broadcast_in_dim3A_346] : memref<128x128xf32, #tpu.memory_space<vmem>>[vector<16xi32>, vector<16xi32>], vector<16xf32>,
          %iota3A_382 = tpu.iota {dimensions = array<i32: 0>} : vector<16xi32>
          %add3A_383 = arith.constant 112 : i32
          %add3A_384 = vector.broadcast %add3A_383 : i32 to vector<16xi32>
          %add3A_385 = arith.addi %add3A_384, %iota3A_382 : vector<16xi32>
          %gather3A_386 = tpu.vector_load_idx %arg7[%add3A_385, %broadcast_in_dim3A_346] : memref<128x128xf32, #tpu.memory_space<vmem>>[vector<16xi32>, vector<16xi32>], vector<16xf32>,
          %swap3A_387 = arith.index_cast %add3A_345 : i32 to index
          %swap3A_388 = arith.constant 0 : index
          %swap3A_389 = tpu.vector_load %arg9[%swap3A_387, %swap3A_388] {strides = array<i32>} : memref<128x128xf32, #tpu.memory_space<vmem>>, vector<16xf32>,
          tpu.vector_store %arg9[%swap3A_387, %swap3A_388], %gather3A_351 {strides = array<i32>} : memref<128x128xf32, #tpu.memory_space<vmem>>, vector<16xf32>,
          %swap3A_390 = arith.index_cast %add3A_345 : i32 to index
          %swap3A_391 = arith.constant 16 : index
          %swap3A_392 = tpu.vector_load %arg9[%swap3A_390, %swap3A_391] {strides = array<i32>} : memref<128x128xf32, #tpu.memory_space<vmem>>, vector<16xf32>,
          tpu.vector_store %arg9[%swap3A_390, %swap3A_391], %gather3A_356 {strides = array<i32>} : memref<128x128xf32, #tpu.memory_space<vmem>>, vector<16xf32>,
          %swap3A_393 = arith.index_cast %add3A_345 : i32 to index
          %swap3A_394 = arith.constant 32 : index
          %swap3A_395 = tpu.vector_load %arg9[%swap3A_393, %swap3A_394] {strides = array<i32>} : memref<128x128xf32, #tpu.memory_space<vmem>>, vector<16xf32>,
          tpu.vector_store %arg9[%swap3A_393, %swap3A_394], %gather3A_361 {strides = array<i32>} : memref<128x128xf32, #tpu.memory_space<vmem>>, vector<16xf32>,
          %swap3A_396 = arith.index_cast %add3A_345 : i32 to index
          %swap3A_397 = arith.constant 48 : index
          %swap3A_398 = tpu.vector_load %arg9[%swap3A_396, %swap3A_397] {strides = array<i32>} : memref<128x128xf32, #tpu.memory_space<vmem>>, vector<16xf32>,
          tpu.vector_store %arg9[%swap3A_396, %swap3A_397], %gather3A_366 {strides = array<i32>} : memref<128x128xf32, #tpu.memory_space<vmem>>, vector<16xf32>,
          %swap3A_399 = arith.index_cast %add3A_345 : i32 to index
          %swap3A_400 = arith.constant 64 : index
          %swap3A_401 = tpu.vector_load %arg9[%swap3A_399, %swap3A_400] {strides = array<i32>} : memref<128x128xf32, #tpu.memory_space<vmem>>, vector<16xf32>,
          tpu.vector_store %arg9[%swap3A_399, %swap3A_400], %gather3A_371 {strides = array<i32>} : memref<128x128xf32, #tpu.memory_space<vmem>>, vector<16xf32>,
          %swap3A_402 = arith.index_cast %add3A_345 : i32 to index
          %swap3A_403 = arith.constant 80 : index
          %swap3A_404 = tpu.vector_load %arg9[%swap3A_402, %swap3A_403] {strides = array<i32>} : memref<128x128xf32, #tpu.memory_space<vmem>>, vector<16xf32>,
          tpu.vector_store %arg9[%swap3A_402, %swap3A_403], %gather3A_376 {strides = array<i32>} : memref<128x128xf32, #tpu.memory_space<vmem>>, vector<16xf32>,
          %swap3A_405 = arith.index_cast %add3A_345 : i32 to index
          %swap3A_406 = arith.constant 96 : index
          %swap3A_407 = tpu.vector_load %arg9[%swap3A_405, %swap3A_406] {strides = array<i32>} : memref<128x128xf32, #tpu.memory_space<vmem>>, vector<16xf32>,
          tpu.vector_store %arg9[%swap3A_405, %swap3A_406], %gather3A_381 {strides = array<i32>} : memref<128x128xf32, #tpu.memory_space<vmem>>, vector<16xf32>,
          %swap3A_408 = arith.index_cast %add3A_345 : i32 to index
          %swap3A_409 = arith.constant 112 : index
          %swap3A_410 = tpu.vector_load %arg9[%swap3A_408, %swap3A_409] {strides = array<i32>} : memref<128x128xf32, #tpu.memory_space<vmem>>, vector<16xf32>,
          tpu.vector_store %arg9[%swap3A_408, %swap3A_409], %gather3A_386 {strides = array<i32>} : memref<128x128xf32, #tpu.memory_space<vmem>>, vector<16xf32>,
          %mul3A_411 = arith.constant 8 : i32
          %mul3A_412 = arith.muli %mul3A_411, %scan3A_138 : i32
          %add3A_413 = arith.constant 4 : i32
          %add3A_414 = arith.addi %mul3A_412, %add3A_413 : i32
          %broadcast_in_dim3A_415 = vector.broadcast %add3A_414 : i32 to vector<16xi32>
          %iota3A_416 = tpu.iota {dimensions = array<i32: 0>} : vector<16xi32>
          %add3A_417 = arith.constant 0 : i32
          %add3A_418 = vector.broadcast %add3A_417 : i32 to vector<16xi32>
          %add3A_419 = arith.addi %add3A_418, %iota3A_416 : vector<16xi32>
          %gather3A_420 = tpu.vector_load_idx %arg7[%add3A_419, %broadcast_in_dim3A_415] : memref<128x128xf32, #tpu.memory_space<vmem>>[vector<16xi32>, vector<16xi32>], vector<16xf32>,
          %iota3A_421 = tpu.iota {dimensions = array<i32: 0>} : vector<16xi32>
          %add3A_422 = arith.constant 16 : i32
          %add3A_423 = vector.broadcast %add3A_422 : i32 to vector<16xi32>
          %add3A_424 = arith.addi %add3A_423, %iota3A_421 : vector<16xi32>
          %gather3A_425 = tpu.vector_load_idx %arg7[%add3A_424, %broadcast_in_dim3A_415] : memref<128x128xf32, #tpu.memory_space<vmem>>[vector<16xi32>, vector<16xi32>], vector<16xf32>,
          %iota3A_426 = tpu.iota {dimensions = array<i32: 0>} : vector<16xi32>
          %add3A_427 = arith.constant 32 : i32
          %add3A_428 = vector.broadcast %add3A_427 : i32 to vector<16xi32>
          %add3A_429 = arith.addi %add3A_428, %iota3A_426 : vector<16xi32>
          %gather3A_430 = tpu.vector_load_idx %arg7[%add3A_429, %broadcast_in_dim3A_415] : memref<128x128xf32, #tpu.memory_space<vmem>>[vector<16xi32>, vector<16xi32>], vector<16xf32>,
          %iota3A_431 = tpu.iota {dimensions = array<i32: 0>} : vector<16xi32>
          %add3A_432 = arith.constant 48 : i32
          %add3A_433 = vector.broadcast %add3A_432 : i32 to vector<16xi32>
          %add3A_434 = arith.addi %add3A_433, %iota3A_431 : vector<16xi32>
          %gather3A_435 = tpu.vector_load_idx %arg7[%add3A_434, %broadcast_in_dim3A_415] : memref<128x128xf32, #tpu.memory_space<vmem>>[vector<16xi32>, vector<16xi32>], vector<16xf32>,
          %iota3A_436 = tpu.iota {dimensions = array<i32: 0>} : vector<16xi32>
          %add3A_437 = arith.constant 64 : i32
          %add3A_438 = vector.broadcast %add3A_437 : i32 to vector<16xi32>
          %add3A_439 = arith.addi %add3A_438, %iota3A_436 : vector<16xi32>
          %gather3A_440 = tpu.vector_load_idx %arg7[%add3A_439, %broadcast_in_dim3A_415] : memref<128x128xf32, #tpu.memory_space<vmem>>[vector<16xi32>, vector<16xi32>], vector<16xf32>,
          %iota3A_441 = tpu.iota {dimensions = array<i32: 0>} : vector<16xi32>
          %add3A_442 = arith.constant 80 : i32
          %add3A_443 = vector.broadcast %add3A_442 : i32 to vector<16xi32>
          %add3A_444 = arith.addi %add3A_443, %iota3A_441 : vector<16xi32>
          %gather3A_445 = tpu.vector_load_idx %arg7[%add3A_444, %broadcast_in_dim3A_415] : memref<128x128xf32, #tpu.memory_space<vmem>>[vector<16xi32>, vector<16xi32>], vector<16xf32>,
          %iota3A_446 = tpu.iota {dimensions = array<i32: 0>} : vector<16xi32>
          %add3A_447 = arith.constant 96 : i32
          %add3A_448 = vector.broadcast %add3A_447 : i32 to vector<16xi32>
          %add3A_449 = arith.addi %add3A_448, %iota3A_446 : vector<16xi32>
          %gather3A_450 = tpu.vector_load_idx %arg7[%add3A_449, %broadcast_in_dim3A_415] : memref<128x128xf32, #tpu.memory_space<vmem>>[vector<16xi32>, vector<16xi32>], vector<16xf32>,
          %iota3A_451 = tpu.iota {dimensions = array<i32: 0>} : vector<16xi32>
          %add3A_452 = arith.constant 112 : i32
          %add3A_453 = vector.broadcast %add3A_452 : i32 to vector<16xi32>
          %add3A_454 = arith.addi %add3A_453, %iota3A_451 : vector<16xi32>
          %gather3A_455 = tpu.vector_load_idx %arg7[%add3A_454, %broadcast_in_dim3A_415] : memref<128x128xf32, #tpu.memory_space<vmem>>[vector<16xi32>, vector<16xi32>], vector<16xf32>,
          %swap3A_456 = arith.index_cast %add3A_414 : i32 to index
          %swap3A_457 = arith.constant 0 : index
          %swap3A_458 = tpu.vector_load %arg9[%swap3A_456, %swap3A_457] {strides = array<i32>} : memref<128x128xf32, #tpu.memory_space<vmem>>, vector<16xf32>,
          tpu.vector_store %arg9[%swap3A_456, %swap3A_457], %gather3A_420 {strides = array<i32>} : memref<128x128xf32, #tpu.memory_space<vmem>>, vector<16xf32>,
          %swap3A_459 = arith.index_cast %add3A_414 : i32 to index
          %swap3A_460 = arith.constant 16 : index
          %swap3A_461 = tpu.vector_load %arg9[%swap3A_459, %swap3A_460] {strides = array<i32>} : memref<128x128xf32, #tpu.memory_space<vmem>>, vector<16xf32>,
          tpu.vector_store %arg9[%swap3A_459, %swap3A_460], %gather3A_425 {strides = array<i32>} : memref<128x128xf32, #tpu.memory_space<vmem>>, vector<16xf32>,
          %swap3A_462 = arith.index_cast %add3A_414 : i32 to index
          %swap3A_463 = arith.constant 32 : index
          %swap3A_464 = tpu.vector_load %arg9[%swap3A_462, %swap3A_463] {strides = array<i32>} : memref<128x128xf32, #tpu.memory_space<vmem>>, vector<16xf32>,
          tpu.vector_store %arg9[%swap3A_462, %swap3A_463], %gather3A_430 {strides = array<i32>} : memref<128x128xf32, #tpu.memory_space<vmem>>, vector<16xf32>,
          %swap3A_465 = arith.index_cast %add3A_414 : i32 to index
          %swap3A_466 = arith.constant 48 : index
          %swap3A_467 = tpu.vector_load %arg9[%swap3A_465, %swap3A_466] {strides = array<i32>} : memref<128x128xf32, #tpu.memory_space<vmem>>, vector<16xf32>,
          tpu.vector_store %arg9[%swap3A_465, %swap3A_466], %gather3A_435 {strides = array<i32>} : memref<128x128xf32, #tpu.memory_space<vmem>>, vector<16xf32>,
          %swap3A_468 = arith.index_cast %add3A_414 : i32 to index
          %swap3A_469 = arith.constant 64 : index
          %swap3A_470 = tpu.vector_load %arg9[%swap3A_468, %swap3A_469] {strides = array<i32>} : memref<128x128xf32, #tpu.memory_space<vmem>>, vector<16xf32>,
          tpu.vector_store %arg9[%swap3A_468, %swap3A_469], %gather3A_440 {strides = array<i32>} : memref<128x128xf32, #tpu.memory_space<vmem>>, vector<16xf32>,
          %swap3A_471 = arith.index_cast %add3A_414 : i32 to index
          %swap3A_472 = arith.constant 80 : index
          %swap3A_473 = tpu.vector_load %arg9[%swap3A_471, %swap3A_472] {strides = array<i32>} : memref<128x128xf32, #tpu.memory_space<vmem>>, vector<16xf32>,
          tpu.vector_store %arg9[%swap3A_471, %swap3A_472], %gather3A_445 {strides = array<i32>} : memref<128x128xf32, #tpu.memory_space<vmem>>, vector<16xf32>,
          %swap3A_474 = arith.index_cast %add3A_414 : i32 to index
          %swap3A_475 = arith.constant 96 : index
          %swap3A_476 = tpu.vector_load %arg9[%swap3A_474, %swap3A_475] {strides = array<i32>} : memref<128x128xf32, #tpu.memory_space<vmem>>, vector<16xf32>,
          tpu.vector_store %arg9[%swap3A_474, %swap3A_475], %gather3A_450 {strides = array<i32>} : memref<128x128xf32, #tpu.memory_space<vmem>>, vector<16xf32>,
          %swap3A_477 = arith.index_cast %add3A_414 : i32 to index
          %swap3A_478 = arith.constant 112 : index
          %swap3A_479 = tpu.vector_load %arg9[%swap3A_477, %swap3A_478] {strides = array<i32>} : memref<128x128xf32, #tpu.memory_space<vmem>>, vector<16xf32>,
          tpu.vector_store %arg9[%swap3A_477, %swap3A_478], %gather3A_455 {strides = array<i32>} : memref<128x128xf32, #tpu.memory_space<vmem>>, vector<16xf32>,
          %mul3A_480 = arith.constant 8 : i32
          %mul3A_481 = arith.muli %mul3A_480, %scan3A_138 : i32
          %add3A_482 = arith.constant 5 : i32
          %add3A_483 = arith.addi %mul3A_481, %add3A_482 : i32
          %broadcast_in_dim3A_484 = vector.broadcast %add3A_483 : i32 to vector<16xi32>
          %iota3A_485 = tpu.iota {dimensions = array<i32: 0>} : vector<16xi32>
          %add3A_486 = arith.constant 0 : i32
          %add3A_487 = vector.broadcast %add3A_486 : i32 to vector<16xi32>
          %add3A_488 = arith.addi %add3A_487, %iota3A_485 : vector<16xi32>
          %gather3A_489 = tpu.vector_load_idx %arg7[%add3A_488, %broadcast_in_dim3A_484] : memref<128x128xf32, #tpu.memory_space<vmem>>[vector<16xi32>, vector<16xi32>], vector<16xf32>,
          %iota3A_490 = tpu.iota {dimensions = array<i32: 0>} : vector<16xi32>
          %add3A_491 = arith.constant 16 : i32
          %add3A_492 = vector.broadcast %add3A_491 : i32 to vector<16xi32>
          %add3A_493 = arith.addi %add3A_492, %iota3A_490 : vector<16xi32>
          %gather3A_494 = tpu.vector_load_idx %arg7[%add3A_493, %broadcast_in_dim3A_484] : memref<128x128xf32, #tpu.memory_space<vmem>>[vector<16xi32>, vector<16xi32>], vector<16xf32>,
          %iota3A_495 = tpu.iota {dimensions = array<i32: 0>} : vector<16xi32>
          %add3A_496 = arith.constant 32 : i32
          %add3A_497 = vector.broadcast %add3A_496 : i32 to vector<16xi32>
          %add3A_498 = arith.addi %add3A_497, %iota3A_495 : vector<16xi32>
          %gather3A_499 = tpu.vector_load_idx %arg7[%add3A_498, %broadcast_in_dim3A_484] : memref<128x128xf32, #tpu.memory_space<vmem>>[vector<16xi32>, vector<16xi32>], vector<16xf32>,
          %iota3A_500 = tpu.iota {dimensions = array<i32: 0>} : vector<16xi32>
          %add3A_501 = arith.constant 48 : i32
          %add3A_502 = vector.broadcast %add3A_501 : i32 to vector<16xi32>
          %add3A_503 = arith.addi %add3A_502, %iota3A_500 : vector<16xi32>
          %gather3A_504 = tpu.vector_load_idx %arg7[%add3A_503, %broadcast_in_dim3A_484] : memref<128x128xf32, #tpu.memory_space<vmem>>[vector<16xi32>, vector<16xi32>], vector<16xf32>,
          %iota3A_505 = tpu.iota {dimensions = array<i32: 0>} : vector<16xi32>
          %add3A_506 = arith.constant 64 : i32
          %add3A_507 = vector.broadcast %add3A_506 : i32 to vector<16xi32>
          %add3A_508 = arith.addi %add3A_507, %iota3A_505 : vector<16xi32>
          %gather3A_509 = tpu.vector_load_idx %arg7[%add3A_508, %broadcast_in_dim3A_484] : memref<128x128xf32, #tpu.memory_space<vmem>>[vector<16xi32>, vector<16xi32>], vector<16xf32>,
          %iota3A_510 = tpu.iota {dimensions = array<i32: 0>} : vector<16xi32>
          %add3A_511 = arith.constant 80 : i32
          %add3A_512 = vector.broadcast %add3A_511 : i32 to vector<16xi32>
          %add3A_513 = arith.addi %add3A_512, %iota3A_510 : vector<16xi32>
          %gather3A_514 = tpu.vector_load_idx %arg7[%add3A_513, %broadcast_in_dim3A_484] : memref<128x128xf32, #tpu.memory_space<vmem>>[vector<16xi32>, vector<16xi32>], vector<16xf32>,
          %iota3A_515 = tpu.iota {dimensions = array<i32: 0>} : vector<16xi32>
          %add3A_516 = arith.constant 96 : i32
          %add3A_517 = vector.broadcast %add3A_516 : i32 to vector<16xi32>
          %add3A_518 = arith.addi %add3A_517, %iota3A_515 : vector<16xi32>
          %gather3A_519 = tpu.vector_load_idx %arg7[%add3A_518, %broadcast_in_dim3A_484] : memref<128x128xf32, #tpu.memory_space<vmem>>[vector<16xi32>, vector<16xi32>], vector<16xf32>,
          %iota3A_520 = tpu.iota {dimensions = array<i32: 0>} : vector<16xi32>
          %add3A_521 = arith.constant 112 : i32
          %add3A_522 = vector.broadcast %add3A_521 : i32 to vector<16xi32>
          %add3A_523 = arith.addi %add3A_522, %iota3A_520 : vector<16xi32>
          %gather3A_524 = tpu.vector_load_idx %arg7[%add3A_523, %broadcast_in_dim3A_484] : memref<128x128xf32, #tpu.memory_space<vmem>>[vector<16xi32>, vector<16xi32>], vector<16xf32>,
          %swap3A_525 = arith.index_cast %add3A_483 : i32 to index
          %swap3A_526 = arith.constant 0 : index
          %swap3A_527 = tpu.vector_load %arg9[%swap3A_525, %swap3A_526] {strides = array<i32>} : memref<128x128xf32, #tpu.memory_space<vmem>>, vector<16xf32>,
          tpu.vector_store %arg9[%swap3A_525, %swap3A_526], %gather3A_489 {strides = array<i32>} : memref<128x128xf32, #tpu.memory_space<vmem>>, vector<16xf32>,
          %swap3A_528 = arith.index_cast %add3A_483 : i32 to index
          %swap3A_529 = arith.constant 16 : index
          %swap3A_530 = tpu.vector_load %arg9[%swap3A_528, %swap3A_529] {strides = array<i32>} : memref<128x128xf32, #tpu.memory_space<vmem>>, vector<16xf32>,
          tpu.vector_store %arg9[%swap3A_528, %swap3A_529], %gather3A_494 {strides = array<i32>} : memref<128x128xf32, #tpu.memory_space<vmem>>, vector<16xf32>,
          %swap3A_531 = arith.index_cast %add3A_483 : i32 to index
          %swap3A_532 = arith.constant 32 : index
          %swap3A_533 = tpu.vector_load %arg9[%swap3A_531, %swap3A_532] {strides = array<i32>} : memref<128x128xf32, #tpu.memory_space<vmem>>, vector<16xf32>,
          tpu.vector_store %arg9[%swap3A_531, %swap3A_532], %gather3A_499 {strides = array<i32>} : memref<128x128xf32, #tpu.memory_space<vmem>>, vector<16xf32>,
          %swap3A_534 = arith.index_cast %add3A_483 : i32 to index
          %swap3A_535 = arith.constant 48 : index
          %swap3A_536 = tpu.vector_load %arg9[%swap3A_534, %swap3A_535] {strides = array<i32>} : memref<128x128xf32, #tpu.memory_space<vmem>>, vector<16xf32>,
          tpu.vector_store %arg9[%swap3A_534, %swap3A_535], %gather3A_504 {strides = array<i32>} : memref<128x128xf32, #tpu.memory_space<vmem>>, vector<16xf32>,
          %swap3A_537 = arith.index_cast %add3A_483 : i32 to index
          %swap3A_538 = arith.constant 64 : index
          %swap3A_539 = tpu.vector_load %arg9[%swap3A_537, %swap3A_538] {strides = array<i32>} : memref<128x128xf32, #tpu.memory_space<vmem>>, vector<16xf32>,
          tpu.vector_store %arg9[%swap3A_537, %swap3A_538], %gather3A_509 {strides = array<i32>} : memref<128x128xf32, #tpu.memory_space<vmem>>, vector<16xf32>,
          %swap3A_540 = arith.index_cast %add3A_483 : i32 to index
          %swap3A_541 = arith.constant 80 : index
          %swap3A_542 = tpu.vector_load %arg9[%swap3A_540, %swap3A_541] {strides = array<i32>} : memref<128x128xf32, #tpu.memory_space<vmem>>, vector<16xf32>,
          tpu.vector_store %arg9[%swap3A_540, %swap3A_541], %gather3A_514 {strides = array<i32>} : memref<128x128xf32, #tpu.memory_space<vmem>>, vector<16xf32>,
          %swap3A_543 = arith.index_cast %add3A_483 : i32 to index
          %swap3A_544 = arith.constant 96 : index
          %swap3A_545 = tpu.vector_load %arg9[%swap3A_543, %swap3A_544] {strides = array<i32>} : memref<128x128xf32, #tpu.memory_space<vmem>>, vector<16xf32>,
          tpu.vector_store %arg9[%swap3A_543, %swap3A_544], %gather3A_519 {strides = array<i32>} : memref<128x128xf32, #tpu.memory_space<vmem>>, vector<16xf32>,
          %swap3A_546 = arith.index_cast %add3A_483 : i32 to index
          %swap3A_547 = arith.constant 112 : index
          %swap3A_548 = tpu.vector_load %arg9[%swap3A_546, %swap3A_547] {strides = array<i32>} : memref<128x128xf32, #tpu.memory_space<vmem>>, vector<16xf32>,
          tpu.vector_store %arg9[%swap3A_546, %swap3A_547], %gather3A_524 {strides = array<i32>} : memref<128x128xf32, #tpu.memory_space<vmem>>, vector<16xf32>,
          %mul3A_549 = arith.constant 8 : i32
          %mul3A_550 = arith.muli %mul3A_549, %scan3A_138 : i32
          %add3A_551 = arith.constant 6 : i32
          %add3A_552 = arith.addi %mul3A_550, %add3A_551 : i32
          %broadcast_in_dim3A_553 = vector.broadcast %add3A_552 : i32 to vector<16xi32>
          %iota3A_554 = tpu.iota {dimensions = array<i32: 0>} : vector<16xi32>
          %add3A_555 = arith.constant 0 : i32
          %add3A_556 = vector.broadcast %add3A_555 : i32 to vector<16xi32>
          %add3A_557 = arith.addi %add3A_556, %iota3A_554 : vector<16xi32>
          %gather3A_558 = tpu.vector_load_idx %arg7[%add3A_557, %broadcast_in_dim3A_553] : memref<128x128xf32, #tpu.memory_space<vmem>>[vector<16xi32>, vector<16xi32>], vector<16xf32>,
          %iota3A_559 = tpu.iota {dimensions = array<i32: 0>} : vector<16xi32>
          %add3A_560 = arith.constant 16 : i32
          %add3A_561 = vector.broadcast %add3A_560 : i32 to vector<16xi32>
          %add3A_562 = arith.addi %add3A_561, %iota3A_559 : vector<16xi32>
          %gather3A_563 = tpu.vector_load_idx %arg7[%add3A_562, %broadcast_in_dim3A_553] : memref<128x128xf32, #tpu.memory_space<vmem>>[vector<16xi32>, vector<16xi32>], vector<16xf32>,
          %iota3A_564 = tpu.iota {dimensions = array<i32: 0>} : vector<16xi32>
          %add3A_565 = arith.constant 32 : i32
          %add3A_566 = vector.broadcast %add3A_565 : i32 to vector<16xi32>
          %add3A_567 = arith.addi %add3A_566, %iota3A_564 : vector<16xi32>
          %gather3A_568 = tpu.vector_load_idx %arg7[%add3A_567, %broadcast_in_dim3A_553] : memref<128x128xf32, #tpu.memory_space<vmem>>[vector<16xi32>, vector<16xi32>], vector<16xf32>,
          %iota3A_569 = tpu.iota {dimensions = array<i32: 0>} : vector<16xi32>
          %add3A_570 = arith.constant 48 : i32
          %add3A_571 = vector.broadcast %add3A_570 : i32 to vector<16xi32>
          %add3A_572 = arith.addi %add3A_571, %iota3A_569 : vector<16xi32>
          %gather3A_573 = tpu.vector_load_idx %arg7[%add3A_572, %broadcast_in_dim3A_553] : memref<128x128xf32, #tpu.memory_space<vmem>>[vector<16xi32>, vector<16xi32>], vector<16xf32>,
          %iota3A_574 = tpu.iota {dimensions = array<i32: 0>} : vector<16xi32>
          %add3A_575 = arith.constant 64 : i32
          %add3A_576 = vector.broadcast %add3A_575 : i32 to vector<16xi32>
          %add3A_577 = arith.addi %add3A_576, %iota3A_574 : vector<16xi32>
          %gather3A_578 = tpu.vector_load_idx %arg7[%add3A_577, %broadcast_in_dim3A_553] : memref<128x128xf32, #tpu.memory_space<vmem>>[vector<16xi32>, vector<16xi32>], vector<16xf32>,
          %iota3A_579 = tpu.iota {dimensions = array<i32: 0>} : vector<16xi32>
          %add3A_580 = arith.constant 80 : i32
          %add3A_581 = vector.broadcast %add3A_580 : i32 to vector<16xi32>
          %add3A_582 = arith.addi %add3A_581, %iota3A_579 : vector<16xi32>
          %gather3A_583 = tpu.vector_load_idx %arg7[%add3A_582, %broadcast_in_dim3A_553] : memref<128x128xf32, #tpu.memory_space<vmem>>[vector<16xi32>, vector<16xi32>], vector<16xf32>,
          %iota3A_584 = tpu.iota {dimensions = array<i32: 0>} : vector<16xi32>
          %add3A_585 = arith.constant 96 : i32
          %add3A_586 = vector.broadcast %add3A_585 : i32 to vector<16xi32>
          %add3A_587 = arith.addi %add3A_586, %iota3A_584 : vector<16xi32>
          %gather3A_588 = tpu.vector_load_idx %arg7[%add3A_587, %broadcast_in_dim3A_553] : memref<128x128xf32, #tpu.memory_space<vmem>>[vector<16xi32>, vector<16xi32>], vector<16xf32>,
          %iota3A_589 = tpu.iota {dimensions = array<i32: 0>} : vector<16xi32>
          %add3A_590 = arith.constant 112 : i32
          %add3A_591 = vector.broadcast %add3A_590 : i32 to vector<16xi32>
          %add3A_592 = arith.addi %add3A_591, %iota3A_589 : vector<16xi32>
          %gather3A_593 = tpu.vector_load_idx %arg7[%add3A_592, %broadcast_in_dim3A_553] : memref<128x128xf32, #tpu.memory_space<vmem>>[vector<16xi32>, vector<16xi32>], vector<16xf32>,
          %swap3A_594 = arith.index_cast %add3A_552 : i32 to index
          %swap3A_595 = arith.constant 0 : index
          %swap3A_596 = tpu.vector_load %arg9[%swap3A_594, %swap3A_595] {strides = array<i32>} : memref<128x128xf32, #tpu.memory_space<vmem>>, vector<16xf32>,
          tpu.vector_store %arg9[%swap3A_594, %swap3A_595], %gather3A_558 {strides = array<i32>} : memref<128x128xf32, #tpu.memory_space<vmem>>, vector<16xf32>,
          %swap3A_597 = arith.index_cast %add3A_552 : i32 to index
          %swap3A_598 = arith.constant 16 : index
          %swap3A_599 = tpu.vector_load %arg9[%swap3A_597, %swap3A_598] {strides = array<i32>} : memref<128x128xf32, #tpu.memory_space<vmem>>, vector<16xf32>,
          tpu.vector_store %arg9[%swap3A_597, %swap3A_598], %gather3A_563 {strides = array<i32>} : memref<128x128xf32, #tpu.memory_space<vmem>>, vector<16xf32>,
          %swap3A_600 = arith.index_cast %add3A_552 : i32 to index
          %swap3A_601 = arith.constant 32 : index
          %swap3A_602 = tpu.vector_load %arg9[%swap3A_600, %swap3A_601] {strides = array<i32>} : memref<128x128xf32, #tpu.memory_space<vmem>>, vector<16xf32>,
          tpu.vector_store %arg9[%swap3A_600, %swap3A_601], %gather3A_568 {strides = array<i32>} : memref<128x128xf32, #tpu.memory_space<vmem>>, vector<16xf32>,
          %swap3A_603 = arith.index_cast %add3A_552 : i32 to index
          %swap3A_604 = arith.constant 48 : index
          %swap3A_605 = tpu.vector_load %arg9[%swap3A_603, %swap3A_604] {strides = array<i32>} : memref<128x128xf32, #tpu.memory_space<vmem>>, vector<16xf32>,
          tpu.vector_store %arg9[%swap3A_603, %swap3A_604], %gather3A_573 {strides = array<i32>} : memref<128x128xf32, #tpu.memory_space<vmem>>, vector<16xf32>,
          %swap3A_606 = arith.index_cast %add3A_552 : i32 to index
          %swap3A_607 = arith.constant 64 : index
          %swap3A_608 = tpu.vector_load %arg9[%swap3A_606, %swap3A_607] {strides = array<i32>} : memref<128x128xf32, #tpu.memory_space<vmem>>, vector<16xf32>,
          tpu.vector_store %arg9[%swap3A_606, %swap3A_607], %gather3A_578 {strides = array<i32>} : memref<128x128xf32, #tpu.memory_space<vmem>>, vector<16xf32>,
          %swap3A_609 = arith.index_cast %add3A_552 : i32 to index
          %swap3A_610 = arith.constant 80 : index
          %swap3A_611 = tpu.vector_load %arg9[%swap3A_609, %swap3A_610] {strides = array<i32>} : memref<128x128xf32, #tpu.memory_space<vmem>>, vector<16xf32>,
          tpu.vector_store %arg9[%swap3A_609, %swap3A_610], %gather3A_583 {strides = array<i32>} : memref<128x128xf32, #tpu.memory_space<vmem>>, vector<16xf32>,
          %swap3A_612 = arith.index_cast %add3A_552 : i32 to index
          %swap3A_613 = arith.constant 96 : index
          %swap3A_614 = tpu.vector_load %arg9[%swap3A_612, %swap3A_613] {strides = array<i32>} : memref<128x128xf32, #tpu.memory_space<vmem>>, vector<16xf32>,
          tpu.vector_store %arg9[%swap3A_612, %swap3A_613], %gather3A_588 {strides = array<i32>} : memref<128x128xf32, #tpu.memory_space<vmem>>, vector<16xf32>,
          %swap3A_615 = arith.index_cast %add3A_552 : i32 to index
          %swap3A_616 = arith.constant 112 : index
          %swap3A_617 = tpu.vector_load %arg9[%swap3A_615, %swap3A_616] {strides = array<i32>} : memref<128x128xf32, #tpu.memory_space<vmem>>, vector<16xf32>,
          tpu.vector_store %arg9[%swap3A_615, %swap3A_616], %gather3A_593 {strides = array<i32>} : memref<128x128xf32, #tpu.memory_space<vmem>>, vector<16xf32>,
          %mul3A_618 = arith.constant 8 : i32
          %mul3A_619 = arith.muli %mul3A_618, %scan3A_138 : i32
          %add3A_620 = arith.constant 7 : i32
          %add3A_621 = arith.addi %mul3A_619, %add3A_620 : i32
          %broadcast_in_dim3A_622 = vector.broadcast %add3A_621 : i32 to vector<16xi32>
          %iota3A_623 = tpu.iota {dimensions = array<i32: 0>} : vector<16xi32>
          %add3A_624 = arith.constant 0 : i32
          %add3A_625 = vector.broadcast %add3A_624 : i32 to vector<16xi32>
          %add3A_626 = arith.addi %add3A_625, %iota3A_623 : vector<16xi32>
          %gather3A_627 = tpu.vector_load_idx %arg7[%add3A_626, %broadcast_in_dim3A_622] : memref<128x128xf32, #tpu.memory_space<vmem>>[vector<16xi32>, vector<16xi32>], vector<16xf32>,
          %iota3A_628 = tpu.iota {dimensions = array<i32: 0>} : vector<16xi32>
          %add3A_629 = arith.constant 16 : i32
          %add3A_630 = vector.broadcast %add3A_629 : i32 to vector<16xi32>
          %add3A_631 = arith.addi %add3A_630, %iota3A_628 : vector<16xi32>
          %gather3A_632 = tpu.vector_load_idx %arg7[%add3A_631, %broadcast_in_dim3A_622] : memref<128x128xf32, #tpu.memory_space<vmem>>[vector<16xi32>, vector<16xi32>], vector<16xf32>,
          %iota3A_633 = tpu.iota {dimensions = array<i32: 0>} : vector<16xi32>
          %add3A_634 = arith.constant 32 : i32
          %add3A_635 = vector.broadcast %add3A_634 : i32 to vector<16xi32>
          %add3A_636 = arith.addi %add3A_635, %iota3A_633 : vector<16xi32>
          %gather3A_637 = tpu.vector_load_idx %arg7[%add3A_636, %broadcast_in_dim3A_622] : memref<128x128xf32, #tpu.memory_space<vmem>>[vector<16xi32>, vector<16xi32>], vector<16xf32>,
          %iota3A_638 = tpu.iota {dimensions = array<i32: 0>} : vector<16xi32>
          %add3A_639 = arith.constant 48 : i32
          %add3A_640 = vector.broadcast %add3A_639 : i32 to vector<16xi32>
          %add3A_641 = arith.addi %add3A_640, %iota3A_638 : vector<16xi32>
          %gather3A_642 = tpu.vector_load_idx %arg7[%add3A_641, %broadcast_in_dim3A_622] : memref<128x128xf32, #tpu.memory_space<vmem>>[vector<16xi32>, vector<16xi32>], vector<16xf32>,
          %iota3A_643 = tpu.iota {dimensions = array<i32: 0>} : vector<16xi32>
          %add3A_644 = arith.constant 64 : i32
          %add3A_645 = vector.broadcast %add3A_644 : i32 to vector<16xi32>
          %add3A_646 = arith.addi %add3A_645, %iota3A_643 : vector<16xi32>
          %gather3A_647 = tpu.vector_load_idx %arg7[%add3A_646, %broadcast_in_dim3A_622] : memref<128x128xf32, #tpu.memory_space<vmem>>[vector<16xi32>, vector<16xi32>], vector<16xf32>,
          %iota3A_648 = tpu.iota {dimensions = array<i32: 0>} : vector<16xi32>
          %add3A_649 = arith.constant 80 : i32
          %add3A_650 = vector.broadcast %add3A_649 : i32 to vector<16xi32>
          %add3A_651 = arith.addi %add3A_650, %iota3A_648 : vector<16xi32>
          %gather3A_652 = tpu.vector_load_idx %arg7[%add3A_651, %broadcast_in_dim3A_622] : memref<128x128xf32, #tpu.memory_space<vmem>>[vector<16xi32>, vector<16xi32>], vector<16xf32>,
          %iota3A_653 = tpu.iota {dimensions = array<i32: 0>} : vector<16xi32>
          %add3A_654 = arith.constant 96 : i32
          %add3A_655 = vector.broadcast %add3A_654 : i32 to vector<16xi32>
          %add3A_656 = arith.addi %add3A_655, %iota3A_653 : vector<16xi32>
          %gather3A_657 = tpu.vector_load_idx %arg7[%add3A_656, %broadcast_in_dim3A_622] : memref<128x128xf32, #tpu.memory_space<vmem>>[vector<16xi32>, vector<16xi32>], vector<16xf32>,
          %iota3A_658 = tpu.iota {dimensions = array<i32: 0>} : vector<16xi32>
          %add3A_659 = arith.constant 112 : i32
          %add3A_660 = vector.broadcast %add3A_659 : i32 to vector<16xi32>
          %add3A_661 = arith.addi %add3A_660, %iota3A_658 : vector<16xi32>
          %gather3A_662 = tpu.vector_load_idx %arg7[%add3A_661, %broadcast_in_dim3A_622] : memref<128x128xf32, #tpu.memory_space<vmem>>[vector<16xi32>, vector<16xi32>], vector<16xf32>,
          %swap3A_663 = arith.index_cast %add3A_621 : i32 to index
          %swap3A_664 = arith.constant 0 : index
          %swap3A_665 = tpu.vector_load %arg9[%swap3A_663, %swap3A_664] {strides = array<i32>} : memref<128x128xf32, #tpu.memory_space<vmem>>, vector<16xf32>,
          tpu.vector_store %arg9[%swap3A_663, %swap3A_664], %gather3A_627 {strides = array<i32>} : memref<128x128xf32, #tpu.memory_space<vmem>>, vector<16xf32>,
          %swap3A_666 = arith.index_cast %add3A_621 : i32 to index
          %swap3A_667 = arith.constant 16 : index
          %swap3A_668 = tpu.vector_load %arg9[%swap3A_666, %swap3A_667] {strides = array<i32>} : memref<128x128xf32, #tpu.memory_space<vmem>>, vector<16xf32>,
          tpu.vector_store %arg9[%swap3A_666, %swap3A_667], %gather3A_632 {strides = array<i32>} : memref<128x128xf32, #tpu.memory_space<vmem>>, vector<16xf32>,
          %swap3A_669 = arith.index_cast %add3A_621 : i32 to index
          %swap3A_670 = arith.constant 32 : index
          %swap3A_671 = tpu.vector_load %arg9[%swap3A_669, %swap3A_670] {strides = array<i32>} : memref<128x128xf32, #tpu.memory_space<vmem>>, vector<16xf32>,
          tpu.vector_store %arg9[%swap3A_669, %swap3A_670], %gather3A_637 {strides = array<i32>} : memref<128x128xf32, #tpu.memory_space<vmem>>, vector<16xf32>,
          %swap3A_672 = arith.index_cast %add3A_621 : i32 to index
          %swap3A_673 = arith.constant 48 : index
          %swap3A_674 = tpu.vector_load %arg9[%swap3A_672, %swap3A_673] {strides = array<i32>} : memref<128x128xf32, #tpu.memory_space<vmem>>, vector<16xf32>,
          tpu.vector_store %arg9[%swap3A_672, %swap3A_673], %gather3A_642 {strides = array<i32>} : memref<128x128xf32, #tpu.memory_space<vmem>>, vector<16xf32>,
          %swap3A_675 = arith.index_cast %add3A_621 : i32 to index
          %swap3A_676 = arith.constant 64 : index
          %swap3A_677 = tpu.vector_load %arg9[%swap3A_675, %swap3A_676] {strides = array<i32>} : memref<128x128xf32, #tpu.memory_space<vmem>>, vector<16xf32>,
          tpu.vector_store %arg9[%swap3A_675, %swap3A_676], %gather3A_647 {strides = array<i32>} : memref<128x128xf32, #tpu.memory_space<vmem>>, vector<16xf32>,
          %swap3A_678 = arith.index_cast %add3A_621 : i32 to index
          %swap3A_679 = arith.constant 80 : index
          %swap3A_680 = tpu.vector_load %arg9[%swap3A_678, %swap3A_679] {strides = array<i32>} : memref<128x128xf32, #tpu.memory_space<vmem>>, vector<16xf32>,
          tpu.vector_store %arg9[%swap3A_678, %swap3A_679], %gather3A_652 {strides = array<i32>} : memref<128x128xf32, #tpu.memory_space<vmem>>, vector<16xf32>,
          %swap3A_681 = arith.index_cast %add3A_621 : i32 to index
          %swap3A_682 = arith.constant 96 : index
          %swap3A_683 = tpu.vector_load %arg9[%swap3A_681, %swap3A_682] {strides = array<i32>} : memref<128x128xf32, #tpu.memory_space<vmem>>, vector<16xf32>,
          tpu.vector_store %arg9[%swap3A_681, %swap3A_682], %gather3A_657 {strides = array<i32>} : memref<128x128xf32, #tpu.memory_space<vmem>>, vector<16xf32>,
          %swap3A_684 = arith.index_cast %add3A_621 : i32 to index
          %swap3A_685 = arith.constant 112 : index
          %swap3A_686 = tpu.vector_load %arg9[%swap3A_684, %swap3A_685] {strides = array<i32>} : memref<128x128xf32, #tpu.memory_space<vmem>>, vector<16xf32>,
          tpu.vector_store %arg9[%swap3A_684, %swap3A_685], %gather3A_662 {strides = array<i32>} : memref<128x128xf32, #tpu.memory_space<vmem>>, vector<16xf32>,
        }
        %scan3A_131 = arith.constant 16 : i32
        %mul3A_132 = arith.constant 128 : i32
        %mul3A_133 = arith.muli %add3A_106, %mul3A_132 : i32
        %dma_start3A_134 = arith.constant 0 : i32
        %dma_start3A_135 = tpu.memref_slice %arg4[%dma_start3A_134, %mul3A_133] : memref<144x320000xf32, #tpu.memory_space<hbm>> -> memref<128x128xf32, #tpu.memory_space<hbm>>
        %dma_start3A_136 = arith.constant 0 : i32
        %dma_start3A_137 = tpu.memref_slice %arg4[%dma_start3A_136, %mul3A_133] : memref<144x320000xf32, #tpu.memory_space<hbm>> -> memref<128x128xf32, #tpu.memory_space<hbm>>
        tpu.enqueue_dma source(%arg9 : memref<128x128xf32, #tpu.memory_space<vmem>>) target(%dma_start3A_137 : memref<128x128xf32, #tpu.memory_space<hbm>>) target_semaphore(%arg13 : memref<!tpu.dma_semaphore, #tpu.memory_space<semaphore_mem>>)
      } else {
      }
    }
    %while3A_90 = arith.constant 1 : i32
    scf.for %while3A_98 = %while3A_88 to %while3A_84 step %while3A_90  : i32 {
      %mul3A_99 = arith.constant 2 : i32
      %mul3A_100 = arith.muli %mul3A_99, %while3A_98 : i32
      %add3A_101 = arith.addi %select_n3A, %mul3A_100 : i32
      %lt3A = arith.cmpi slt, %add3A_101, %select_n3A_46 : i32
      %convert_element_type3A_102 = arith.extui %lt3A : i1 to i32
      %cond3A_103 = arith.constant 0 : i32
      %cond3A_104 = arith.cmpi ne, %convert_element_type3A_102, %cond3A_103 : i32
      scf.if %cond3A_104 {
        %dma_wait3A = arith.constant 0 : i32
        %dma_wait3A_111 = tpu.memref_slice %arg5[%dma_wait3A] : memref<10112xi32, #tpu.memory_space<vmem>> -> memref<128xi32, #tpu.memory_space<vmem>>
        %dma_wait3A_112 = arith.constant 0 : i32
        %dma_wait3A_113 = arith.constant 0 : i32
        %dma_wait3A_114 = tpu.memref_slice %arg2[%dma_wait3A_112, %dma_wait3A_113] : memref<10000x128xf32, #tpu.memory_space<hbm>> -> memref<10000x128xf32, #tpu.memory_space<hbm>>
        tpu.wait_indirect_dma semaphore(%arg10 : memref<!tpu.dma_semaphore, #tpu.memory_space<semaphore_mem>>) src(%dma_wait3A_114 : memref<10000x128xf32, #tpu.memory_space<hbm>>) dst(%arg6 : memref<128x128xf32, #tpu.memory_space<vmem>>)
        %add3A_115 = arith.constant 1 : i32
        %add3A_116 = arith.addi %add3A_101, %add3A_115 : i32
        %lt3A_117 = arith.cmpi slt, %add3A_116, %select_n3A_46 : i32
        %convert_element_type3A_118 = arith.extui %lt3A_117 : i1 to i32
        %cond3A_119 = arith.constant 0 : i32
        %cond3A_120 = arith.cmpi ne, %convert_element_type3A_118, %cond3A_119 : i32
        scf.if %cond3A_120 {
          %add3A_138 = arith.constant 1 : i32
          %add3A_139 = arith.addi %add3A_101, %add3A_138 : i32
          %sub3A_140 = arith.subi %add3A_139, %select_n3A : i32
          %mul3A_141 = arith.constant 128 : i32
          %mul3A_142 = arith.muli %sub3A_140, %mul3A_141 : i32
          %dma_start3A_143 = tpu.memref_slice %arg5[%mul3A_142] : memref<10112xi32, #tpu.memory_space<vmem>> -> memref<128xi32, #tpu.memory_space<vmem>>
          %dma_start3A_144 = arith.constant 0 : i32
          %dma_start3A_145 = arith.constant 0 : i32
          %dma_start3A_146 = tpu.memref_slice %arg2[%dma_start3A_144, %dma_start3A_145] : memref<10000x128xf32, #tpu.memory_space<hbm>> -> memref<10000x128xf32, #tpu.memory_space<hbm>>
          tpu.enqueue_indirect_dma source(%dma_start3A_146 : memref<10000x128xf32, #tpu.memory_space<hbm>>) target(%arg7 : memref<128x128xf32, #tpu.memory_space<vmem>>) offsets(%dma_start3A_143 : memref<128xi32, #tpu.memory_space<vmem>>) semaphore(%arg11 : memref<!tpu.dma_semaphore, #tpu.memory_space<semaphore_mem>>)
        } else {
        }
        %add3A_121 = arith.constant 2 : i32
        %add3A_122 = arith.addi %select_n3A, %add3A_121 : i32
        %ge3A_123 = arith.cmpi sge, %add3A_101, %add3A_122 : i32
        %convert_element_type3A_124 = arith.extui %ge3A_123 : i1 to i32
        %cond3A_125 = arith.constant 0 : i32
        %cond3A_126 = arith.cmpi ne, %convert_element_type3A_124, %cond3A_125 : i32
        scf.if %cond3A_126 {
          %mul3A_138 = arith.constant 128 : i32
          %mul3A_139 = arith.muli %add3A_101, %mul3A_138 : i32
          %dma_wait3A_140 = arith.constant 0 : i32
          %dma_wait3A_141 = tpu.memref_slice %arg4[%dma_wait3A_140, %mul3A_139] : memref<144x320000xf32, #tpu.memory_space<hbm>> -> memref<128x128xf32, #tpu.memory_space<hbm>>
          %dma_wait3A_142 = arith.constant 0 : i32
          %dma_wait3A_143 = tpu.memref_slice %arg4[%dma_wait3A_142, %mul3A_139] : memref<144x320000xf32, #tpu.memory_space<hbm>> -> memref<128x128xf32, #tpu.memory_space<hbm>>
          tpu.wait_dma2 semaphore(%arg12 : memref<!tpu.dma_semaphore, #tpu.memory_space<semaphore_mem>>) src(%arg8 : memref<128x128xf32, #tpu.memory_space<vmem>>) dst(%dma_wait3A_143 : memref<128x128xf32, #tpu.memory_space<hbm>>)
        } else {
        }
        %scan3A = arith.constant 0 : i32
        %scan3A_127 = arith.constant 0 : i32
        %scan3A_128 = arith.constant 16 : i32
        %scan3A_129 = arith.addi %scan3A_127, %scan3A_128 : i32
        %scan3A_130 = arith.constant 1 : i32
        scf.for %scan3A_138 = %scan3A_127 to %scan3A_129 step %scan3A_130  : i32 {
          %mul3A_139 = arith.constant 8 : i32
          %mul3A_140 = arith.muli %mul3A_139, %scan3A_138 : i32
          %add3A_141 = arith.constant 0 : i32
          %add3A_142 = arith.addi %mul3A_140, %add3A_141 : i32
          %broadcast_in_dim3A = vector.broadcast %add3A_142 : i32 to vector<16xi32>
          %iota3A = tpu.iota {dimensions = array<i32: 0>} : vector<16xi32>
          %add3A_143 = arith.constant 0 : i32
          %add3A_144 = vector.broadcast %add3A_143 : i32 to vector<16xi32>
          %add3A_145 = arith.addi %add3A_144, %iota3A : vector<16xi32>
          %gather3A = tpu.vector_load_idx %arg6[%add3A_145, %broadcast_in_dim3A] : memref<128x128xf32, #tpu.memory_space<vmem>>[vector<16xi32>, vector<16xi32>], vector<16xf32>,
          %iota3A_146 = tpu.iota {dimensions = array<i32: 0>} : vector<16xi32>
          %add3A_147 = arith.constant 16 : i32
          %add3A_148 = vector.broadcast %add3A_147 : i32 to vector<16xi32>
          %add3A_149 = arith.addi %add3A_148, %iota3A_146 : vector<16xi32>
          %gather3A_150 = tpu.vector_load_idx %arg6[%add3A_149, %broadcast_in_dim3A] : memref<128x128xf32, #tpu.memory_space<vmem>>[vector<16xi32>, vector<16xi32>], vector<16xf32>,
          %iota3A_151 = tpu.iota {dimensions = array<i32: 0>} : vector<16xi32>
          %add3A_152 = arith.constant 32 : i32
          %add3A_153 = vector.broadcast %add3A_152 : i32 to vector<16xi32>
          %add3A_154 = arith.addi %add3A_153, %iota3A_151 : vector<16xi32>
          %gather3A_155 = tpu.vector_load_idx %arg6[%add3A_154, %broadcast_in_dim3A] : memref<128x128xf32, #tpu.memory_space<vmem>>[vector<16xi32>, vector<16xi32>], vector<16xf32>,
          %iota3A_156 = tpu.iota {dimensions = array<i32: 0>} : vector<16xi32>
          %add3A_157 = arith.constant 48 : i32
          %add3A_158 = vector.broadcast %add3A_157 : i32 to vector<16xi32>
          %add3A_159 = arith.addi %add3A_158, %iota3A_156 : vector<16xi32>
          %gather3A_160 = tpu.vector_load_idx %arg6[%add3A_159, %broadcast_in_dim3A] : memref<128x128xf32, #tpu.memory_space<vmem>>[vector<16xi32>, vector<16xi32>], vector<16xf32>,
          %iota3A_161 = tpu.iota {dimensions = array<i32: 0>} : vector<16xi32>
          %add3A_162 = arith.constant 64 : i32
          %add3A_163 = vector.broadcast %add3A_162 : i32 to vector<16xi32>
          %add3A_164 = arith.addi %add3A_163, %iota3A_161 : vector<16xi32>
          %gather3A_165 = tpu.vector_load_idx %arg6[%add3A_164, %broadcast_in_dim3A] : memref<128x128xf32, #tpu.memory_space<vmem>>[vector<16xi32>, vector<16xi32>], vector<16xf32>,
          %iota3A_166 = tpu.iota {dimensions = array<i32: 0>} : vector<16xi32>
          %add3A_167 = arith.constant 80 : i32
          %add3A_168 = vector.broadcast %add3A_167 : i32 to vector<16xi32>
          %add3A_169 = arith.addi %add3A_168, %iota3A_166 : vector<16xi32>
          %gather3A_170 = tpu.vector_load_idx %arg6[%add3A_169, %broadcast_in_dim3A] : memref<128x128xf32, #tpu.memory_space<vmem>>[vector<16xi32>, vector<16xi32>], vector<16xf32>,
          %iota3A_171 = tpu.iota {dimensions = array<i32: 0>} : vector<16xi32>
          %add3A_172 = arith.constant 96 : i32
          %add3A_173 = vector.broadcast %add3A_172 : i32 to vector<16xi32>
          %add3A_174 = arith.addi %add3A_173, %iota3A_171 : vector<16xi32>
          %gather3A_175 = tpu.vector_load_idx %arg6[%add3A_174, %broadcast_in_dim3A] : memref<128x128xf32, #tpu.memory_space<vmem>>[vector<16xi32>, vector<16xi32>], vector<16xf32>,
          %iota3A_176 = tpu.iota {dimensions = array<i32: 0>} : vector<16xi32>
          %add3A_177 = arith.constant 112 : i32
          %add3A_178 = vector.broadcast %add3A_177 : i32 to vector<16xi32>
          %add3A_179 = arith.addi %add3A_178, %iota3A_176 : vector<16xi32>
          %gather3A_180 = tpu.vector_load_idx %arg6[%add3A_179, %broadcast_in_dim3A] : memref<128x128xf32, #tpu.memory_space<vmem>>[vector<16xi32>, vector<16xi32>], vector<16xf32>,
          %swap3A = arith.index_cast %add3A_142 : i32 to index
          %swap3A_181 = arith.constant 0 : index
          %swap3A_182 = tpu.vector_load %arg8[%swap3A, %swap3A_181] {strides = array<i32>} : memref<128x128xf32, #tpu.memory_space<vmem>>, vector<16xf32>,
          tpu.vector_store %arg8[%swap3A, %swap3A_181], %gather3A {strides = array<i32>} : memref<128x128xf32, #tpu.memory_space<vmem>>, vector<16xf32>,
          %swap3A_183 = arith.index_cast %add3A_142 : i32 to index
          %swap3A_184 = arith.constant 16 : index
          %swap3A_185 = tpu.vector_load %arg8[%swap3A_183, %swap3A_184] {strides = array<i32>} : memref<128x128xf32, #tpu.memory_space<vmem>>, vector<16xf32>,
          tpu.vector_store %arg8[%swap3A_183, %swap3A_184], %gather3A_150 {strides = array<i32>} : memref<128x128xf32, #tpu.memory_space<vmem>>, vector<16xf32>,
          %swap3A_186 = arith.index_cast %add3A_142 : i32 to index
          %swap3A_187 = arith.constant 32 : index
          %swap3A_188 = tpu.vector_load %arg8[%swap3A_186, %swap3A_187] {strides = array<i32>} : memref<128x128xf32, #tpu.memory_space<vmem>>, vector<16xf32>,
          tpu.vector_store %arg8[%swap3A_186, %swap3A_187], %gather3A_155 {strides = array<i32>} : memref<128x128xf32, #tpu.memory_space<vmem>>, vector<16xf32>,
          %swap3A_189 = arith.index_cast %add3A_142 : i32 to index
          %swap3A_190 = arith.constant 48 : index
          %swap3A_191 = tpu.vector_load %arg8[%swap3A_189, %swap3A_190] {strides = array<i32>} : memref<128x128xf32, #tpu.memory_space<vmem>>, vector<16xf32>,
          tpu.vector_store %arg8[%swap3A_189, %swap3A_190], %gather3A_160 {strides = array<i32>} : memref<128x128xf32, #tpu.memory_space<vmem>>, vector<16xf32>,
          %swap3A_192 = arith.index_cast %add3A_142 : i32 to index
          %swap3A_193 = arith.constant 64 : index
          %swap3A_194 = tpu.vector_load %arg8[%swap3A_192, %swap3A_193] {strides = array<i32>} : memref<128x128xf32, #tpu.memory_space<vmem>>, vector<16xf32>,
          tpu.vector_store %arg8[%swap3A_192, %swap3A_193], %gather3A_165 {strides = array<i32>} : memref<128x128xf32, #tpu.memory_space<vmem>>, vector<16xf32>,
          %swap3A_195 = arith.index_cast %add3A_142 : i32 to index
          %swap3A_196 = arith.constant 80 : index
          %swap3A_197 = tpu.vector_load %arg8[%swap3A_195, %swap3A_196] {strides = array<i32>} : memref<128x128xf32, #tpu.memory_space<vmem>>, vector<16xf32>,
          tpu.vector_store %arg8[%swap3A_195, %swap3A_196], %gather3A_170 {strides = array<i32>} : memref<128x128xf32, #tpu.memory_space<vmem>>, vector<16xf32>,
          %swap3A_198 = arith.index_cast %add3A_142 : i32 to index
          %swap3A_199 = arith.constant 96 : index
          %swap3A_200 = tpu.vector_load %arg8[%swap3A_198, %swap3A_199] {strides = array<i32>} : memref<128x128xf32, #tpu.memory_space<vmem>>, vector<16xf32>,
          tpu.vector_store %arg8[%swap3A_198, %swap3A_199], %gather3A_175 {strides = array<i32>} : memref<128x128xf32, #tpu.memory_space<vmem>>, vector<16xf32>,
          %swap3A_201 = arith.index_cast %add3A_142 : i32 to index
          %swap3A_202 = arith.constant 112 : index
          %swap3A_203 = tpu.vector_load %arg8[%swap3A_201, %swap3A_202] {strides = array<i32>} : memref<128x128xf32, #tpu.memory_space<vmem>>, vector<16xf32>,
          tpu.vector_store %arg8[%swap3A_201, %swap3A_202], %gather3A_180 {strides = array<i32>} : memref<128x128xf32, #tpu.memory_space<vmem>>, vector<16xf32>,
          %mul3A_204 = arith.constant 8 : i32
          %mul3A_205 = arith.muli %mul3A_204, %scan3A_138 : i32
          %add3A_206 = arith.constant 1 : i32
          %add3A_207 = arith.addi %mul3A_205, %add3A_206 : i32
          %broadcast_in_dim3A_208 = vector.broadcast %add3A_207 : i32 to vector<16xi32>
          %iota3A_209 = tpu.iota {dimensions = array<i32: 0>} : vector<16xi32>
          %add3A_210 = arith.constant 0 : i32
          %add3A_211 = vector.broadcast %add3A_210 : i32 to vector<16xi32>
          %add3A_212 = arith.addi %add3A_211, %iota3A_209 : vector<16xi32>
          %gather3A_213 = tpu.vector_load_idx %arg6[%add3A_212, %broadcast_in_dim3A_208] : memref<128x128xf32, #tpu.memory_space<vmem>>[vector<16xi32>, vector<16xi32>], vector<16xf32>,
          %iota3A_214 = tpu.iota {dimensions = array<i32: 0>} : vector<16xi32>
          %add3A_215 = arith.constant 16 : i32
          %add3A_216 = vector.broadcast %add3A_215 : i32 to vector<16xi32>
          %add3A_217 = arith.addi %add3A_216, %iota3A_214 : vector<16xi32>
          %gather3A_218 = tpu.vector_load_idx %arg6[%add3A_217, %broadcast_in_dim3A_208] : memref<128x128xf32, #tpu.memory_space<vmem>>[vector<16xi32>, vector<16xi32>], vector<16xf32>,
          %iota3A_219 = tpu.iota {dimensions = array<i32: 0>} : vector<16xi32>
          %add3A_220 = arith.constant 32 : i32
          %add3A_221 = vector.broadcast %add3A_220 : i32 to vector<16xi32>
          %add3A_222 = arith.addi %add3A_221, %iota3A_219 : vector<16xi32>
          %gather3A_223 = tpu.vector_load_idx %arg6[%add3A_222, %broadcast_in_dim3A_208] : memref<128x128xf32, #tpu.memory_space<vmem>>[vector<16xi32>, vector<16xi32>], vector<16xf32>,
          %iota3A_224 = tpu.iota {dimensions = array<i32: 0>} : vector<16xi32>
          %add3A_225 = arith.constant 48 : i32
          %add3A_226 = vector.broadcast %add3A_225 : i32 to vector<16xi32>
          %add3A_227 = arith.addi %add3A_226, %iota3A_224 : vector<16xi32>
          %gather3A_228 = tpu.vector_load_idx %arg6[%add3A_227, %broadcast_in_dim3A_208] : memref<128x128xf32, #tpu.memory_space<vmem>>[vector<16xi32>, vector<16xi32>], vector<16xf32>,
          %iota3A_229 = tpu.iota {dimensions = array<i32: 0>} : vector<16xi32>
          %add3A_230 = arith.constant 64 : i32
          %add3A_231 = vector.broadcast %add3A_230 : i32 to vector<16xi32>
          %add3A_232 = arith.addi %add3A_231, %iota3A_229 : vector<16xi32>
          %gather3A_233 = tpu.vector_load_idx %arg6[%add3A_232, %broadcast_in_dim3A_208] : memref<128x128xf32, #tpu.memory_space<vmem>>[vector<16xi32>, vector<16xi32>], vector<16xf32>,
          %iota3A_234 = tpu.iota {dimensions = array<i32: 0>} : vector<16xi32>
          %add3A_235 = arith.constant 80 : i32
          %add3A_236 = vector.broadcast %add3A_235 : i32 to vector<16xi32>
          %add3A_237 = arith.addi %add3A_236, %iota3A_234 : vector<16xi32>
          %gather3A_238 = tpu.vector_load_idx %arg6[%add3A_237, %broadcast_in_dim3A_208] : memref<128x128xf32, #tpu.memory_space<vmem>>[vector<16xi32>, vector<16xi32>], vector<16xf32>,
          %iota3A_239 = tpu.iota {dimensions = array<i32: 0>} : vector<16xi32>
          %add3A_240 = arith.constant 96 : i32
          %add3A_241 = vector.broadcast %add3A_240 : i32 to vector<16xi32>
          %add3A_242 = arith.addi %add3A_241, %iota3A_239 : vector<16xi32>
          %gather3A_243 = tpu.vector_load_idx %arg6[%add3A_242, %broadcast_in_dim3A_208] : memref<128x128xf32, #tpu.memory_space<vmem>>[vector<16xi32>, vector<16xi32>], vector<16xf32>,
          %iota3A_244 = tpu.iota {dimensions = array<i32: 0>} : vector<16xi32>
          %add3A_245 = arith.constant 112 : i32
          %add3A_246 = vector.broadcast %add3A_245 : i32 to vector<16xi32>
          %add3A_247 = arith.addi %add3A_246, %iota3A_244 : vector<16xi32>
          %gather3A_248 = tpu.vector_load_idx %arg6[%add3A_247, %broadcast_in_dim3A_208] : memref<128x128xf32, #tpu.memory_space<vmem>>[vector<16xi32>, vector<16xi32>], vector<16xf32>,
          %swap3A_249 = arith.index_cast %add3A_207 : i32 to index
          %swap3A_250 = arith.constant 0 : index
          %swap3A_251 = tpu.vector_load %arg8[%swap3A_249, %swap3A_250] {strides = array<i32>} : memref<128x128xf32, #tpu.memory_space<vmem>>, vector<16xf32>,
          tpu.vector_store %arg8[%swap3A_249, %swap3A_250], %gather3A_213 {strides = array<i32>} : memref<128x128xf32, #tpu.memory_space<vmem>>, vector<16xf32>,
          %swap3A_252 = arith.index_cast %add3A_207 : i32 to index
          %swap3A_253 = arith.constant 16 : index
          %swap3A_254 = tpu.vector_load %arg8[%swap3A_252, %swap3A_253] {strides = array<i32>} : memref<128x128xf32, #tpu.memory_space<vmem>>, vector<16xf32>,
          tpu.vector_store %arg8[%swap3A_252, %swap3A_253], %gather3A_218 {strides = array<i32>} : memref<128x128xf32, #tpu.memory_space<vmem>>, vector<16xf32>,
          %swap3A_255 = arith.index_cast %add3A_207 : i32 to index
          %swap3A_256 = arith.constant 32 : index
          %swap3A_257 = tpu.vector_load %arg8[%swap3A_255, %swap3A_256] {strides = array<i32>} : memref<128x128xf32, #tpu.memory_space<vmem>>, vector<16xf32>,
          tpu.vector_store %arg8[%swap3A_255, %swap3A_256], %gather3A_223 {strides = array<i32>} : memref<128x128xf32, #tpu.memory_space<vmem>>, vector<16xf32>,
          %swap3A_258 = arith.index_cast %add3A_207 : i32 to index
          %swap3A_259 = arith.constant 48 : index
          %swap3A_260 = tpu.vector_load %arg8[%swap3A_258, %swap3A_259] {strides = array<i32>} : memref<128x128xf32, #tpu.memory_space<vmem>>, vector<16xf32>,
          tpu.vector_store %arg8[%swap3A_258, %swap3A_259], %gather3A_228 {strides = array<i32>} : memref<128x128xf32, #tpu.memory_space<vmem>>, vector<16xf32>,
          %swap3A_261 = arith.index_cast %add3A_207 : i32 to index
          %swap3A_262 = arith.constant 64 : index
          %swap3A_263 = tpu.vector_load %arg8[%swap3A_261, %swap3A_262] {strides = array<i32>} : memref<128x128xf32, #tpu.memory_space<vmem>>, vector<16xf32>,
          tpu.vector_store %arg8[%swap3A_261, %swap3A_262], %gather3A_233 {strides = array<i32>} : memref<128x128xf32, #tpu.memory_space<vmem>>, vector<16xf32>,
          %swap3A_264 = arith.index_cast %add3A_207 : i32 to index
          %swap3A_265 = arith.constant 80 : index
          %swap3A_266 = tpu.vector_load %arg8[%swap3A_264, %swap3A_265] {strides = array<i32>} : memref<128x128xf32, #tpu.memory_space<vmem>>, vector<16xf32>,
          tpu.vector_store %arg8[%swap3A_264, %swap3A_265], %gather3A_238 {strides = array<i32>} : memref<128x128xf32, #tpu.memory_space<vmem>>, vector<16xf32>,
          %swap3A_267 = arith.index_cast %add3A_207 : i32 to index
          %swap3A_268 = arith.constant 96 : index
          %swap3A_269 = tpu.vector_load %arg8[%swap3A_267, %swap3A_268] {strides = array<i32>} : memref<128x128xf32, #tpu.memory_space<vmem>>, vector<16xf32>,
          tpu.vector_store %arg8[%swap3A_267, %swap3A_268], %gather3A_243 {strides = array<i32>} : memref<128x128xf32, #tpu.memory_space<vmem>>, vector<16xf32>,
          %swap3A_270 = arith.index_cast %add3A_207 : i32 to index
          %swap3A_271 = arith.constant 112 : index
          %swap3A_272 = tpu.vector_load %arg8[%swap3A_270, %swap3A_271] {strides = array<i32>} : memref<128x128xf32, #tpu.memory_space<vmem>>, vector<16xf32>,
          tpu.vector_store %arg8[%swap3A_270, %swap3A_271], %gather3A_248 {strides = array<i32>} : memref<128x128xf32, #tpu.memory_space<vmem>>, vector<16xf32>,
          %mul3A_273 = arith.constant 8 : i32
          %mul3A_274 = arith.muli %mul3A_273, %scan3A_138 : i32
          %add3A_275 = arith.constant 2 : i32
          %add3A_276 = arith.addi %mul3A_274, %add3A_275 : i32
          %broadcast_in_dim3A_277 = vector.broadcast %add3A_276 : i32 to vector<16xi32>
          %iota3A_278 = tpu.iota {dimensions = array<i32: 0>} : vector<16xi32>
          %add3A_279 = arith.constant 0 : i32
          %add3A_280 = vector.broadcast %add3A_279 : i32 to vector<16xi32>
          %add3A_281 = arith.addi %add3A_280, %iota3A_278 : vector<16xi32>
          %gather3A_282 = tpu.vector_load_idx %arg6[%add3A_281, %broadcast_in_dim3A_277] : memref<128x128xf32, #tpu.memory_space<vmem>>[vector<16xi32>, vector<16xi32>], vector<16xf32>,
          %iota3A_283 = tpu.iota {dimensions = array<i32: 0>} : vector<16xi32>
          %add3A_284 = arith.constant 16 : i32
          %add3A_285 = vector.broadcast %add3A_284 : i32 to vector<16xi32>
          %add3A_286 = arith.addi %add3A_285, %iota3A_283 : vector<16xi32>
          %gather3A_287 = tpu.vector_load_idx %arg6[%add3A_286, %broadcast_in_dim3A_277] : memref<128x128xf32, #tpu.memory_space<vmem>>[vector<16xi32>, vector<16xi32>], vector<16xf32>,
          %iota3A_288 = tpu.iota {dimensions = array<i32: 0>} : vector<16xi32>
          %add3A_289 = arith.constant 32 : i32
          %add3A_290 = vector.broadcast %add3A_289 : i32 to vector<16xi32>
          %add3A_291 = arith.addi %add3A_290, %iota3A_288 : vector<16xi32>
          %gather3A_292 = tpu.vector_load_idx %arg6[%add3A_291, %broadcast_in_dim3A_277] : memref<128x128xf32, #tpu.memory_space<vmem>>[vector<16xi32>, vector<16xi32>], vector<16xf32>,
          %iota3A_293 = tpu.iota {dimensions = array<i32: 0>} : vector<16xi32>
          %add3A_294 = arith.constant 48 : i32
          %add3A_295 = vector.broadcast %add3A_294 : i32 to vector<16xi32>
          %add3A_296 = arith.addi %add3A_295, %iota3A_293 : vector<16xi32>
          %gather3A_297 = tpu.vector_load_idx %arg6[%add3A_296, %broadcast_in_dim3A_277] : memref<128x128xf32, #tpu.memory_space<vmem>>[vector<16xi32>, vector<16xi32>], vector<16xf32>,
          %iota3A_298 = tpu.iota {dimensions = array<i32: 0>} : vector<16xi32>
          %add3A_299 = arith.constant 64 : i32
          %add3A_300 = vector.broadcast %add3A_299 : i32 to vector<16xi32>
          %add3A_301 = arith.addi %add3A_300, %iota3A_298 : vector<16xi32>
          %gather3A_302 = tpu.vector_load_idx %arg6[%add3A_301, %broadcast_in_dim3A_277] : memref<128x128xf32, #tpu.memory_space<vmem>>[vector<16xi32>, vector<16xi32>], vector<16xf32>,
          %iota3A_303 = tpu.iota {dimensions = array<i32: 0>} : vector<16xi32>
          %add3A_304 = arith.constant 80 : i32
          %add3A_305 = vector.broadcast %add3A_304 : i32 to vector<16xi32>
          %add3A_306 = arith.addi %add3A_305, %iota3A_303 : vector<16xi32>
          %gather3A_307 = tpu.vector_load_idx %arg6[%add3A_306, %broadcast_in_dim3A_277] : memref<128x128xf32, #tpu.memory_space<vmem>>[vector<16xi32>, vector<16xi32>], vector<16xf32>,
          %iota3A_308 = tpu.iota {dimensions = array<i32: 0>} : vector<16xi32>
          %add3A_309 = arith.constant 96 : i32
          %add3A_310 = vector.broadcast %add3A_309 : i32 to vector<16xi32>
          %add3A_311 = arith.addi %add3A_310, %iota3A_308 : vector<16xi32>
          %gather3A_312 = tpu.vector_load_idx %arg6[%add3A_311, %broadcast_in_dim3A_277] : memref<128x128xf32, #tpu.memory_space<vmem>>[vector<16xi32>, vector<16xi32>], vector<16xf32>,
          %iota3A_313 = tpu.iota {dimensions = array<i32: 0>} : vector<16xi32>
          %add3A_314 = arith.constant 112 : i32
          %add3A_315 = vector.broadcast %add3A_314 : i32 to vector<16xi32>
          %add3A_316 = arith.addi %add3A_315, %iota3A_313 : vector<16xi32>
          %gather3A_317 = tpu.vector_load_idx %arg6[%add3A_316, %broadcast_in_dim3A_277] : memref<128x128xf32, #tpu.memory_space<vmem>>[vector<16xi32>, vector<16xi32>], vector<16xf32>,
          %swap3A_318 = arith.index_cast %add3A_276 : i32 to index
          %swap3A_319 = arith.constant 0 : index
          %swap3A_320 = tpu.vector_load %arg8[%swap3A_318, %swap3A_319] {strides = array<i32>} : memref<128x128xf32, #tpu.memory_space<vmem>>, vector<16xf32>,
          tpu.vector_store %arg8[%swap3A_318, %swap3A_319], %gather3A_282 {strides = array<i32>} : memref<128x128xf32, #tpu.memory_space<vmem>>, vector<16xf32>,
          %swap3A_321 = arith.index_cast %add3A_276 : i32 to index
          %swap3A_322 = arith.constant 16 : index
          %swap3A_323 = tpu.vector_load %arg8[%swap3A_321, %swap3A_322] {strides = array<i32>} : memref<128x128xf32, #tpu.memory_space<vmem>>, vector<16xf32>,
          tpu.vector_store %arg8[%swap3A_321, %swap3A_322], %gather3A_287 {strides = array<i32>} : memref<128x128xf32, #tpu.memory_space<vmem>>, vector<16xf32>,
          %swap3A_324 = arith.index_cast %add3A_276 : i32 to index
          %swap3A_325 = arith.constant 32 : index
          %swap3A_326 = tpu.vector_load %arg8[%swap3A_324, %swap3A_325] {strides = array<i32>} : memref<128x128xf32, #tpu.memory_space<vmem>>, vector<16xf32>,
          tpu.vector_store %arg8[%swap3A_324, %swap3A_325], %gather3A_292 {strides = array<i32>} : memref<128x128xf32, #tpu.memory_space<vmem>>, vector<16xf32>,
          %swap3A_327 = arith.index_cast %add3A_276 : i32 to index
          %swap3A_328 = arith.constant 48 : index
          %swap3A_329 = tpu.vector_load %arg8[%swap3A_327, %swap3A_328] {strides = array<i32>} : memref<128x128xf32, #tpu.memory_space<vmem>>, vector<16xf32>,
          tpu.vector_store %arg8[%swap3A_327, %swap3A_328], %gather3A_297 {strides = array<i32>} : memref<128x128xf32, #tpu.memory_space<vmem>>, vector<16xf32>,
          %swap3A_330 = arith.index_cast %add3A_276 : i32 to index
          %swap3A_331 = arith.constant 64 : index
          %swap3A_332 = tpu.vector_load %arg8[%swap3A_330, %swap3A_331] {strides = array<i32>} : memref<128x128xf32, #tpu.memory_space<vmem>>, vector<16xf32>,
          tpu.vector_store %arg8[%swap3A_330, %swap3A_331], %gather3A_302 {strides = array<i32>} : memref<128x128xf32, #tpu.memory_space<vmem>>, vector<16xf32>,
          %swap3A_333 = arith.index_cast %add3A_276 : i32 to index
          %swap3A_334 = arith.constant 80 : index
          %swap3A_335 = tpu.vector_load %arg8[%swap3A_333, %swap3A_334] {strides = array<i32>} : memref<128x128xf32, #tpu.memory_space<vmem>>, vector<16xf32>,
          tpu.vector_store %arg8[%swap3A_333, %swap3A_334], %gather3A_307 {strides = array<i32>} : memref<128x128xf32, #tpu.memory_space<vmem>>, vector<16xf32>,
          %swap3A_336 = arith.index_cast %add3A_276 : i32 to index
          %swap3A_337 = arith.constant 96 : index
          %swap3A_338 = tpu.vector_load %arg8[%swap3A_336, %swap3A_337] {strides = array<i32>} : memref<128x128xf32, #tpu.memory_space<vmem>>, vector<16xf32>,
          tpu.vector_store %arg8[%swap3A_336, %swap3A_337], %gather3A_312 {strides = array<i32>} : memref<128x128xf32, #tpu.memory_space<vmem>>, vector<16xf32>,
          %swap3A_339 = arith.index_cast %add3A_276 : i32 to index
          %swap3A_340 = arith.constant 112 : index
          %swap3A_341 = tpu.vector_load %arg8[%swap3A_339, %swap3A_340] {strides = array<i32>} : memref<128x128xf32, #tpu.memory_space<vmem>>, vector<16xf32>,
          tpu.vector_store %arg8[%swap3A_339, %swap3A_340], %gather3A_317 {strides = array<i32>} : memref<128x128xf32, #tpu.memory_space<vmem>>, vector<16xf32>,
          %mul3A_342 = arith.constant 8 : i32
          %mul3A_343 = arith.muli %mul3A_342, %scan3A_138 : i32
          %add3A_344 = arith.constant 3 : i32
          %add3A_345 = arith.addi %mul3A_343, %add3A_344 : i32
          %broadcast_in_dim3A_346 = vector.broadcast %add3A_345 : i32 to vector<16xi32>
          %iota3A_347 = tpu.iota {dimensions = array<i32: 0>} : vector<16xi32>
          %add3A_348 = arith.constant 0 : i32
          %add3A_349 = vector.broadcast %add3A_348 : i32 to vector<16xi32>
          %add3A_350 = arith.addi %add3A_349, %iota3A_347 : vector<16xi32>
          %gather3A_351 = tpu.vector_load_idx %arg6[%add3A_350, %broadcast_in_dim3A_346] : memref<128x128xf32, #tpu.memory_space<vmem>>[vector<16xi32>, vector<16xi32>], vector<16xf32>,
          %iota3A_352 = tpu.iota {dimensions = array<i32: 0>} : vector<16xi32>
          %add3A_353 = arith.constant 16 : i32
          %add3A_354 = vector.broadcast %add3A_353 : i32 to vector<16xi32>
          %add3A_355 = arith.addi %add3A_354, %iota3A_352 : vector<16xi32>
          %gather3A_356 = tpu.vector_load_idx %arg6[%add3A_355, %broadcast_in_dim3A_346] : memref<128x128xf32, #tpu.memory_space<vmem>>[vector<16xi32>, vector<16xi32>], vector<16xf32>,
          %iota3A_357 = tpu.iota {dimensions = array<i32: 0>} : vector<16xi32>
          %add3A_358 = arith.constant 32 : i32
          %add3A_359 = vector.broadcast %add3A_358 : i32 to vector<16xi32>
          %add3A_360 = arith.addi %add3A_359, %iota3A_357 : vector<16xi32>
          %gather3A_361 = tpu.vector_load_idx %arg6[%add3A_360, %broadcast_in_dim3A_346] : memref<128x128xf32, #tpu.memory_space<vmem>>[vector<16xi32>, vector<16xi32>], vector<16xf32>,
          %iota3A_362 = tpu.iota {dimensions = array<i32: 0>} : vector<16xi32>
          %add3A_363 = arith.constant 48 : i32
          %add3A_364 = vector.broadcast %add3A_363 : i32 to vector<16xi32>
          %add3A_365 = arith.addi %add3A_364, %iota3A_362 : vector<16xi32>
          %gather3A_366 = tpu.vector_load_idx %arg6[%add3A_365, %broadcast_in_dim3A_346] : memref<128x128xf32, #tpu.memory_space<vmem>>[vector<16xi32>, vector<16xi32>], vector<16xf32>,
          %iota3A_367 = tpu.iota {dimensions = array<i32: 0>} : vector<16xi32>
          %add3A_368 = arith.constant 64 : i32
          %add3A_369 = vector.broadcast %add3A_368 : i32 to vector<16xi32>
          %add3A_370 = arith.addi %add3A_369, %iota3A_367 : vector<16xi32>
          %gather3A_371 = tpu.vector_load_idx %arg6[%add3A_370, %broadcast_in_dim3A_346] : memref<128x128xf32, #tpu.memory_space<vmem>>[vector<16xi32>, vector<16xi32>], vector<16xf32>,
          %iota3A_372 = tpu.iota {dimensions = array<i32: 0>} : vector<16xi32>
          %add3A_373 = arith.constant 80 : i32
          %add3A_374 = vector.broadcast %add3A_373 : i32 to vector<16xi32>
          %add3A_375 = arith.addi %add3A_374, %iota3A_372 : vector<16xi32>
          %gather3A_376 = tpu.vector_load_idx %arg6[%add3A_375, %broadcast_in_dim3A_346] : memref<128x128xf32, #tpu.memory_space<vmem>>[vector<16xi32>, vector<16xi32>], vector<16xf32>,
          %iota3A_377 = tpu.iota {dimensions = array<i32: 0>} : vector<16xi32>
          %add3A_378 = arith.constant 96 : i32
          %add3A_379 = vector.broadcast %add3A_378 : i32 to vector<16xi32>
          %add3A_380 = arith.addi %add3A_379, %iota3A_377 : vector<16xi32>
          %gather3A_381 = tpu.vector_load_idx %arg6[%add3A_380, %broadcast_in_dim3A_346] : memref<128x128xf32, #tpu.memory_space<vmem>>[vector<16xi32>, vector<16xi32>], vector<16xf32>,
          %iota3A_382 = tpu.iota {dimensions = array<i32: 0>} : vector<16xi32>
          %add3A_383 = arith.constant 112 : i32
          %add3A_384 = vector.broadcast %add3A_383 : i32 to vector<16xi32>
          %add3A_385 = arith.addi %add3A_384, %iota3A_382 : vector<16xi32>
          %gather3A_386 = tpu.vector_load_idx %arg6[%add3A_385, %broadcast_in_dim3A_346] : memref<128x128xf32, #tpu.memory_space<vmem>>[vector<16xi32>, vector<16xi32>], vector<16xf32>,
          %swap3A_387 = arith.index_cast %add3A_345 : i32 to index
          %swap3A_388 = arith.constant 0 : index
          %swap3A_389 = tpu.vector_load %arg8[%swap3A_387, %swap3A_388] {strides = array<i32>} : memref<128x128xf32, #tpu.memory_space<vmem>>, vector<16xf32>,
          tpu.vector_store %arg8[%swap3A_387, %swap3A_388], %gather3A_351 {strides = array<i32>} : memref<128x128xf32, #tpu.memory_space<vmem>>, vector<16xf32>,
          %swap3A_390 = arith.index_cast %add3A_345 : i32 to index
          %swap3A_391 = arith.constant 16 : index
          %swap3A_392 = tpu.vector_load %arg8[%swap3A_390, %swap3A_391] {strides = array<i32>} : memref<128x128xf32, #tpu.memory_space<vmem>>, vector<16xf32>,
          tpu.vector_store %arg8[%swap3A_390, %swap3A_391], %gather3A_356 {strides = array<i32>} : memref<128x128xf32, #tpu.memory_space<vmem>>, vector<16xf32>,
          %swap3A_393 = arith.index_cast %add3A_345 : i32 to index
          %swap3A_394 = arith.constant 32 : index
          %swap3A_395 = tpu.vector_load %arg8[%swap3A_393, %swap3A_394] {strides = array<i32>} : memref<128x128xf32, #tpu.memory_space<vmem>>, vector<16xf32>,
          tpu.vector_store %arg8[%swap3A_393, %swap3A_394], %gather3A_361 {strides = array<i32>} : memref<128x128xf32, #tpu.memory_space<vmem>>, vector<16xf32>,
          %swap3A_396 = arith.index_cast %add3A_345 : i32 to index
          %swap3A_397 = arith.constant 48 : index
          %swap3A_398 = tpu.vector_load %arg8[%swap3A_396, %swap3A_397] {strides = array<i32>} : memref<128x128xf32, #tpu.memory_space<vmem>>, vector<16xf32>,
          tpu.vector_store %arg8[%swap3A_396, %swap3A_397], %gather3A_366 {strides = array<i32>} : memref<128x128xf32, #tpu.memory_space<vmem>>, vector<16xf32>,
          %swap3A_399 = arith.index_cast %add3A_345 : i32 to index
          %swap3A_400 = arith.constant 64 : index
          %swap3A_401 = tpu.vector_load %arg8[%swap3A_399, %swap3A_400] {strides = array<i32>} : memref<128x128xf32, #tpu.memory_space<vmem>>, vector<16xf32>,
          tpu.vector_store %arg8[%swap3A_399, %swap3A_400], %gather3A_371 {strides = array<i32>} : memref<128x128xf32, #tpu.memory_space<vmem>>, vector<16xf32>,
          %swap3A_402 = arith.index_cast %add3A_345 : i32 to index
          %swap3A_403 = arith.constant 80 : index
          %swap3A_404 = tpu.vector_load %arg8[%swap3A_402, %swap3A_403] {strides = array<i32>} : memref<128x128xf32, #tpu.memory_space<vmem>>, vector<16xf32>,
          tpu.vector_store %arg8[%swap3A_402, %swap3A_403], %gather3A_376 {strides = array<i32>} : memref<128x128xf32, #tpu.memory_space<vmem>>, vector<16xf32>,
          %swap3A_405 = arith.index_cast %add3A_345 : i32 to index
          %swap3A_406 = arith.constant 96 : index
          %swap3A_407 = tpu.vector_load %arg8[%swap3A_405, %swap3A_406] {strides = array<i32>} : memref<128x128xf32, #tpu.memory_space<vmem>>, vector<16xf32>,
          tpu.vector_store %arg8[%swap3A_405, %swap3A_406], %gather3A_381 {strides = array<i32>} : memref<128x128xf32, #tpu.memory_space<vmem>>, vector<16xf32>,
          %swap3A_408 = arith.index_cast %add3A_345 : i32 to index
          %swap3A_409 = arith.constant 112 : index
          %swap3A_410 = tpu.vector_load %arg8[%swap3A_408, %swap3A_409] {strides = array<i32>} : memref<128x128xf32, #tpu.memory_space<vmem>>, vector<16xf32>,
          tpu.vector_store %arg8[%swap3A_408, %swap3A_409], %gather3A_386 {strides = array<i32>} : memref<128x128xf32, #tpu.memory_space<vmem>>, vector<16xf32>,
          %mul3A_411 = arith.constant 8 : i32
          %mul3A_412 = arith.muli %mul3A_411, %scan3A_138 : i32
          %add3A_413 = arith.constant 4 : i32
          %add3A_414 = arith.addi %mul3A_412, %add3A_413 : i32
          %broadcast_in_dim3A_415 = vector.broadcast %add3A_414 : i32 to vector<16xi32>
          %iota3A_416 = tpu.iota {dimensions = array<i32: 0>} : vector<16xi32>
          %add3A_417 = arith.constant 0 : i32
          %add3A_418 = vector.broadcast %add3A_417 : i32 to vector<16xi32>
          %add3A_419 = arith.addi %add3A_418, %iota3A_416 : vector<16xi32>
          %gather3A_420 = tpu.vector_load_idx %arg6[%add3A_419, %broadcast_in_dim3A_415] : memref<128x128xf32, #tpu.memory_space<vmem>>[vector<16xi32>, vector<16xi32>], vector<16xf32>,
          %iota3A_421 = tpu.iota {dimensions = array<i32: 0>} : vector<16xi32>
          %add3A_422 = arith.constant 16 : i32
          %add3A_423 = vector.broadcast %add3A_422 : i32 to vector<16xi32>
          %add3A_424 = arith.addi %add3A_423, %iota3A_421 : vector<16xi32>
          %gather3A_425 = tpu.vector_load_idx %arg6[%add3A_424, %broadcast_in_dim3A_415] : memref<128x128xf32, #tpu.memory_space<vmem>>[vector<16xi32>, vector<16xi32>], vector<16xf32>,
          %iota3A_426 = tpu.iota {dimensions = array<i32: 0>} : vector<16xi32>
          %add3A_427 = arith.constant 32 : i32
          %add3A_428 = vector.broadcast %add3A_427 : i32 to vector<16xi32>
          %add3A_429 = arith.addi %add3A_428, %iota3A_426 : vector<16xi32>
          %gather3A_430 = tpu.vector_load_idx %arg6[%add3A_429, %broadcast_in_dim3A_415] : memref<128x128xf32, #tpu.memory_space<vmem>>[vector<16xi32>, vector<16xi32>], vector<16xf32>,
          %iota3A_431 = tpu.iota {dimensions = array<i32: 0>} : vector<16xi32>
          %add3A_432 = arith.constant 48 : i32
          %add3A_433 = vector.broadcast %add3A_432 : i32 to vector<16xi32>
          %add3A_434 = arith.addi %add3A_433, %iota3A_431 : vector<16xi32>
          %gather3A_435 = tpu.vector_load_idx %arg6[%add3A_434, %broadcast_in_dim3A_415] : memref<128x128xf32, #tpu.memory_space<vmem>>[vector<16xi32>, vector<16xi32>], vector<16xf32>,
          %iota3A_436 = tpu.iota {dimensions = array<i32: 0>} : vector<16xi32>
          %add3A_437 = arith.constant 64 : i32
          %add3A_438 = vector.broadcast %add3A_437 : i32 to vector<16xi32>
          %add3A_439 = arith.addi %add3A_438, %iota3A_436 : vector<16xi32>
          %gather3A_440 = tpu.vector_load_idx %arg6[%add3A_439, %broadcast_in_dim3A_415] : memref<128x128xf32, #tpu.memory_space<vmem>>[vector<16xi32>, vector<16xi32>], vector<16xf32>,
          %iota3A_441 = tpu.iota {dimensions = array<i32: 0>} : vector<16xi32>
          %add3A_442 = arith.constant 80 : i32
          %add3A_443 = vector.broadcast %add3A_442 : i32 to vector<16xi32>
          %add3A_444 = arith.addi %add3A_443, %iota3A_441 : vector<16xi32>
          %gather3A_445 = tpu.vector_load_idx %arg6[%add3A_444, %broadcast_in_dim3A_415] : memref<128x128xf32, #tpu.memory_space<vmem>>[vector<16xi32>, vector<16xi32>], vector<16xf32>,
          %iota3A_446 = tpu.iota {dimensions = array<i32: 0>} : vector<16xi32>
          %add3A_447 = arith.constant 96 : i32
          %add3A_448 = vector.broadcast %add3A_447 : i32 to vector<16xi32>
          %add3A_449 = arith.addi %add3A_448, %iota3A_446 : vector<16xi32>
          %gather3A_450 = tpu.vector_load_idx %arg6[%add3A_449, %broadcast_in_dim3A_415] : memref<128x128xf32, #tpu.memory_space<vmem>>[vector<16xi32>, vector<16xi32>], vector<16xf32>,
          %iota3A_451 = tpu.iota {dimensions = array<i32: 0>} : vector<16xi32>
          %add3A_452 = arith.constant 112 : i32
          %add3A_453 = vector.broadcast %add3A_452 : i32 to vector<16xi32>
          %add3A_454 = arith.addi %add3A_453, %iota3A_451 : vector<16xi32>
          %gather3A_455 = tpu.vector_load_idx %arg6[%add3A_454, %broadcast_in_dim3A_415] : memref<128x128xf32, #tpu.memory_space<vmem>>[vector<16xi32>, vector<16xi32>], vector<16xf32>,
          %swap3A_456 = arith.index_cast %add3A_414 : i32 to index
          %swap3A_457 = arith.constant 0 : index
          %swap3A_458 = tpu.vector_load %arg8[%swap3A_456, %swap3A_457] {strides = array<i32>} : memref<128x128xf32, #tpu.memory_space<vmem>>, vector<16xf32>,
          tpu.vector_store %arg8[%swap3A_456, %swap3A_457], %gather3A_420 {strides = array<i32>} : memref<128x128xf32, #tpu.memory_space<vmem>>, vector<16xf32>,
          %swap3A_459 = arith.index_cast %add3A_414 : i32 to index
          %swap3A_460 = arith.constant 16 : index
          %swap3A_461 = tpu.vector_load %arg8[%swap3A_459, %swap3A_460] {strides = array<i32>} : memref<128x128xf32, #tpu.memory_space<vmem>>, vector<16xf32>,
          tpu.vector_store %arg8[%swap3A_459, %swap3A_460], %gather3A_425 {strides = array<i32>} : memref<128x128xf32, #tpu.memory_space<vmem>>, vector<16xf32>,
          %swap3A_462 = arith.index_cast %add3A_414 : i32 to index
          %swap3A_463 = arith.constant 32 : index
          %swap3A_464 = tpu.vector_load %arg8[%swap3A_462, %swap3A_463] {strides = array<i32>} : memref<128x128xf32, #tpu.memory_space<vmem>>, vector<16xf32>,
          tpu.vector_store %arg8[%swap3A_462, %swap3A_463], %gather3A_430 {strides = array<i32>} : memref<128x128xf32, #tpu.memory_space<vmem>>, vector<16xf32>,
          %swap3A_465 = arith.index_cast %add3A_414 : i32 to index
          %swap3A_466 = arith.constant 48 : index
          %swap3A_467 = tpu.vector_load %arg8[%swap3A_465, %swap3A_466] {strides = array<i32>} : memref<128x128xf32, #tpu.memory_space<vmem>>, vector<16xf32>,
          tpu.vector_store %arg8[%swap3A_465, %swap3A_466], %gather3A_435 {strides = array<i32>} : memref<128x128xf32, #tpu.memory_space<vmem>>, vector<16xf32>,
          %swap3A_468 = arith.index_cast %add3A_414 : i32 to index
          %swap3A_469 = arith.constant 64 : index
          %swap3A_470 = tpu.vector_load %arg8[%swap3A_468, %swap3A_469] {strides = array<i32>} : memref<128x128xf32, #tpu.memory_space<vmem>>, vector<16xf32>,
          tpu.vector_store %arg8[%swap3A_468, %swap3A_469], %gather3A_440 {strides = array<i32>} : memref<128x128xf32, #tpu.memory_space<vmem>>, vector<16xf32>,
          %swap3A_471 = arith.index_cast %add3A_414 : i32 to index
          %swap3A_472 = arith.constant 80 : index
          %swap3A_473 = tpu.vector_load %arg8[%swap3A_471, %swap3A_472] {strides = array<i32>} : memref<128x128xf32, #tpu.memory_space<vmem>>, vector<16xf32>,
          tpu.vector_store %arg8[%swap3A_471, %swap3A_472], %gather3A_445 {strides = array<i32>} : memref<128x128xf32, #tpu.memory_space<vmem>>, vector<16xf32>,
          %swap3A_474 = arith.index_cast %add3A_414 : i32 to index
          %swap3A_475 = arith.constant 96 : index
          %swap3A_476 = tpu.vector_load %arg8[%swap3A_474, %swap3A_475] {strides = array<i32>} : memref<128x128xf32, #tpu.memory_space<vmem>>, vector<16xf32>,
          tpu.vector_store %arg8[%swap3A_474, %swap3A_475], %gather3A_450 {strides = array<i32>} : memref<128x128xf32, #tpu.memory_space<vmem>>, vector<16xf32>,
          %swap3A_477 = arith.index_cast %add3A_414 : i32 to index
          %swap3A_478 = arith.constant 112 : index
          %swap3A_479 = tpu.vector_load %arg8[%swap3A_477, %swap3A_478] {strides = array<i32>} : memref<128x128xf32, #tpu.memory_space<vmem>>, vector<16xf32>,
          tpu.vector_store %arg8[%swap3A_477, %swap3A_478], %gather3A_455 {strides = array<i32>} : memref<128x128xf32, #tpu.memory_space<vmem>>, vector<16xf32>,
          %mul3A_480 = arith.constant 8 : i32
          %mul3A_481 = arith.muli %mul3A_480, %scan3A_138 : i32
          %add3A_482 = arith.constant 5 : i32
          %add3A_483 = arith.addi %mul3A_481, %add3A_482 : i32
          %broadcast_in_dim3A_484 = vector.broadcast %add3A_483 : i32 to vector<16xi32>
          %iota3A_485 = tpu.iota {dimensions = array<i32: 0>} : vector<16xi32>
          %add3A_486 = arith.constant 0 : i32
          %add3A_487 = vector.broadcast %add3A_486 : i32 to vector<16xi32>
          %add3A_488 = arith.addi %add3A_487, %iota3A_485 : vector<16xi32>
          %gather3A_489 = tpu.vector_load_idx %arg6[%add3A_488, %broadcast_in_dim3A_484] : memref<128x128xf32, #tpu.memory_space<vmem>>[vector<16xi32>, vector<16xi32>], vector<16xf32>,
          %iota3A_490 = tpu.iota {dimensions = array<i32: 0>} : vector<16xi32>
          %add3A_491 = arith.constant 16 : i32
          %add3A_492 = vector.broadcast %add3A_491 : i32 to vector<16xi32>
          %add3A_493 = arith.addi %add3A_492, %iota3A_490 : vector<16xi32>
          %gather3A_494 = tpu.vector_load_idx %arg6[%add3A_493, %broadcast_in_dim3A_484] : memref<128x128xf32, #tpu.memory_space<vmem>>[vector<16xi32>, vector<16xi32>], vector<16xf32>,
          %iota3A_495 = tpu.iota {dimensions = array<i32: 0>} : vector<16xi32>
          %add3A_496 = arith.constant 32 : i32
          %add3A_497 = vector.broadcast %add3A_496 : i32 to vector<16xi32>
          %add3A_498 = arith.addi %add3A_497, %iota3A_495 : vector<16xi32>
          %gather3A_499 = tpu.vector_load_idx %arg6[%add3A_498, %broadcast_in_dim3A_484] : memref<128x128xf32, #tpu.memory_space<vmem>>[vector<16xi32>, vector<16xi32>], vector<16xf32>,
          %iota3A_500 = tpu.iota {dimensions = array<i32: 0>} : vector<16xi32>
          %add3A_501 = arith.constant 48 : i32
          %add3A_502 = vector.broadcast %add3A_501 : i32 to vector<16xi32>
          %add3A_503 = arith.addi %add3A_502, %iota3A_500 : vector<16xi32>
          %gather3A_504 = tpu.vector_load_idx %arg6[%add3A_503, %broadcast_in_dim3A_484] : memref<128x128xf32, #tpu.memory_space<vmem>>[vector<16xi32>, vector<16xi32>], vector<16xf32>,
          %iota3A_505 = tpu.iota {dimensions = array<i32: 0>} : vector<16xi32>
          %add3A_506 = arith.constant 64 : i32
          %add3A_507 = vector.broadcast %add3A_506 : i32 to vector<16xi32>
          %add3A_508 = arith.addi %add3A_507, %iota3A_505 : vector<16xi32>
          %gather3A_509 = tpu.vector_load_idx %arg6[%add3A_508, %broadcast_in_dim3A_484] : memref<128x128xf32, #tpu.memory_space<vmem>>[vector<16xi32>, vector<16xi32>], vector<16xf32>,
          %iota3A_510 = tpu.iota {dimensions = array<i32: 0>} : vector<16xi32>
          %add3A_511 = arith.constant 80 : i32
          %add3A_512 = vector.broadcast %add3A_511 : i32 to vector<16xi32>
          %add3A_513 = arith.addi %add3A_512, %iota3A_510 : vector<16xi32>
          %gather3A_514 = tpu.vector_load_idx %arg6[%add3A_513, %broadcast_in_dim3A_484] : memref<128x128xf32, #tpu.memory_space<vmem>>[vector<16xi32>, vector<16xi32>], vector<16xf32>,
          %iota3A_515 = tpu.iota {dimensions = array<i32: 0>} : vector<16xi32>
          %add3A_516 = arith.constant 96 : i32
          %add3A_517 = vector.broadcast %add3A_516 : i32 to vector<16xi32>
          %add3A_518 = arith.addi %add3A_517, %iota3A_515 : vector<16xi32>
          %gather3A_519 = tpu.vector_load_idx %arg6[%add3A_518, %broadcast_in_dim3A_484] : memref<128x128xf32, #tpu.memory_space<vmem>>[vector<16xi32>, vector<16xi32>], vector<16xf32>,
          %iota3A_520 = tpu.iota {dimensions = array<i32: 0>} : vector<16xi32>
          %add3A_521 = arith.constant 112 : i32
          %add3A_522 = vector.broadcast %add3A_521 : i32 to vector<16xi32>
          %add3A_523 = arith.addi %add3A_522, %iota3A_520 : vector<16xi32>
          %gather3A_524 = tpu.vector_load_idx %arg6[%add3A_523, %broadcast_in_dim3A_484] : memref<128x128xf32, #tpu.memory_space<vmem>>[vector<16xi32>, vector<16xi32>], vector<16xf32>,
          %swap3A_525 = arith.index_cast %add3A_483 : i32 to index
          %swap3A_526 = arith.constant 0 : index
          %swap3A_527 = tpu.vector_load %arg8[%swap3A_525, %swap3A_526] {strides = array<i32>} : memref<128x128xf32, #tpu.memory_space<vmem>>, vector<16xf32>,
          tpu.vector_store %arg8[%swap3A_525, %swap3A_526], %gather3A_489 {strides = array<i32>} : memref<128x128xf32, #tpu.memory_space<vmem>>, vector<16xf32>,
          %swap3A_528 = arith.index_cast %add3A_483 : i32 to index
          %swap3A_529 = arith.constant 16 : index
          %swap3A_530 = tpu.vector_load %arg8[%swap3A_528, %swap3A_529] {strides = array<i32>} : memref<128x128xf32, #tpu.memory_space<vmem>>, vector<16xf32>,
          tpu.vector_store %arg8[%swap3A_528, %swap3A_529], %gather3A_494 {strides = array<i32>} : memref<128x128xf32, #tpu.memory_space<vmem>>, vector<16xf32>,
          %swap3A_531 = arith.index_cast %add3A_483 : i32 to index
          %swap3A_532 = arith.constant 32 : index
          %swap3A_533 = tpu.vector_load %arg8[%swap3A_531, %swap3A_532] {strides = array<i32>} : memref<128x128xf32, #tpu.memory_space<vmem>>, vector<16xf32>,
          tpu.vector_store %arg8[%swap3A_531, %swap3A_532], %gather3A_499 {strides = array<i32>} : memref<128x128xf32, #tpu.memory_space<vmem>>, vector<16xf32>,
          %swap3A_534 = arith.index_cast %add3A_483 : i32 to index
          %swap3A_535 = arith.constant 48 : index
          %swap3A_536 = tpu.vector_load %arg8[%swap3A_534, %swap3A_535] {strides = array<i32>} : memref<128x128xf32, #tpu.memory_space<vmem>>, vector<16xf32>,
          tpu.vector_store %arg8[%swap3A_534, %swap3A_535], %gather3A_504 {strides = array<i32>} : memref<128x128xf32, #tpu.memory_space<vmem>>, vector<16xf32>,
          %swap3A_537 = arith.index_cast %add3A_483 : i32 to index
          %swap3A_538 = arith.constant 64 : index
          %swap3A_539 = tpu.vector_load %arg8[%swap3A_537, %swap3A_538] {strides = array<i32>} : memref<128x128xf32, #tpu.memory_space<vmem>>, vector<16xf32>,
          tpu.vector_store %arg8[%swap3A_537, %swap3A_538], %gather3A_509 {strides = array<i32>} : memref<128x128xf32, #tpu.memory_space<vmem>>, vector<16xf32>,
          %swap3A_540 = arith.index_cast %add3A_483 : i32 to index
          %swap3A_541 = arith.constant 80 : index
          %swap3A_542 = tpu.vector_load %arg8[%swap3A_540, %swap3A_541] {strides = array<i32>} : memref<128x128xf32, #tpu.memory_space<vmem>>, vector<16xf32>,
          tpu.vector_store %arg8[%swap3A_540, %swap3A_541], %gather3A_514 {strides = array<i32>} : memref<128x128xf32, #tpu.memory_space<vmem>>, vector<16xf32>,
          %swap3A_543 = arith.index_cast %add3A_483 : i32 to index
          %swap3A_544 = arith.constant 96 : index
          %swap3A_545 = tpu.vector_load %arg8[%swap3A_543, %swap3A_544] {strides = array<i32>} : memref<128x128xf32, #tpu.memory_space<vmem>>, vector<16xf32>,
          tpu.vector_store %arg8[%swap3A_543, %swap3A_544], %gather3A_519 {strides = array<i32>} : memref<128x128xf32, #tpu.memory_space<vmem>>, vector<16xf32>,
          %swap3A_546 = arith.index_cast %add3A_483 : i32 to index
          %swap3A_547 = arith.constant 112 : index
          %swap3A_548 = tpu.vector_load %arg8[%swap3A_546, %swap3A_547] {strides = array<i32>} : memref<128x128xf32, #tpu.memory_space<vmem>>, vector<16xf32>,
          tpu.vector_store %arg8[%swap3A_546, %swap3A_547], %gather3A_524 {strides = array<i32>} : memref<128x128xf32, #tpu.memory_space<vmem>>, vector<16xf32>,
          %mul3A_549 = arith.constant 8 : i32
          %mul3A_550 = arith.muli %mul3A_549, %scan3A_138 : i32
          %add3A_551 = arith.constant 6 : i32
          %add3A_552 = arith.addi %mul3A_550, %add3A_551 : i32
          %broadcast_in_dim3A_553 = vector.broadcast %add3A_552 : i32 to vector<16xi32>
          %iota3A_554 = tpu.iota {dimensions = array<i32: 0>} : vector<16xi32>
          %add3A_555 = arith.constant 0 : i32
          %add3A_556 = vector.broadcast %add3A_555 : i32 to vector<16xi32>
          %add3A_557 = arith.addi %add3A_556, %iota3A_554 : vector<16xi32>
          %gather3A_558 = tpu.vector_load_idx %arg6[%add3A_557, %broadcast_in_dim3A_553] : memref<128x128xf32, #tpu.memory_space<vmem>>[vector<16xi32>, vector<16xi32>], vector<16xf32>,
          %iota3A_559 = tpu.iota {dimensions = array<i32: 0>} : vector<16xi32>
          %add3A_560 = arith.constant 16 : i32
          %add3A_561 = vector.broadcast %add3A_560 : i32 to vector<16xi32>
          %add3A_562 = arith.addi %add3A_561, %iota3A_559 : vector<16xi32>
          %gather3A_563 = tpu.vector_load_idx %arg6[%add3A_562, %broadcast_in_dim3A_553] : memref<128x128xf32, #tpu.memory_space<vmem>>[vector<16xi32>, vector<16xi32>], vector<16xf32>,
          %iota3A_564 = tpu.iota {dimensions = array<i32: 0>} : vector<16xi32>
          %add3A_565 = arith.constant 32 : i32
          %add3A_566 = vector.broadcast %add3A_565 : i32 to vector<16xi32>
          %add3A_567 = arith.addi %add3A_566, %iota3A_564 : vector<16xi32>
          %gather3A_568 = tpu.vector_load_idx %arg6[%add3A_567, %broadcast_in_dim3A_553] : memref<128x128xf32, #tpu.memory_space<vmem>>[vector<16xi32>, vector<16xi32>], vector<16xf32>,
          %iota3A_569 = tpu.iota {dimensions = array<i32: 0>} : vector<16xi32>
          %add3A_570 = arith.constant 48 : i32
          %add3A_571 = vector.broadcast %add3A_570 : i32 to vector<16xi32>
          %add3A_572 = arith.addi %add3A_571, %iota3A_569 : vector<16xi32>
          %gather3A_573 = tpu.vector_load_idx %arg6[%add3A_572, %broadcast_in_dim3A_553] : memref<128x128xf32, #tpu.memory_space<vmem>>[vector<16xi32>, vector<16xi32>], vector<16xf32>,
          %iota3A_574 = tpu.iota {dimensions = array<i32: 0>} : vector<16xi32>
          %add3A_575 = arith.constant 64 : i32
          %add3A_576 = vector.broadcast %add3A_575 : i32 to vector<16xi32>
          %add3A_577 = arith.addi %add3A_576, %iota3A_574 : vector<16xi32>
          %gather3A_578 = tpu.vector_load_idx %arg6[%add3A_577, %broadcast_in_dim3A_553] : memref<128x128xf32, #tpu.memory_space<vmem>>[vector<16xi32>, vector<16xi32>], vector<16xf32>,
          %iota3A_579 = tpu.iota {dimensions = array<i32: 0>} : vector<16xi32>
          %add3A_580 = arith.constant 80 : i32
          %add3A_581 = vector.broadcast %add3A_580 : i32 to vector<16xi32>
          %add3A_582 = arith.addi %add3A_581, %iota3A_579 : vector<16xi32>
          %gather3A_583 = tpu.vector_load_idx %arg6[%add3A_582, %broadcast_in_dim3A_553] : memref<128x128xf32, #tpu.memory_space<vmem>>[vector<16xi32>, vector<16xi32>], vector<16xf32>,
          %iota3A_584 = tpu.iota {dimensions = array<i32: 0>} : vector<16xi32>
          %add3A_585 = arith.constant 96 : i32
          %add3A_586 = vector.broadcast %add3A_585 : i32 to vector<16xi32>
          %add3A_587 = arith.addi %add3A_586, %iota3A_584 : vector<16xi32>
          %gather3A_588 = tpu.vector_load_idx %arg6[%add3A_587, %broadcast_in_dim3A_553] : memref<128x128xf32, #tpu.memory_space<vmem>>[vector<16xi32>, vector<16xi32>], vector<16xf32>,
          %iota3A_589 = tpu.iota {dimensions = array<i32: 0>} : vector<16xi32>
          %add3A_590 = arith.constant 112 : i32
          %add3A_591 = vector.broadcast %add3A_590 : i32 to vector<16xi32>
          %add3A_592 = arith.addi %add3A_591, %iota3A_589 : vector<16xi32>
          %gather3A_593 = tpu.vector_load_idx %arg6[%add3A_592, %broadcast_in_dim3A_553] : memref<128x128xf32, #tpu.memory_space<vmem>>[vector<16xi32>, vector<16xi32>], vector<16xf32>,
          %swap3A_594 = arith.index_cast %add3A_552 : i32 to index
          %swap3A_595 = arith.constant 0 : index
          %swap3A_596 = tpu.vector_load %arg8[%swap3A_594, %swap3A_595] {strides = array<i32>} : memref<128x128xf32, #tpu.memory_space<vmem>>, vector<16xf32>,
          tpu.vector_store %arg8[%swap3A_594, %swap3A_595], %gather3A_558 {strides = array<i32>} : memref<128x128xf32, #tpu.memory_space<vmem>>, vector<16xf32>,
          %swap3A_597 = arith.index_cast %add3A_552 : i32 to index
          %swap3A_598 = arith.constant 16 : index
          %swap3A_599 = tpu.vector_load %arg8[%swap3A_597, %swap3A_598] {strides = array<i32>} : memref<128x128xf32, #tpu.memory_space<vmem>>, vector<16xf32>,
          tpu.vector_store %arg8[%swap3A_597, %swap3A_598], %gather3A_563 {strides = array<i32>} : memref<128x128xf32, #tpu.memory_space<vmem>>, vector<16xf32>,
          %swap3A_600 = arith.index_cast %add3A_552 : i32 to index
          %swap3A_601 = arith.constant 32 : index
          %swap3A_602 = tpu.vector_load %arg8[%swap3A_600, %swap3A_601] {strides = array<i32>} : memref<128x128xf32, #tpu.memory_space<vmem>>, vector<16xf32>,
          tpu.vector_store %arg8[%swap3A_600, %swap3A_601], %gather3A_568 {strides = array<i32>} : memref<128x128xf32, #tpu.memory_space<vmem>>, vector<16xf32>,
          %swap3A_603 = arith.index_cast %add3A_552 : i32 to index
          %swap3A_604 = arith.constant 48 : index
          %swap3A_605 = tpu.vector_load %arg8[%swap3A_603, %swap3A_604] {strides = array<i32>} : memref<128x128xf32, #tpu.memory_space<vmem>>, vector<16xf32>,
          tpu.vector_store %arg8[%swap3A_603, %swap3A_604], %gather3A_573 {strides = array<i32>} : memref<128x128xf32, #tpu.memory_space<vmem>>, vector<16xf32>,
          %swap3A_606 = arith.index_cast %add3A_552 : i32 to index
          %swap3A_607 = arith.constant 64 : index
          %swap3A_608 = tpu.vector_load %arg8[%swap3A_606, %swap3A_607] {strides = array<i32>} : memref<128x128xf32, #tpu.memory_space<vmem>>, vector<16xf32>,
          tpu.vector_store %arg8[%swap3A_606, %swap3A_607], %gather3A_578 {strides = array<i32>} : memref<128x128xf32, #tpu.memory_space<vmem>>, vector<16xf32>,
          %swap3A_609 = arith.index_cast %add3A_552 : i32 to index
          %swap3A_610 = arith.constant 80 : index
          %swap3A_611 = tpu.vector_load %arg8[%swap3A_609, %swap3A_610] {strides = array<i32>} : memref<128x128xf32, #tpu.memory_space<vmem>>, vector<16xf32>,
          tpu.vector_store %arg8[%swap3A_609, %swap3A_610], %gather3A_583 {strides = array<i32>} : memref<128x128xf32, #tpu.memory_space<vmem>>, vector<16xf32>,
          %swap3A_612 = arith.index_cast %add3A_552 : i32 to index
          %swap3A_613 = arith.constant 96 : index
          %swap3A_614 = tpu.vector_load %arg8[%swap3A_612, %swap3A_613] {strides = array<i32>} : memref<128x128xf32, #tpu.memory_space<vmem>>, vector<16xf32>,
          tpu.vector_store %arg8[%swap3A_612, %swap3A_613], %gather3A_588 {strides = array<i32>} : memref<128x128xf32, #tpu.memory_space<vmem>>, vector<16xf32>,
          %swap3A_615 = arith.index_cast %add3A_552 : i32 to index
          %swap3A_616 = arith.constant 112 : index
          %swap3A_617 = tpu.vector_load %arg8[%swap3A_615, %swap3A_616] {strides = array<i32>} : memref<128x128xf32, #tpu.memory_space<vmem>>, vector<16xf32>,
          tpu.vector_store %arg8[%swap3A_615, %swap3A_616], %gather3A_593 {strides = array<i32>} : memref<128x128xf32, #tpu.memory_space<vmem>>, vector<16xf32>,
          %mul3A_618 = arith.constant 8 : i32
          %mul3A_619 = arith.muli %mul3A_618, %scan3A_138 : i32
          %add3A_620 = arith.constant 7 : i32
          %add3A_621 = arith.addi %mul3A_619, %add3A_620 : i32
          %broadcast_in_dim3A_622 = vector.broadcast %add3A_621 : i32 to vector<16xi32>
          %iota3A_623 = tpu.iota {dimensions = array<i32: 0>} : vector<16xi32>
          %add3A_624 = arith.constant 0 : i32
          %add3A_625 = vector.broadcast %add3A_624 : i32 to vector<16xi32>
          %add3A_626 = arith.addi %add3A_625, %iota3A_623 : vector<16xi32>
          %gather3A_627 = tpu.vector_load_idx %arg6[%add3A_626, %broadcast_in_dim3A_622] : memref<128x128xf32, #tpu.memory_space<vmem>>[vector<16xi32>, vector<16xi32>], vector<16xf32>,
          %iota3A_628 = tpu.iota {dimensions = array<i32: 0>} : vector<16xi32>
          %add3A_629 = arith.constant 16 : i32
          %add3A_630 = vector.broadcast %add3A_629 : i32 to vector<16xi32>
          %add3A_631 = arith.addi %add3A_630, %iota3A_628 : vector<16xi32>
          %gather3A_632 = tpu.vector_load_idx %arg6[%add3A_631, %broadcast_in_dim3A_622] : memref<128x128xf32, #tpu.memory_space<vmem>>[vector<16xi32>, vector<16xi32>], vector<16xf32>,
          %iota3A_633 = tpu.iota {dimensions = array<i32: 0>} : vector<16xi32>
          %add3A_634 = arith.constant 32 : i32
          %add3A_635 = vector.broadcast %add3A_634 : i32 to vector<16xi32>
          %add3A_636 = arith.addi %add3A_635, %iota3A_633 : vector<16xi32>
          %gather3A_637 = tpu.vector_load_idx %arg6[%add3A_636, %broadcast_in_dim3A_622] : memref<128x128xf32, #tpu.memory_space<vmem>>[vector<16xi32>, vector<16xi32>], vector<16xf32>,
          %iota3A_638 = tpu.iota {dimensions = array<i32: 0>} : vector<16xi32>
          %add3A_639 = arith.constant 48 : i32
          %add3A_640 = vector.broadcast %add3A_639 : i32 to vector<16xi32>
          %add3A_641 = arith.addi %add3A_640, %iota3A_638 : vector<16xi32>
          %gather3A_642 = tpu.vector_load_idx %arg6[%add3A_641, %broadcast_in_dim3A_622] : memref<128x128xf32, #tpu.memory_space<vmem>>[vector<16xi32>, vector<16xi32>], vector<16xf32>,
          %iota3A_643 = tpu.iota {dimensions = array<i32: 0>} : vector<16xi32>
          %add3A_644 = arith.constant 64 : i32
          %add3A_645 = vector.broadcast %add3A_644 : i32 to vector<16xi32>
          %add3A_646 = arith.addi %add3A_645, %iota3A_643 : vector<16xi32>
          %gather3A_647 = tpu.vector_load_idx %arg6[%add3A_646, %broadcast_in_dim3A_622] : memref<128x128xf32, #tpu.memory_space<vmem>>[vector<16xi32>, vector<16xi32>], vector<16xf32>,
          %iota3A_648 = tpu.iota {dimensions = array<i32: 0>} : vector<16xi32>
          %add3A_649 = arith.constant 80 : i32
          %add3A_650 = vector.broadcast %add3A_649 : i32 to vector<16xi32>
          %add3A_651 = arith.addi %add3A_650, %iota3A_648 : vector<16xi32>
          %gather3A_652 = tpu.vector_load_idx %arg6[%add3A_651, %broadcast_in_dim3A_622] : memref<128x128xf32, #tpu.memory_space<vmem>>[vector<16xi32>, vector<16xi32>], vector<16xf32>,
          %iota3A_653 = tpu.iota {dimensions = array<i32: 0>} : vector<16xi32>
          %add3A_654 = arith.constant 96 : i32
          %add3A_655 = vector.broadcast %add3A_654 : i32 to vector<16xi32>
          %add3A_656 = arith.addi %add3A_655, %iota3A_653 : vector<16xi32>
          %gather3A_657 = tpu.vector_load_idx %arg6[%add3A_656, %broadcast_in_dim3A_622] : memref<128x128xf32, #tpu.memory_space<vmem>>[vector<16xi32>, vector<16xi32>], vector<16xf32>,
          %iota3A_658 = tpu.iota {dimensions = array<i32: 0>} : vector<16xi32>
          %add3A_659 = arith.constant 112 : i32
          %add3A_660 = vector.broadcast %add3A_659 : i32 to vector<16xi32>
          %add3A_661 = arith.addi %add3A_660, %iota3A_658 : vector<16xi32>
          %gather3A_662 = tpu.vector_load_idx %arg6[%add3A_661, %broadcast_in_dim3A_622] : memref<128x128xf32, #tpu.memory_space<vmem>>[vector<16xi32>, vector<16xi32>], vector<16xf32>,
          %swap3A_663 = arith.index_cast %add3A_621 : i32 to index
          %swap3A_664 = arith.constant 0 : index
          %swap3A_665 = tpu.vector_load %arg8[%swap3A_663, %swap3A_664] {strides = array<i32>} : memref<128x128xf32, #tpu.memory_space<vmem>>, vector<16xf32>,
          tpu.vector_store %arg8[%swap3A_663, %swap3A_664], %gather3A_627 {strides = array<i32>} : memref<128x128xf32, #tpu.memory_space<vmem>>, vector<16xf32>,
          %swap3A_666 = arith.index_cast %add3A_621 : i32 to index
          %swap3A_667 = arith.constant 16 : index
          %swap3A_668 = tpu.vector_load %arg8[%swap3A_666, %swap3A_667] {strides = array<i32>} : memref<128x128xf32, #tpu.memory_space<vmem>>, vector<16xf32>,
          tpu.vector_store %arg8[%swap3A_666, %swap3A_667], %gather3A_632 {strides = array<i32>} : memref<128x128xf32, #tpu.memory_space<vmem>>, vector<16xf32>,
          %swap3A_669 = arith.index_cast %add3A_621 : i32 to index
          %swap3A_670 = arith.constant 32 : index
          %swap3A_671 = tpu.vector_load %arg8[%swap3A_669, %swap3A_670] {strides = array<i32>} : memref<128x128xf32, #tpu.memory_space<vmem>>, vector<16xf32>,
          tpu.vector_store %arg8[%swap3A_669, %swap3A_670], %gather3A_637 {strides = array<i32>} : memref<128x128xf32, #tpu.memory_space<vmem>>, vector<16xf32>,
          %swap3A_672 = arith.index_cast %add3A_621 : i32 to index
          %swap3A_673 = arith.constant 48 : index
          %swap3A_674 = tpu.vector_load %arg8[%swap3A_672, %swap3A_673] {strides = array<i32>} : memref<128x128xf32, #tpu.memory_space<vmem>>, vector<16xf32>,
          tpu.vector_store %arg8[%swap3A_672, %swap3A_673], %gather3A_642 {strides = array<i32>} : memref<128x128xf32, #tpu.memory_space<vmem>>, vector<16xf32>,
          %swap3A_675 = arith.index_cast %add3A_621 : i32 to index
          %swap3A_676 = arith.constant 64 : index
          %swap3A_677 = tpu.vector_load %arg8[%swap3A_675, %swap3A_676] {strides = array<i32>} : memref<128x128xf32, #tpu.memory_space<vmem>>, vector<16xf32>,
          tpu.vector_store %arg8[%swap3A_675, %swap3A_676], %gather3A_647 {strides = array<i32>} : memref<128x128xf32, #tpu.memory_space<vmem>>, vector<16xf32>,
          %swap3A_678 = arith.index_cast %add3A_621 : i32 to index
          %swap3A_679 = arith.constant 80 : index
          %swap3A_680 = tpu.vector_load %arg8[%swap3A_678, %swap3A_679] {strides = array<i32>} : memref<128x128xf32, #tpu.memory_space<vmem>>, vector<16xf32>,
          tpu.vector_store %arg8[%swap3A_678, %swap3A_679], %gather3A_652 {strides = array<i32>} : memref<128x128xf32, #tpu.memory_space<vmem>>, vector<16xf32>,
          %swap3A_681 = arith.index_cast %add3A_621 : i32 to index
          %swap3A_682 = arith.constant 96 : index
          %swap3A_683 = tpu.vector_load %arg8[%swap3A_681, %swap3A_682] {strides = array<i32>} : memref<128x128xf32, #tpu.memory_space<vmem>>, vector<16xf32>,
          tpu.vector_store %arg8[%swap3A_681, %swap3A_682], %gather3A_657 {strides = array<i32>} : memref<128x128xf32, #tpu.memory_space<vmem>>, vector<16xf32>,
          %swap3A_684 = arith.index_cast %add3A_621 : i32 to index
          %swap3A_685 = arith.constant 112 : index
          %swap3A_686 = tpu.vector_load %arg8[%swap3A_684, %swap3A_685] {strides = array<i32>} : memref<128x128xf32, #tpu.memory_space<vmem>>, vector<16xf32>,
          tpu.vector_store %arg8[%swap3A_684, %swap3A_685], %gather3A_662 {strides = array<i32>} : memref<128x128xf32, #tpu.memory_space<vmem>>, vector<16xf32>,
        }
        %scan3A_131 = arith.constant 16 : i32
        %mul3A_132 = arith.constant 128 : i32
        %mul3A_133 = arith.muli %add3A_101, %mul3A_132 : i32
        %dma_start3A_134 = arith.constant 0 : i32
        %dma_start3A_135 = tpu.memref_slice %arg4[%dma_start3A_134, %mul3A_133] : memref<144x320000xf32, #tpu.memory_space<hbm>> -> memref<128x128xf32, #tpu.memory_space<hbm>>
        %dma_start3A_136 = arith.constant 0 : i32
        %dma_start3A_137 = tpu.memref_slice %arg4[%dma_start3A_136, %mul3A_133] : memref<144x320000xf32, #tpu.memory_space<hbm>> -> memref<128x128xf32, #tpu.memory_space<hbm>>
        tpu.enqueue_dma source(%arg8 : memref<128x128xf32, #tpu.memory_space<vmem>>) target(%dma_start3A_137 : memref<128x128xf32, #tpu.memory_space<hbm>>) target_semaphore(%arg12 : memref<!tpu.dma_semaphore, #tpu.memory_space<semaphore_mem>>)
      } else {
      }
      %add3A_105 = arith.constant 1 : i32
      %add3A_106 = arith.addi %add3A_101, %add3A_105 : i32
      %lt3A_107 = arith.cmpi slt, %add3A_106, %select_n3A_46 : i32
      %convert_element_type3A_108 = arith.extui %lt3A_107 : i1 to i32
      %cond3A_109 = arith.constant 0 : i32
      %cond3A_110 = arith.cmpi ne, %convert_element_type3A_108, %cond3A_109 : i32
      scf.if %cond3A_110 {
        %dma_wait3A = arith.constant 0 : i32
        %dma_wait3A_111 = tpu.memref_slice %arg5[%dma_wait3A] : memref<10112xi32, #tpu.memory_space<vmem>> -> memref<128xi32, #tpu.memory_space<vmem>>
        %dma_wait3A_112 = arith.constant 0 : i32
        %dma_wait3A_113 = arith.constant 0 : i32
        %dma_wait3A_114 = tpu.memref_slice %arg2[%dma_wait3A_112, %dma_wait3A_113] : memref<10000x128xf32, #tpu.memory_space<hbm>> -> memref<10000x128xf32, #tpu.memory_space<hbm>>
        tpu.wait_indirect_dma semaphore(%arg11 : memref<!tpu.dma_semaphore, #tpu.memory_space<semaphore_mem>>) src(%dma_wait3A_114 : memref<10000x128xf32, #tpu.memory_space<hbm>>) dst(%arg7 : memref<128x128xf32, #tpu.memory_space<vmem>>)
        %add3A_115 = arith.constant 1 : i32
        %add3A_116 = arith.addi %add3A_106, %add3A_115 : i32
        %lt3A_117 = arith.cmpi slt, %add3A_116, %select_n3A_46 : i32
        %convert_element_type3A_118 = arith.extui %lt3A_117 : i1 to i32
        %cond3A_119 = arith.constant 0 : i32
        %cond3A_120 = arith.cmpi ne, %convert_element_type3A_118, %cond3A_119 : i32
        scf.if %cond3A_120 {
          %add3A_138 = arith.constant 1 : i32
          %add3A_139 = arith.addi %add3A_106, %add3A_138 : i32
          %sub3A_140 = arith.subi %add3A_139, %select_n3A : i32
          %mul3A_141 = arith.constant 128 : i32
          %mul3A_142 = arith.muli %sub3A_140, %mul3A_141 : i32
          %dma_start3A_143 = tpu.memref_slice %arg5[%mul3A_142] : memref<10112xi32, #tpu.memory_space<vmem>> -> memref<128xi32, #tpu.memory_space<vmem>>
          %dma_start3A_144 = arith.constant 0 : i32
          %dma_start3A_145 = arith.constant 0 : i32
          %dma_start3A_146 = tpu.memref_slice %arg2[%dma_start3A_144, %dma_start3A_145] : memref<10000x128xf32, #tpu.memory_space<hbm>> -> memref<10000x128xf32, #tpu.memory_space<hbm>>
          tpu.enqueue_indirect_dma source(%dma_start3A_146 : memref<10000x128xf32, #tpu.memory_space<hbm>>) target(%arg6 : memref<128x128xf32, #tpu.memory_space<vmem>>) offsets(%dma_start3A_143 : memref<128xi32, #tpu.memory_space<vmem>>) semaphore(%arg10 : memref<!tpu.dma_semaphore, #tpu.memory_space<semaphore_mem>>)
        } else {
        }
        %add3A_121 = arith.constant 2 : i32
        %add3A_122 = arith.addi %select_n3A, %add3A_121 : i32
        %ge3A_123 = arith.cmpi sge, %add3A_106, %add3A_122 : i32
        %convert_element_type3A_124 = arith.extui %ge3A_123 : i1 to i32
        %cond3A_125 = arith.constant 0 : i32
        %cond3A_126 = arith.cmpi ne, %convert_element_type3A_124, %cond3A_125 : i32
        scf.if %cond3A_126 {
          %mul3A_138 = arith.constant 128 : i32
          %mul3A_139 = arith.muli %add3A_106, %mul3A_138 : i32
          %dma_wait3A_140 = arith.constant 0 : i32
          %dma_wait3A_141 = tpu.memref_slice %arg4[%dma_wait3A_140, %mul3A_139] : memref<144x320000xf32, #tpu.memory_space<hbm>> -> memref<128x128xf32, #tpu.memory_space<hbm>>
          %dma_wait3A_142 = arith.constant 0 : i32
          %dma_wait3A_143 = tpu.memref_slice %arg4[%dma_wait3A_142, %mul3A_139] : memref<144x320000xf32, #tpu.memory_space<hbm>> -> memref<128x128xf32, #tpu.memory_space<hbm>>
          tpu.wait_dma2 semaphore(%arg13 : memref<!tpu.dma_semaphore, #tpu.memory_space<semaphore_mem>>) src(%arg9 : memref<128x128xf32, #tpu.memory_space<vmem>>) dst(%dma_wait3A_143 : memref<128x128xf32, #tpu.memory_space<hbm>>)
        } else {
        }
        %scan3A = arith.constant 0 : i32
        %scan3A_127 = arith.constant 0 : i32
        %scan3A_128 = arith.constant 16 : i32
        %scan3A_129 = arith.addi %scan3A_127, %scan3A_128 : i32
        %scan3A_130 = arith.constant 1 : i32
        scf.for %scan3A_138 = %scan3A_127 to %scan3A_129 step %scan3A_130  : i32 {
          %mul3A_139 = arith.constant 8 : i32
          %mul3A_140 = arith.muli %mul3A_139, %scan3A_138 : i32
          %add3A_141 = arith.constant 0 : i32
          %add3A_142 = arith.addi %mul3A_140, %add3A_141 : i32
          %broadcast_in_dim3A = vector.broadcast %add3A_142 : i32 to vector<16xi32>
          %iota3A = tpu.iota {dimensions = array<i32: 0>} : vector<16xi32>
          %add3A_143 = arith.constant 0 : i32
          %add3A_144 = vector.broadcast %add3A_143 : i32 to vector<16xi32>
          %add3A_145 = arith.addi %add3A_144, %iota3A : vector<16xi32>
          %gather3A = tpu.vector_load_idx %arg7[%add3A_145, %broadcast_in_dim3A] : memref<128x128xf32, #tpu.memory_space<vmem>>[vector<16xi32>, vector<16xi32>], vector<16xf32>,
          %iota3A_146 = tpu.iota {dimensions = array<i32: 0>} : vector<16xi32>
          %add3A_147 = arith.constant 16 : i32
          %add3A_148 = vector.broadcast %add3A_147 : i32 to vector<16xi32>
          %add3A_149 = arith.addi %add3A_148, %iota3A_146 : vector<16xi32>
          %gather3A_150 = tpu.vector_load_idx %arg7[%add3A_149, %broadcast_in_dim3A] : memref<128x128xf32, #tpu.memory_space<vmem>>[vector<16xi32>, vector<16xi32>], vector<16xf32>,
          %iota3A_151 = tpu.iota {dimensions = array<i32: 0>} : vector<16xi32>
          %add3A_152 = arith.constant 32 : i32
          %add3A_153 = vector.broadcast %add3A_152 : i32 to vector<16xi32>
          %add3A_154 = arith.addi %add3A_153, %iota3A_151 : vector<16xi32>
          %gather3A_155 = tpu.vector_load_idx %arg7[%add3A_154, %broadcast_in_dim3A] : memref<128x128xf32, #tpu.memory_space<vmem>>[vector<16xi32>, vector<16xi32>], vector<16xf32>,
          %iota3A_156 = tpu.iota {dimensions = array<i32: 0>} : vector<16xi32>
          %add3A_157 = arith.constant 48 : i32
          %add3A_158 = vector.broadcast %add3A_157 : i32 to vector<16xi32>
          %add3A_159 = arith.addi %add3A_158, %iota3A_156 : vector<16xi32>
          %gather3A_160 = tpu.vector_load_idx %arg7[%add3A_159, %broadcast_in_dim3A] : memref<128x128xf32, #tpu.memory_space<vmem>>[vector<16xi32>, vector<16xi32>], vector<16xf32>,
          %iota3A_161 = tpu.iota {dimensions = array<i32: 0>} : vector<16xi32>
          %add3A_162 = arith.constant 64 : i32
          %add3A_163 = vector.broadcast %add3A_162 : i32 to vector<16xi32>
          %add3A_164 = arith.addi %add3A_163, %iota3A_161 : vector<16xi32>
          %gather3A_165 = tpu.vector_load_idx %arg7[%add3A_164, %broadcast_in_dim3A] : memref<128x128xf32, #tpu.memory_space<vmem>>[vector<16xi32>, vector<16xi32>], vector<16xf32>,
          %iota3A_166 = tpu.iota {dimensions = array<i32: 0>} : vector<16xi32>
          %add3A_167 = arith.constant 80 : i32
          %add3A_168 = vector.broadcast %add3A_167 : i32 to vector<16xi32>
          %add3A_169 = arith.addi %add3A_168, %iota3A_166 : vector<16xi32>
          %gather3A_170 = tpu.vector_load_idx %arg7[%add3A_169, %broadcast_in_dim3A] : memref<128x128xf32, #tpu.memory_space<vmem>>[vector<16xi32>, vector<16xi32>], vector<16xf32>,
          %iota3A_171 = tpu.iota {dimensions = array<i32: 0>} : vector<16xi32>
          %add3A_172 = arith.constant 96 : i32
          %add3A_173 = vector.broadcast %add3A_172 : i32 to vector<16xi32>
          %add3A_174 = arith.addi %add3A_173, %iota3A_171 : vector<16xi32>
          %gather3A_175 = tpu.vector_load_idx %arg7[%add3A_174, %broadcast_in_dim3A] : memref<128x128xf32, #tpu.memory_space<vmem>>[vector<16xi32>, vector<16xi32>], vector<16xf32>,
          %iota3A_176 = tpu.iota {dimensions = array<i32: 0>} : vector<16xi32>
          %add3A_177 = arith.constant 112 : i32
          %add3A_178 = vector.broadcast %add3A_177 : i32 to vector<16xi32>
          %add3A_179 = arith.addi %add3A_178, %iota3A_176 : vector<16xi32>
          %gather3A_180 = tpu.vector_load_idx %arg7[%add3A_179, %broadcast_in_dim3A] : memref<128x128xf32, #tpu.memory_space<vmem>>[vector<16xi32>, vector<16xi32>], vector<16xf32>,
          %swap3A = arith.index_cast %add3A_142 : i32 to index
          %swap3A_181 = arith.constant 0 : index
          %swap3A_182 = tpu.vector_load %arg9[%swap3A, %swap3A_181] {strides = array<i32>} : memref<128x128xf32, #tpu.memory_space<vmem>>, vector<16xf32>,
          tpu.vector_store %arg9[%swap3A, %swap3A_181], %gather3A {strides = array<i32>} : memref<128x128xf32, #tpu.memory_space<vmem>>, vector<16xf32>,
          %swap3A_183 = arith.index_cast %add3A_142 : i32 to index
          %swap3A_184 = arith.constant 16 : index
          %swap3A_185 = tpu.vector_load %arg9[%swap3A_183, %swap3A_184] {strides = array<i32>} : memref<128x128xf32, #tpu.memory_space<vmem>>, vector<16xf32>,
          tpu.vector_store %arg9[%swap3A_183, %swap3A_184], %gather3A_150 {strides = array<i32>} : memref<128x128xf32, #tpu.memory_space<vmem>>, vector<16xf32>,
          %swap3A_186 = arith.index_cast %add3A_142 : i32 to index
          %swap3A_187 = arith.constant 32 : index
          %swap3A_188 = tpu.vector_load %arg9[%swap3A_186, %swap3A_187] {strides = array<i32>} : memref<128x128xf32, #tpu.memory_space<vmem>>, vector<16xf32>,
          tpu.vector_store %arg9[%swap3A_186, %swap3A_187], %gather3A_155 {strides = array<i32>} : memref<128x128xf32, #tpu.memory_space<vmem>>, vector<16xf32>,
          %swap3A_189 = arith.index_cast %add3A_142 : i32 to index
          %swap3A_190 = arith.constant 48 : index
          %swap3A_191 = tpu.vector_load %arg9[%swap3A_189, %swap3A_190] {strides = array<i32>} : memref<128x128xf32, #tpu.memory_space<vmem>>, vector<16xf32>,
          tpu.vector_store %arg9[%swap3A_189, %swap3A_190], %gather3A_160 {strides = array<i32>} : memref<128x128xf32, #tpu.memory_space<vmem>>, vector<16xf32>,
          %swap3A_192 = arith.index_cast %add3A_142 : i32 to index
          %swap3A_193 = arith.constant 64 : index
          %swap3A_194 = tpu.vector_load %arg9[%swap3A_192, %swap3A_193] {strides = array<i32>} : memref<128x128xf32, #tpu.memory_space<vmem>>, vector<16xf32>,
          tpu.vector_store %arg9[%swap3A_192, %swap3A_193], %gather3A_165 {strides = array<i32>} : memref<128x128xf32, #tpu.memory_space<vmem>>, vector<16xf32>,
          %swap3A_195 = arith.index_cast %add3A_142 : i32 to index
          %swap3A_196 = arith.constant 80 : index
          %swap3A_197 = tpu.vector_load %arg9[%swap3A_195, %swap3A_196] {strides = array<i32>} : memref<128x128xf32, #tpu.memory_space<vmem>>, vector<16xf32>,
          tpu.vector_store %arg9[%swap3A_195, %swap3A_196], %gather3A_170 {strides = array<i32>} : memref<128x128xf32, #tpu.memory_space<vmem>>, vector<16xf32>,
          %swap3A_198 = arith.index_cast %add3A_142 : i32 to index
          %swap3A_199 = arith.constant 96 : index
          %swap3A_200 = tpu.vector_load %arg9[%swap3A_198, %swap3A_199] {strides = array<i32>} : memref<128x128xf32, #tpu.memory_space<vmem>>, vector<16xf32>,
          tpu.vector_store %arg9[%swap3A_198, %swap3A_199], %gather3A_175 {strides = array<i32>} : memref<128x128xf32, #tpu.memory_space<vmem>>, vector<16xf32>,
          %swap3A_201 = arith.index_cast %add3A_142 : i32 to index
          %swap3A_202 = arith.constant 112 : index
          %swap3A_203 = tpu.vector_load %arg9[%swap3A_201, %swap3A_202] {strides = array<i32>} : memref<128x128xf32, #tpu.memory_space<vmem>>, vector<16xf32>,
          tpu.vector_store %arg9[%swap3A_201, %swap3A_202], %gather3A_180 {strides = array<i32>} : memref<128x128xf32, #tpu.memory_space<vmem>>, vector<16xf32>,
          %mul3A_204 = arith.constant 8 : i32
          %mul3A_205 = arith.muli %mul3A_204, %scan3A_138 : i32
          %add3A_206 = arith.constant 1 : i32
          %add3A_207 = arith.addi %mul3A_205, %add3A_206 : i32
          %broadcast_in_dim3A_208 = vector.broadcast %add3A_207 : i32 to vector<16xi32>
          %iota3A_209 = tpu.iota {dimensions = array<i32: 0>} : vector<16xi32>
          %add3A_210 = arith.constant 0 : i32
          %add3A_211 = vector.broadcast %add3A_210 : i32 to vector<16xi32>
          %add3A_212 = arith.addi %add3A_211, %iota3A_209 : vector<16xi32>
          %gather3A_213 = tpu.vector_load_idx %arg7[%add3A_212, %broadcast_in_dim3A_208] : memref<128x128xf32, #tpu.memory_space<vmem>>[vector<16xi32>, vector<16xi32>], vector<16xf32>,
          %iota3A_214 = tpu.iota {dimensions = array<i32: 0>} : vector<16xi32>
          %add3A_215 = arith.constant 16 : i32
          %add3A_216 = vector.broadcast %add3A_215 : i32 to vector<16xi32>
          %add3A_217 = arith.addi %add3A_216, %iota3A_214 : vector<16xi32>
          %gather3A_218 = tpu.vector_load_idx %arg7[%add3A_217, %broadcast_in_dim3A_208] : memref<128x128xf32, #tpu.memory_space<vmem>>[vector<16xi32>, vector<16xi32>], vector<16xf32>,
          %iota3A_219 = tpu.iota {dimensions = array<i32: 0>} : vector<16xi32>
          %add3A_220 = arith.constant 32 : i32
          %add3A_221 = vector.broadcast %add3A_220 : i32 to vector<16xi32>
          %add3A_222 = arith.addi %add3A_221, %iota3A_219 : vector<16xi32>
          %gather3A_223 = tpu.vector_load_idx %arg7[%add3A_222, %broadcast_in_dim3A_208] : memref<128x128xf32, #tpu.memory_space<vmem>>[vector<16xi32>, vector<16xi32>], vector<16xf32>,
          %iota3A_224 = tpu.iota {dimensions = array<i32: 0>} : vector<16xi32>
          %add3A_225 = arith.constant 48 : i32
          %add3A_226 = vector.broadcast %add3A_225 : i32 to vector<16xi32>
          %add3A_227 = arith.addi %add3A_226, %iota3A_224 : vector<16xi32>
          %gather3A_228 = tpu.vector_load_idx %arg7[%add3A_227, %broadcast_in_dim3A_208] : memref<128x128xf32, #tpu.memory_space<vmem>>[vector<16xi32>, vector<16xi32>], vector<16xf32>,
          %iota3A_229 = tpu.iota {dimensions = array<i32: 0>} : vector<16xi32>
          %add3A_230 = arith.constant 64 : i32
          %add3A_231 = vector.broadcast %add3A_230 : i32 to vector<16xi32>
          %add3A_232 = arith.addi %add3A_231, %iota3A_229 : vector<16xi32>
          %gather3A_233 = tpu.vector_load_idx %arg7[%add3A_232, %broadcast_in_dim3A_208] : memref<128x128xf32, #tpu.memory_space<vmem>>[vector<16xi32>, vector<16xi32>], vector<16xf32>,
          %iota3A_234 = tpu.iota {dimensions = array<i32: 0>} : vector<16xi32>
          %add3A_235 = arith.constant 80 : i32
          %add3A_236 = vector.broadcast %add3A_235 : i32 to vector<16xi32>
          %add3A_237 = arith.addi %add3A_236, %iota3A_234 : vector<16xi32>
          %gather3A_238 = tpu.vector_load_idx %arg7[%add3A_237, %broadcast_in_dim3A_208] : memref<128x128xf32, #tpu.memory_space<vmem>>[vector<16xi32>, vector<16xi32>], vector<16xf32>,
          %iota3A_239 = tpu.iota {dimensions = array<i32: 0>} : vector<16xi32>
          %add3A_240 = arith.constant 96 : i32
          %add3A_241 = vector.broadcast %add3A_240 : i32 to vector<16xi32>
          %add3A_242 = arith.addi %add3A_241, %iota3A_239 : vector<16xi32>
          %gather3A_243 = tpu.vector_load_idx %arg7[%add3A_242, %broadcast_in_dim3A_208] : memref<128x128xf32, #tpu.memory_space<vmem>>[vector<16xi32>, vector<16xi32>], vector<16xf32>,
          %iota3A_244 = tpu.iota {dimensions = array<i32: 0>} : vector<16xi32>
          %add3A_245 = arith.constant 112 : i32
          %add3A_246 = vector.broadcast %add3A_245 : i32 to vector<16xi32>
          %add3A_247 = arith.addi %add3A_246, %iota3A_244 : vector<16xi32>
          %gather3A_248 = tpu.vector_load_idx %arg7[%add3A_247, %broadcast_in_dim3A_208] : memref<128x128xf32, #tpu.memory_space<vmem>>[vector<16xi32>, vector<16xi32>], vector<16xf32>,
          %swap3A_249 = arith.index_cast %add3A_207 : i32 to index
          %swap3A_250 = arith.constant 0 : index
          %swap3A_251 = tpu.vector_load %arg9[%swap3A_249, %swap3A_250] {strides = array<i32>} : memref<128x128xf32, #tpu.memory_space<vmem>>, vector<16xf32>,
          tpu.vector_store %arg9[%swap3A_249, %swap3A_250], %gather3A_213 {strides = array<i32>} : memref<128x128xf32, #tpu.memory_space<vmem>>, vector<16xf32>,
          %swap3A_252 = arith.index_cast %add3A_207 : i32 to index
          %swap3A_253 = arith.constant 16 : index
          %swap3A_254 = tpu.vector_load %arg9[%swap3A_252, %swap3A_253] {strides = array<i32>} : memref<128x128xf32, #tpu.memory_space<vmem>>, vector<16xf32>,
          tpu.vector_store %arg9[%swap3A_252, %swap3A_253], %gather3A_218 {strides = array<i32>} : memref<128x128xf32, #tpu.memory_space<vmem>>, vector<16xf32>,
          %swap3A_255 = arith.index_cast %add3A_207 : i32 to index
          %swap3A_256 = arith.constant 32 : index
          %swap3A_257 = tpu.vector_load %arg9[%swap3A_255, %swap3A_256] {strides = array<i32>} : memref<128x128xf32, #tpu.memory_space<vmem>>, vector<16xf32>,
          tpu.vector_store %arg9[%swap3A_255, %swap3A_256], %gather3A_223 {strides = array<i32>} : memref<128x128xf32, #tpu.memory_space<vmem>>, vector<16xf32>,
          %swap3A_258 = arith.index_cast %add3A_207 : i32 to index
          %swap3A_259 = arith.constant 48 : index
          %swap3A_260 = tpu.vector_load %arg9[%swap3A_258, %swap3A_259] {strides = array<i32>} : memref<128x128xf32, #tpu.memory_space<vmem>>, vector<16xf32>,
          tpu.vector_store %arg9[%swap3A_258, %swap3A_259], %gather3A_228 {strides = array<i32>} : memref<128x128xf32, #tpu.memory_space<vmem>>, vector<16xf32>,
          %swap3A_261 = arith.index_cast %add3A_207 : i32 to index
          %swap3A_262 = arith.constant 64 : index
          %swap3A_263 = tpu.vector_load %arg9[%swap3A_261, %swap3A_262] {strides = array<i32>} : memref<128x128xf32, #tpu.memory_space<vmem>>, vector<16xf32>,
          tpu.vector_store %arg9[%swap3A_261, %swap3A_262], %gather3A_233 {strides = array<i32>} : memref<128x128xf32, #tpu.memory_space<vmem>>, vector<16xf32>,
          %swap3A_264 = arith.index_cast %add3A_207 : i32 to index
          %swap3A_265 = arith.constant 80 : index
          %swap3A_266 = tpu.vector_load %arg9[%swap3A_264, %swap3A_265] {strides = array<i32>} : memref<128x128xf32, #tpu.memory_space<vmem>>, vector<16xf32>,
          tpu.vector_store %arg9[%swap3A_264, %swap3A_265], %gather3A_238 {strides = array<i32>} : memref<128x128xf32, #tpu.memory_space<vmem>>, vector<16xf32>,
          %swap3A_267 = arith.index_cast %add3A_207 : i32 to index
          %swap3A_268 = arith.constant 96 : index
          %swap3A_269 = tpu.vector_load %arg9[%swap3A_267, %swap3A_268] {strides = array<i32>} : memref<128x128xf32, #tpu.memory_space<vmem>>, vector<16xf32>,
          tpu.vector_store %arg9[%swap3A_267, %swap3A_268], %gather3A_243 {strides = array<i32>} : memref<128x128xf32, #tpu.memory_space<vmem>>, vector<16xf32>,
          %swap3A_270 = arith.index_cast %add3A_207 : i32 to index
          %swap3A_271 = arith.constant 112 : index
          %swap3A_272 = tpu.vector_load %arg9[%swap3A_270, %swap3A_271] {strides = array<i32>} : memref<128x128xf32, #tpu.memory_space<vmem>>, vector<16xf32>,
          tpu.vector_store %arg9[%swap3A_270, %swap3A_271], %gather3A_248 {strides = array<i32>} : memref<128x128xf32, #tpu.memory_space<vmem>>, vector<16xf32>,
          %mul3A_273 = arith.constant 8 : i32
          %mul3A_274 = arith.muli %mul3A_273, %scan3A_138 : i32
          %add3A_275 = arith.constant 2 : i32
          %add3A_276 = arith.addi %mul3A_274, %add3A_275 : i32
          %broadcast_in_dim3A_277 = vector.broadcast %add3A_276 : i32 to vector<16xi32>
          %iota3A_278 = tpu.iota {dimensions = array<i32: 0>} : vector<16xi32>
          %add3A_279 = arith.constant 0 : i32
          %add3A_280 = vector.broadcast %add3A_279 : i32 to vector<16xi32>
          %add3A_281 = arith.addi %add3A_280, %iota3A_278 : vector<16xi32>
          %gather3A_282 = tpu.vector_load_idx %arg7[%add3A_281, %broadcast_in_dim3A_277] : memref<128x128xf32, #tpu.memory_space<vmem>>[vector<16xi32>, vector<16xi32>], vector<16xf32>,
          %iota3A_283 = tpu.iota {dimensions = array<i32: 0>} : vector<16xi32>
          %add3A_284 = arith.constant 16 : i32
          %add3A_285 = vector.broadcast %add3A_284 : i32 to vector<16xi32>
          %add3A_286 = arith.addi %add3A_285, %iota3A_283 : vector<16xi32>
          %gather3A_287 = tpu.vector_load_idx %arg7[%add3A_286, %broadcast_in_dim3A_277] : memref<128x128xf32, #tpu.memory_space<vmem>>[vector<16xi32>, vector<16xi32>], vector<16xf32>,
          %iota3A_288 = tpu.iota {dimensions = array<i32: 0>} : vector<16xi32>
          %add3A_289 = arith.constant 32 : i32
          %add3A_290 = vector.broadcast %add3A_289 : i32 to vector<16xi32>
          %add3A_291 = arith.addi %add3A_290, %iota3A_288 : vector<16xi32>
          %gather3A_292 = tpu.vector_load_idx %arg7[%add3A_291, %broadcast_in_dim3A_277] : memref<128x128xf32, #tpu.memory_space<vmem>>[vector<16xi32>, vector<16xi32>], vector<16xf32>,
          %iota3A_293 = tpu.iota {dimensions = array<i32: 0>} : vector<16xi32>
          %add3A_294 = arith.constant 48 : i32
          %add3A_295 = vector.broadcast %add3A_294 : i32 to vector<16xi32>
          %add3A_296 = arith.addi %add3A_295, %iota3A_293 : vector<16xi32>
          %gather3A_297 = tpu.vector_load_idx %arg7[%add3A_296, %broadcast_in_dim3A_277] : memref<128x128xf32, #tpu.memory_space<vmem>>[vector<16xi32>, vector<16xi32>], vector<16xf32>,
          %iota3A_298 = tpu.iota {dimensions = array<i32: 0>} : vector<16xi32>
          %add3A_299 = arith.constant 64 : i32
          %add3A_300 = vector.broadcast %add3A_299 : i32 to vector<16xi32>
          %add3A_301 = arith.addi %add3A_300, %iota3A_298 : vector<16xi32>
          %gather3A_302 = tpu.vector_load_idx %arg7[%add3A_301, %broadcast_in_dim3A_277] : memref<128x128xf32, #tpu.memory_space<vmem>>[vector<16xi32>, vector<16xi32>], vector<16xf32>,
          %iota3A_303 = tpu.iota {dimensions = array<i32: 0>} : vector<16xi32>
          %add3A_304 = arith.constant 80 : i32
          %add3A_305 = vector.broadcast %add3A_304 : i32 to vector<16xi32>
          %add3A_306 = arith.addi %add3A_305, %iota3A_303 : vector<16xi32>
          %gather3A_307 = tpu.vector_load_idx %arg7[%add3A_306, %broadcast_in_dim3A_277] : memref<128x128xf32, #tpu.memory_space<vmem>>[vector<16xi32>, vector<16xi32>], vector<16xf32>,
          %iota3A_308 = tpu.iota {dimensions = array<i32: 0>} : vector<16xi32>
          %add3A_309 = arith.constant 96 : i32
          %add3A_310 = vector.broadcast %add3A_309 : i32 to vector<16xi32>
          %add3A_311 = arith.addi %add3A_310, %iota3A_308 : vector<16xi32>
          %gather3A_312 = tpu.vector_load_idx %arg7[%add3A_311, %broadcast_in_dim3A_277] : memref<128x128xf32, #tpu.memory_space<vmem>>[vector<16xi32>, vector<16xi32>], vector<16xf32>,
          %iota3A_313 = tpu.iota {dimensions = array<i32: 0>} : vector<16xi32>
          %add3A_314 = arith.constant 112 : i32
          %add3A_315 = vector.broadcast %add3A_314 : i32 to vector<16xi32>
          %add3A_316 = arith.addi %add3A_315, %iota3A_313 : vector<16xi32>
          %gather3A_317 = tpu.vector_load_idx %arg7[%add3A_316, %broadcast_in_dim3A_277] : memref<128x128xf32, #tpu.memory_space<vmem>>[vector<16xi32>, vector<16xi32>], vector<16xf32>,
          %swap3A_318 = arith.index_cast %add3A_276 : i32 to index
          %swap3A_319 = arith.constant 0 : index
          %swap3A_320 = tpu.vector_load %arg9[%swap3A_318, %swap3A_319] {strides = array<i32>} : memref<128x128xf32, #tpu.memory_space<vmem>>, vector<16xf32>,
          tpu.vector_store %arg9[%swap3A_318, %swap3A_319], %gather3A_282 {strides = array<i32>} : memref<128x128xf32, #tpu.memory_space<vmem>>, vector<16xf32>,
          %swap3A_321 = arith.index_cast %add3A_276 : i32 to index
          %swap3A_322 = arith.constant 16 : index
          %swap3A_323 = tpu.vector_load %arg9[%swap3A_321, %swap3A_322] {strides = array<i32>} : memref<128x128xf32, #tpu.memory_space<vmem>>, vector<16xf32>,
          tpu.vector_store %arg9[%swap3A_321, %swap3A_322], %gather3A_287 {strides = array<i32>} : memref<128x128xf32, #tpu.memory_space<vmem>>, vector<16xf32>,
          %swap3A_324 = arith.index_cast %add3A_276 : i32 to index
          %swap3A_325 = arith.constant 32 : index
          %swap3A_326 = tpu.vector_load %arg9[%swap3A_324, %swap3A_325] {strides = array<i32>} : memref<128x128xf32, #tpu.memory_space<vmem>>, vector<16xf32>,
          tpu.vector_store %arg9[%swap3A_324, %swap3A_325], %gather3A_292 {strides = array<i32>} : memref<128x128xf32, #tpu.memory_space<vmem>>, vector<16xf32>,
          %swap3A_327 = arith.index_cast %add3A_276 : i32 to index
          %swap3A_328 = arith.constant 48 : index
          %swap3A_329 = tpu.vector_load %arg9[%swap3A_327, %swap3A_328] {strides = array<i32>} : memref<128x128xf32, #tpu.memory_space<vmem>>, vector<16xf32>,
          tpu.vector_store %arg9[%swap3A_327, %swap3A_328], %gather3A_297 {strides = array<i32>} : memref<128x128xf32, #tpu.memory_space<vmem>>, vector<16xf32>,
          %swap3A_330 = arith.index_cast %add3A_276 : i32 to index
          %swap3A_331 = arith.constant 64 : index
          %swap3A_332 = tpu.vector_load %arg9[%swap3A_330, %swap3A_331] {strides = array<i32>} : memref<128x128xf32, #tpu.memory_space<vmem>>, vector<16xf32>,
          tpu.vector_store %arg9[%swap3A_330, %swap3A_331], %gather3A_302 {strides = array<i32>} : memref<128x128xf32, #tpu.memory_space<vmem>>, vector<16xf32>,
          %swap3A_333 = arith.index_cast %add3A_276 : i32 to index
          %swap3A_334 = arith.constant 80 : index
          %swap3A_335 = tpu.vector_load %arg9[%swap3A_333, %swap3A_334] {strides = array<i32>} : memref<128x128xf32, #tpu.memory_space<vmem>>, vector<16xf32>,
          tpu.vector_store %arg9[%swap3A_333, %swap3A_334], %gather3A_307 {strides = array<i32>} : memref<128x128xf32, #tpu.memory_space<vmem>>, vector<16xf32>,
          %swap3A_336 = arith.index_cast %add3A_276 : i32 to index
          %swap3A_337 = arith.constant 96 : index
          %swap3A_338 = tpu.vector_load %arg9[%swap3A_336, %swap3A_337] {strides = array<i32>} : memref<128x128xf32, #tpu.memory_space<vmem>>, vector<16xf32>,
          tpu.vector_store %arg9[%swap3A_336, %swap3A_337], %gather3A_312 {strides = array<i32>} : memref<128x128xf32, #tpu.memory_space<vmem>>, vector<16xf32>,
          %swap3A_339 = arith.index_cast %add3A_276 : i32 to index
          %swap3A_340 = arith.constant 112 : index
          %swap3A_341 = tpu.vector_load %arg9[%swap3A_339, %swap3A_340] {strides = array<i32>} : memref<128x128xf32, #tpu.memory_space<vmem>>, vector<16xf32>,
          tpu.vector_store %arg9[%swap3A_339, %swap3A_340], %gather3A_317 {strides = array<i32>} : memref<128x128xf32, #tpu.memory_space<vmem>>, vector<16xf32>,
          %mul3A_342 = arith.constant 8 : i32
          %mul3A_343 = arith.muli %mul3A_342, %scan3A_138 : i32
          %add3A_344 = arith.constant 3 : i32
          %add3A_345 = arith.addi %mul3A_343, %add3A_344 : i32
          %broadcast_in_dim3A_346 = vector.broadcast %add3A_345 : i32 to vector<16xi32>
          %iota3A_347 = tpu.iota {dimensions = array<i32: 0>} : vector<16xi32>
          %add3A_348 = arith.constant 0 : i32
          %add3A_349 = vector.broadcast %add3A_348 : i32 to vector<16xi32>
          %add3A_350 = arith.addi %add3A_349, %iota3A_347 : vector<16xi32>
          %gather3A_351 = tpu.vector_load_idx %arg7[%add3A_350, %broadcast_in_dim3A_346] : memref<128x128xf32, #tpu.memory_space<vmem>>[vector<16xi32>, vector<16xi32>], vector<16xf32>,
          %iota3A_352 = tpu.iota {dimensions = array<i32: 0>} : vector<16xi32>
          %add3A_353 = arith.constant 16 : i32
          %add3A_354 = vector.broadcast %add3A_353 : i32 to vector<16xi32>
          %add3A_355 = arith.addi %add3A_354, %iota3A_352 : vector<16xi32>
          %gather3A_356 = tpu.vector_load_idx %arg7[%add3A_355, %broadcast_in_dim3A_346] : memref<128x128xf32, #tpu.memory_space<vmem>>[vector<16xi32>, vector<16xi32>], vector<16xf32>,
          %iota3A_357 = tpu.iota {dimensions = array<i32: 0>} : vector<16xi32>
          %add3A_358 = arith.constant 32 : i32
          %add3A_359 = vector.broadcast %add3A_358 : i32 to vector<16xi32>
          %add3A_360 = arith.addi %add3A_359, %iota3A_357 : vector<16xi32>
          %gather3A_361 = tpu.vector_load_idx %arg7[%add3A_360, %broadcast_in_dim3A_346] : memref<128x128xf32, #tpu.memory_space<vmem>>[vector<16xi32>, vector<16xi32>], vector<16xf32>,
          %iota3A_362 = tpu.iota {dimensions = array<i32: 0>} : vector<16xi32>
          %add3A_363 = arith.constant 48 : i32
          %add3A_364 = vector.broadcast %add3A_363 : i32 to vector<16xi32>
          %add3A_365 = arith.addi %add3A_364, %iota3A_362 : vector<16xi32>
          %gather3A_366 = tpu.vector_load_idx %arg7[%add3A_365, %broadcast_in_dim3A_346] : memref<128x128xf32, #tpu.memory_space<vmem>>[vector<16xi32>, vector<16xi32>], vector<16xf32>,
          %iota3A_367 = tpu.iota {dimensions = array<i32: 0>} : vector<16xi32>
          %add3A_368 = arith.constant 64 : i32
          %add3A_369 = vector.broadcast %add3A_368 : i32 to vector<16xi32>
          %add3A_370 = arith.addi %add3A_369, %iota3A_367 : vector<16xi32>
          %gather3A_371 = tpu.vector_load_idx %arg7[%add3A_370, %broadcast_in_dim3A_346] : memref<128x128xf32, #tpu.memory_space<vmem>>[vector<16xi32>, vector<16xi32>], vector<16xf32>,
          %iota3A_372 = tpu.iota {dimensions = array<i32: 0>} : vector<16xi32>
          %add3A_373 = arith.constant 80 : i32
          %add3A_374 = vector.broadcast %add3A_373 : i32 to vector<16xi32>
          %add3A_375 = arith.addi %add3A_374, %iota3A_372 : vector<16xi32>
          %gather3A_376 = tpu.vector_load_idx %arg7[%add3A_375, %broadcast_in_dim3A_346] : memref<128x128xf32, #tpu.memory_space<vmem>>[vector<16xi32>, vector<16xi32>], vector<16xf32>,
          %iota3A_377 = tpu.iota {dimensions = array<i32: 0>} : vector<16xi32>
          %add3A_378 = arith.constant 96 : i32
          %add3A_379 = vector.broadcast %add3A_378 : i32 to vector<16xi32>
          %add3A_380 = arith.addi %add3A_379, %iota3A_377 : vector<16xi32>
          %gather3A_381 = tpu.vector_load_idx %arg7[%add3A_380, %broadcast_in_dim3A_346] : memref<128x128xf32, #tpu.memory_space<vmem>>[vector<16xi32>, vector<16xi32>], vector<16xf32>,
          %iota3A_382 = tpu.iota {dimensions = array<i32: 0>} : vector<16xi32>
          %add3A_383 = arith.constant 112 : i32
          %add3A_384 = vector.broadcast %add3A_383 : i32 to vector<16xi32>
          %add3A_385 = arith.addi %add3A_384, %iota3A_382 : vector<16xi32>
          %gather3A_386 = tpu.vector_load_idx %arg7[%add3A_385, %broadcast_in_dim3A_346] : memref<128x128xf32, #tpu.memory_space<vmem>>[vector<16xi32>, vector<16xi32>], vector<16xf32>,
          %swap3A_387 = arith.index_cast %add3A_345 : i32 to index
          %swap3A_388 = arith.constant 0 : index
          %swap3A_389 = tpu.vector_load %arg9[%swap3A_387, %swap3A_388] {strides = array<i32>} : memref<128x128xf32, #tpu.memory_space<vmem>>, vector<16xf32>,
          tpu.vector_store %arg9[%swap3A_387, %swap3A_388], %gather3A_351 {strides = array<i32>} : memref<128x128xf32, #tpu.memory_space<vmem>>, vector<16xf32>,
          %swap3A_390 = arith.index_cast %add3A_345 : i32 to index
          %swap3A_391 = arith.constant 16 : index
          %swap3A_392 = tpu.vector_load %arg9[%swap3A_390, %swap3A_391] {strides = array<i32>} : memref<128x128xf32, #tpu.memory_space<vmem>>, vector<16xf32>,
          tpu.vector_store %arg9[%swap3A_390, %swap3A_391], %gather3A_356 {strides = array<i32>} : memref<128x128xf32, #tpu.memory_space<vmem>>, vector<16xf32>,
          %swap3A_393 = arith.index_cast %add3A_345 : i32 to index
          %swap3A_394 = arith.constant 32 : index
          %swap3A_395 = tpu.vector_load %arg9[%swap3A_393, %swap3A_394] {strides = array<i32>} : memref<128x128xf32, #tpu.memory_space<vmem>>, vector<16xf32>,
          tpu.vector_store %arg9[%swap3A_393, %swap3A_394], %gather3A_361 {strides = array<i32>} : memref<128x128xf32, #tpu.memory_space<vmem>>, vector<16xf32>,
          %swap3A_396 = arith.index_cast %add3A_345 : i32 to index
          %swap3A_397 = arith.constant 48 : index
          %swap3A_398 = tpu.vector_load %arg9[%swap3A_396, %swap3A_397] {strides = array<i32>} : memref<128x128xf32, #tpu.memory_space<vmem>>, vector<16xf32>,
          tpu.vector_store %arg9[%swap3A_396, %swap3A_397], %gather3A_366 {strides = array<i32>} : memref<128x128xf32, #tpu.memory_space<vmem>>, vector<16xf32>,
          %swap3A_399 = arith.index_cast %add3A_345 : i32 to index
          %swap3A_400 = arith.constant 64 : index
          %swap3A_401 = tpu.vector_load %arg9[%swap3A_399, %swap3A_400] {strides = array<i32>} : memref<128x128xf32, #tpu.memory_space<vmem>>, vector<16xf32>,
          tpu.vector_store %arg9[%swap3A_399, %swap3A_400], %gather3A_371 {strides = array<i32>} : memref<128x128xf32, #tpu.memory_space<vmem>>, vector<16xf32>,
          %swap3A_402 = arith.index_cast %add3A_345 : i32 to index
          %swap3A_403 = arith.constant 80 : index
          %swap3A_404 = tpu.vector_load %arg9[%swap3A_402, %swap3A_403] {strides = array<i32>} : memref<128x128xf32, #tpu.memory_space<vmem>>, vector<16xf32>,
          tpu.vector_store %arg9[%swap3A_402, %swap3A_403], %gather3A_376 {strides = array<i32>} : memref<128x128xf32, #tpu.memory_space<vmem>>, vector<16xf32>,
          %swap3A_405 = arith.index_cast %add3A_345 : i32 to index
          %swap3A_406 = arith.constant 96 : index
          %swap3A_407 = tpu.vector_load %arg9[%swap3A_405, %swap3A_406] {strides = array<i32>} : memref<128x128xf32, #tpu.memory_space<vmem>>, vector<16xf32>,
          tpu.vector_store %arg9[%swap3A_405, %swap3A_406], %gather3A_381 {strides = array<i32>} : memref<128x128xf32, #tpu.memory_space<vmem>>, vector<16xf32>,
          %swap3A_408 = arith.index_cast %add3A_345 : i32 to index
          %swap3A_409 = arith.constant 112 : index
          %swap3A_410 = tpu.vector_load %arg9[%swap3A_408, %swap3A_409] {strides = array<i32>} : memref<128x128xf32, #tpu.memory_space<vmem>>, vector<16xf32>,
          tpu.vector_store %arg9[%swap3A_408, %swap3A_409], %gather3A_386 {strides = array<i32>} : memref<128x128xf32, #tpu.memory_space<vmem>>, vector<16xf32>,
          %mul3A_411 = arith.constant 8 : i32
          %mul3A_412 = arith.muli %mul3A_411, %scan3A_138 : i32
          %add3A_413 = arith.constant 4 : i32
          %add3A_414 = arith.addi %mul3A_412, %add3A_413 : i32
          %broadcast_in_dim3A_415 = vector.broadcast %add3A_414 : i32 to vector<16xi32>
          %iota3A_416 = tpu.iota {dimensions = array<i32: 0>} : vector<16xi32>
          %add3A_417 = arith.constant 0 : i32
          %add3A_418 = vector.broadcast %add3A_417 : i32 to vector<16xi32>
          %add3A_419 = arith.addi %add3A_418, %iota3A_416 : vector<16xi32>
          %gather3A_420 = tpu.vector_load_idx %arg7[%add3A_419, %broadcast_in_dim3A_415] : memref<128x128xf32, #tpu.memory_space<vmem>>[vector<16xi32>, vector<16xi32>], vector<16xf32>,
          %iota3A_421 = tpu.iota {dimensions = array<i32: 0>} : vector<16xi32>
          %add3A_422 = arith.constant 16 : i32
          %add3A_423 = vector.broadcast %add3A_422 : i32 to vector<16xi32>
          %add3A_424 = arith.addi %add3A_423, %iota3A_421 : vector<16xi32>
          %gather3A_425 = tpu.vector_load_idx %arg7[%add3A_424, %broadcast_in_dim3A_415] : memref<128x128xf32, #tpu.memory_space<vmem>>[vector<16xi32>, vector<16xi32>], vector<16xf32>,
          %iota3A_426 = tpu.iota {dimensions = array<i32: 0>} : vector<16xi32>
          %add3A_427 = arith.constant 32 : i32
          %add3A_428 = vector.broadcast %add3A_427 : i32 to vector<16xi32>
          %add3A_429 = arith.addi %add3A_428, %iota3A_426 : vector<16xi32>
          %gather3A_430 = tpu.vector_load_idx %arg7[%add3A_429, %broadcast_in_dim3A_415] : memref<128x128xf32, #tpu.memory_space<vmem>>[vector<16xi32>, vector<16xi32>], vector<16xf32>,
          %iota3A_431 = tpu.iota {dimensions = array<i32: 0>} : vector<16xi32>
          %add3A_432 = arith.constant 48 : i32
          %add3A_433 = vector.broadcast %add3A_432 : i32 to vector<16xi32>
          %add3A_434 = arith.addi %add3A_433, %iota3A_431 : vector<16xi32>
          %gather3A_435 = tpu.vector_load_idx %arg7[%add3A_434, %broadcast_in_dim3A_415] : memref<128x128xf32, #tpu.memory_space<vmem>>[vector<16xi32>, vector<16xi32>], vector<16xf32>,
          %iota3A_436 = tpu.iota {dimensions = array<i32: 0>} : vector<16xi32>
          %add3A_437 = arith.constant 64 : i32
          %add3A_438 = vector.broadcast %add3A_437 : i32 to vector<16xi32>
          %add3A_439 = arith.addi %add3A_438, %iota3A_436 : vector<16xi32>
          %gather3A_440 = tpu.vector_load_idx %arg7[%add3A_439, %broadcast_in_dim3A_415] : memref<128x128xf32, #tpu.memory_space<vmem>>[vector<16xi32>, vector<16xi32>], vector<16xf32>,
          %iota3A_441 = tpu.iota {dimensions = array<i32: 0>} : vector<16xi32>
          %add3A_442 = arith.constant 80 : i32
          %add3A_443 = vector.broadcast %add3A_442 : i32 to vector<16xi32>
          %add3A_444 = arith.addi %add3A_443, %iota3A_441 : vector<16xi32>
          %gather3A_445 = tpu.vector_load_idx %arg7[%add3A_444, %broadcast_in_dim3A_415] : memref<128x128xf32, #tpu.memory_space<vmem>>[vector<16xi32>, vector<16xi32>], vector<16xf32>,
          %iota3A_446 = tpu.iota {dimensions = array<i32: 0>} : vector<16xi32>
          %add3A_447 = arith.constant 96 : i32
          %add3A_448 = vector.broadcast %add3A_447 : i32 to vector<16xi32>
          %add3A_449 = arith.addi %add3A_448, %iota3A_446 : vector<16xi32>
          %gather3A_450 = tpu.vector_load_idx %arg7[%add3A_449, %broadcast_in_dim3A_415] : memref<128x128xf32, #tpu.memory_space<vmem>>[vector<16xi32>, vector<16xi32>], vector<16xf32>,
          %iota3A_451 = tpu.iota {dimensions = array<i32: 0>} : vector<16xi32>
          %add3A_452 = arith.constant 112 : i32
          %add3A_453 = vector.broadcast %add3A_452 : i32 to vector<16xi32>
          %add3A_454 = arith.addi %add3A_453, %iota3A_451 : vector<16xi32>
          %gather3A_455 = tpu.vector_load_idx %arg7[%add3A_454, %broadcast_in_dim3A_415] : memref<128x128xf32, #tpu.memory_space<vmem>>[vector<16xi32>, vector<16xi32>], vector<16xf32>,
          %swap3A_456 = arith.index_cast %add3A_414 : i32 to index
          %swap3A_457 = arith.constant 0 : index
          %swap3A_458 = tpu.vector_load %arg9[%swap3A_456, %swap3A_457] {strides = array<i32>} : memref<128x128xf32, #tpu.memory_space<vmem>>, vector<16xf32>,
          tpu.vector_store %arg9[%swap3A_456, %swap3A_457], %gather3A_420 {strides = array<i32>} : memref<128x128xf32, #tpu.memory_space<vmem>>, vector<16xf32>,
          %swap3A_459 = arith.index_cast %add3A_414 : i32 to index
          %swap3A_460 = arith.constant 16 : index
          %swap3A_461 = tpu.vector_load %arg9[%swap3A_459, %swap3A_460] {strides = array<i32>} : memref<128x128xf32, #tpu.memory_space<vmem>>, vector<16xf32>,
          tpu.vector_store %arg9[%swap3A_459, %swap3A_460], %gather3A_425 {strides = array<i32>} : memref<128x128xf32, #tpu.memory_space<vmem>>, vector<16xf32>,
          %swap3A_462 = arith.index_cast %add3A_414 : i32 to index
          %swap3A_463 = arith.constant 32 : index
          %swap3A_464 = tpu.vector_load %arg9[%swap3A_462, %swap3A_463] {strides = array<i32>} : memref<128x128xf32, #tpu.memory_space<vmem>>, vector<16xf32>,
          tpu.vector_store %arg9[%swap3A_462, %swap3A_463], %gather3A_430 {strides = array<i32>} : memref<128x128xf32, #tpu.memory_space<vmem>>, vector<16xf32>,
          %swap3A_465 = arith.index_cast %add3A_414 : i32 to index
          %swap3A_466 = arith.constant 48 : index
          %swap3A_467 = tpu.vector_load %arg9[%swap3A_465, %swap3A_466] {strides = array<i32>} : memref<128x128xf32, #tpu.memory_space<vmem>>, vector<16xf32>,
          tpu.vector_store %arg9[%swap3A_465, %swap3A_466], %gather3A_435 {strides = array<i32>} : memref<128x128xf32, #tpu.memory_space<vmem>>, vector<16xf32>,
          %swap3A_468 = arith.index_cast %add3A_414 : i32 to index
          %swap3A_469 = arith.constant 64 : index
          %swap3A_470 = tpu.vector_load %arg9[%swap3A_468, %swap3A_469] {strides = array<i32>} : memref<128x128xf32, #tpu.memory_space<vmem>>, vector<16xf32>,
          tpu.vector_store %arg9[%swap3A_468, %swap3A_469], %gather3A_440 {strides = array<i32>} : memref<128x128xf32, #tpu.memory_space<vmem>>, vector<16xf32>,
          %swap3A_471 = arith.index_cast %add3A_414 : i32 to index
          %swap3A_472 = arith.constant 80 : index
          %swap3A_473 = tpu.vector_load %arg9[%swap3A_471, %swap3A_472] {strides = array<i32>} : memref<128x128xf32, #tpu.memory_space<vmem>>, vector<16xf32>,
          tpu.vector_store %arg9[%swap3A_471, %swap3A_472], %gather3A_445 {strides = array<i32>} : memref<128x128xf32, #tpu.memory_space<vmem>>, vector<16xf32>,
          %swap3A_474 = arith.index_cast %add3A_414 : i32 to index
          %swap3A_475 = arith.constant 96 : index
          %swap3A_476 = tpu.vector_load %arg9[%swap3A_474, %swap3A_475] {strides = array<i32>} : memref<128x128xf32, #tpu.memory_space<vmem>>, vector<16xf32>,
          tpu.vector_store %arg9[%swap3A_474, %swap3A_475], %gather3A_450 {strides = array<i32>} : memref<128x128xf32, #tpu.memory_space<vmem>>, vector<16xf32>,
          %swap3A_477 = arith.index_cast %add3A_414 : i32 to index
          %swap3A_478 = arith.constant 112 : index
          %swap3A_479 = tpu.vector_load %arg9[%swap3A_477, %swap3A_478] {strides = array<i32>} : memref<128x128xf32, #tpu.memory_space<vmem>>, vector<16xf32>,
          tpu.vector_store %arg9[%swap3A_477, %swap3A_478], %gather3A_455 {strides = array<i32>} : memref<128x128xf32, #tpu.memory_space<vmem>>, vector<16xf32>,
          %mul3A_480 = arith.constant 8 : i32
          %mul3A_481 = arith.muli %mul3A_480, %scan3A_138 : i32
          %add3A_482 = arith.constant 5 : i32
          %add3A_483 = arith.addi %mul3A_481, %add3A_482 : i32
          %broadcast_in_dim3A_484 = vector.broadcast %add3A_483 : i32 to vector<16xi32>
          %iota3A_485 = tpu.iota {dimensions = array<i32: 0>} : vector<16xi32>
          %add3A_486 = arith.constant 0 : i32
          %add3A_487 = vector.broadcast %add3A_486 : i32 to vector<16xi32>
          %add3A_488 = arith.addi %add3A_487, %iota3A_485 : vector<16xi32>
          %gather3A_489 = tpu.vector_load_idx %arg7[%add3A_488, %broadcast_in_dim3A_484] : memref<128x128xf32, #tpu.memory_space<vmem>>[vector<16xi32>, vector<16xi32>], vector<16xf32>,
          %iota3A_490 = tpu.iota {dimensions = array<i32: 0>} : vector<16xi32>
          %add3A_491 = arith.constant 16 : i32
          %add3A_492 = vector.broadcast %add3A_491 : i32 to vector<16xi32>
          %add3A_493 = arith.addi %add3A_492, %iota3A_490 : vector<16xi32>
          %gather3A_494 = tpu.vector_load_idx %arg7[%add3A_493, %broadcast_in_dim3A_484] : memref<128x128xf32, #tpu.memory_space<vmem>>[vector<16xi32>, vector<16xi32>], vector<16xf32>,
          %iota3A_495 = tpu.iota {dimensions = array<i32: 0>} : vector<16xi32>
          %add3A_496 = arith.constant 32 : i32
          %add3A_497 = vector.broadcast %add3A_496 : i32 to vector<16xi32>
          %add3A_498 = arith.addi %add3A_497, %iota3A_495 : vector<16xi32>
          %gather3A_499 = tpu.vector_load_idx %arg7[%add3A_498, %broadcast_in_dim3A_484] : memref<128x128xf32, #tpu.memory_space<vmem>>[vector<16xi32>, vector<16xi32>], vector<16xf32>,
          %iota3A_500 = tpu.iota {dimensions = array<i32: 0>} : vector<16xi32>
          %add3A_501 = arith.constant 48 : i32
          %add3A_502 = vector.broadcast %add3A_501 : i32 to vector<16xi32>
          %add3A_503 = arith.addi %add3A_502, %iota3A_500 : vector<16xi32>
          %gather3A_504 = tpu.vector_load_idx %arg7[%add3A_503, %broadcast_in_dim3A_484] : memref<128x128xf32, #tpu.memory_space<vmem>>[vector<16xi32>, vector<16xi32>], vector<16xf32>,
          %iota3A_505 = tpu.iota {dimensions = array<i32: 0>} : vector<16xi32>
          %add3A_506 = arith.constant 64 : i32
          %add3A_507 = vector.broadcast %add3A_506 : i32 to vector<16xi32>
          %add3A_508 = arith.addi %add3A_507, %iota3A_505 : vector<16xi32>
          %gather3A_509 = tpu.vector_load_idx %arg7[%add3A_508, %broadcast_in_dim3A_484] : memref<128x128xf32, #tpu.memory_space<vmem>>[vector<16xi32>, vector<16xi32>], vector<16xf32>,
          %iota3A_510 = tpu.iota {dimensions = array<i32: 0>} : vector<16xi32>
          %add3A_511 = arith.constant 80 : i32
          %add3A_512 = vector.broadcast %add3A_511 : i32 to vector<16xi32>
          %add3A_513 = arith.addi %add3A_512, %iota3A_510 : vector<16xi32>
          %gather3A_514 = tpu.vector_load_idx %arg7[%add3A_513, %broadcast_in_dim3A_484] : memref<128x128xf32, #tpu.memory_space<vmem>>[vector<16xi32>, vector<16xi32>], vector<16xf32>,
          %iota3A_515 = tpu.iota {dimensions = array<i32: 0>} : vector<16xi32>
          %add3A_516 = arith.constant 96 : i32
          %add3A_517 = vector.broadcast %add3A_516 : i32 to vector<16xi32>
          %add3A_518 = arith.addi %add3A_517, %iota3A_515 : vector<16xi32>
          %gather3A_519 = tpu.vector_load_idx %arg7[%add3A_518, %broadcast_in_dim3A_484] : memref<128x128xf32, #tpu.memory_space<vmem>>[vector<16xi32>, vector<16xi32>], vector<16xf32>,
          %iota3A_520 = tpu.iota {dimensions = array<i32: 0>} : vector<16xi32>
          %add3A_521 = arith.constant 112 : i32
          %add3A_522 = vector.broadcast %add3A_521 : i32 to vector<16xi32>
          %add3A_523 = arith.addi %add3A_522, %iota3A_520 : vector<16xi32>
          %gather3A_524 = tpu.vector_load_idx %arg7[%add3A_523, %broadcast_in_dim3A_484] : memref<128x128xf32, #tpu.memory_space<vmem>>[vector<16xi32>, vector<16xi32>], vector<16xf32>,
          %swap3A_525 = arith.index_cast %add3A_483 : i32 to index
          %swap3A_526 = arith.constant 0 : index
          %swap3A_527 = tpu.vector_load %arg9[%swap3A_525, %swap3A_526] {strides = array<i32>} : memref<128x128xf32, #tpu.memory_space<vmem>>, vector<16xf32>,
          tpu.vector_store %arg9[%swap3A_525, %swap3A_526], %gather3A_489 {strides = array<i32>} : memref<128x128xf32, #tpu.memory_space<vmem>>, vector<16xf32>,
          %swap3A_528 = arith.index_cast %add3A_483 : i32 to index
          %swap3A_529 = arith.constant 16 : index
          %swap3A_530 = tpu.vector_load %arg9[%swap3A_528, %swap3A_529] {strides = array<i32>} : memref<128x128xf32, #tpu.memory_space<vmem>>, vector<16xf32>,
          tpu.vector_store %arg9[%swap3A_528, %swap3A_529], %gather3A_494 {strides = array<i32>} : memref<128x128xf32, #tpu.memory_space<vmem>>, vector<16xf32>,
          %swap3A_531 = arith.index_cast %add3A_483 : i32 to index
          %swap3A_532 = arith.constant 32 : index
          %swap3A_533 = tpu.vector_load %arg9[%swap3A_531, %swap3A_532] {strides = array<i32>} : memref<128x128xf32, #tpu.memory_space<vmem>>, vector<16xf32>,
          tpu.vector_store %arg9[%swap3A_531, %swap3A_532], %gather3A_499 {strides = array<i32>} : memref<128x128xf32, #tpu.memory_space<vmem>>, vector<16xf32>,
          %swap3A_534 = arith.index_cast %add3A_483 : i32 to index
          %swap3A_535 = arith.constant 48 : index
          %swap3A_536 = tpu.vector_load %arg9[%swap3A_534, %swap3A_535] {strides = array<i32>} : memref<128x128xf32, #tpu.memory_space<vmem>>, vector<16xf32>,
          tpu.vector_store %arg9[%swap3A_534, %swap3A_535], %gather3A_504 {strides = array<i32>} : memref<128x128xf32, #tpu.memory_space<vmem>>, vector<16xf32>,
          %swap3A_537 = arith.index_cast %add3A_483 : i32 to index
          %swap3A_538 = arith.constant 64 : index
          %swap3A_539 = tpu.vector_load %arg9[%swap3A_537, %swap3A_538] {strides = array<i32>} : memref<128x128xf32, #tpu.memory_space<vmem>>, vector<16xf32>,
          tpu.vector_store %arg9[%swap3A_537, %swap3A_538], %gather3A_509 {strides = array<i32>} : memref<128x128xf32, #tpu.memory_space<vmem>>, vector<16xf32>,
          %swap3A_540 = arith.index_cast %add3A_483 : i32 to index
          %swap3A_541 = arith.constant 80 : index
          %swap3A_542 = tpu.vector_load %arg9[%swap3A_540, %swap3A_541] {strides = array<i32>} : memref<128x128xf32, #tpu.memory_space<vmem>>, vector<16xf32>,
          tpu.vector_store %arg9[%swap3A_540, %swap3A_541], %gather3A_514 {strides = array<i32>} : memref<128x128xf32, #tpu.memory_space<vmem>>, vector<16xf32>,
          %swap3A_543 = arith.index_cast %add3A_483 : i32 to index
          %swap3A_544 = arith.constant 96 : index
          %swap3A_545 = tpu.vector_load %arg9[%swap3A_543, %swap3A_544] {strides = array<i32>} : memref<128x128xf32, #tpu.memory_space<vmem>>, vector<16xf32>,
          tpu.vector_store %arg9[%swap3A_543, %swap3A_544], %gather3A_519 {strides = array<i32>} : memref<128x128xf32, #tpu.memory_space<vmem>>, vector<16xf32>,
          %swap3A_546 = arith.index_cast %add3A_483 : i32 to index
          %swap3A_547 = arith.constant 112 : index
          %swap3A_548 = tpu.vector_load %arg9[%swap3A_546, %swap3A_547] {strides = array<i32>} : memref<128x128xf32, #tpu.memory_space<vmem>>, vector<16xf32>,
          tpu.vector_store %arg9[%swap3A_546, %swap3A_547], %gather3A_524 {strides = array<i32>} : memref<128x128xf32, #tpu.memory_space<vmem>>, vector<16xf32>,
          %mul3A_549 = arith.constant 8 : i32
          %mul3A_550 = arith.muli %mul3A_549, %scan3A_138 : i32
          %add3A_551 = arith.constant 6 : i32
          %add3A_552 = arith.addi %mul3A_550, %add3A_551 : i32
          %broadcast_in_dim3A_553 = vector.broadcast %add3A_552 : i32 to vector<16xi32>
          %iota3A_554 = tpu.iota {dimensions = array<i32: 0>} : vector<16xi32>
          %add3A_555 = arith.constant 0 : i32
          %add3A_556 = vector.broadcast %add3A_555 : i32 to vector<16xi32>
          %add3A_557 = arith.addi %add3A_556, %iota3A_554 : vector<16xi32>
          %gather3A_558 = tpu.vector_load_idx %arg7[%add3A_557, %broadcast_in_dim3A_553] : memref<128x128xf32, #tpu.memory_space<vmem>>[vector<16xi32>, vector<16xi32>], vector<16xf32>,
          %iota3A_559 = tpu.iota {dimensions = array<i32: 0>} : vector<16xi32>
          %add3A_560 = arith.constant 16 : i32
          %add3A_561 = vector.broadcast %add3A_560 : i32 to vector<16xi32>
          %add3A_562 = arith.addi %add3A_561, %iota3A_559 : vector<16xi32>
          %gather3A_563 = tpu.vector_load_idx %arg7[%add3A_562, %broadcast_in_dim3A_553] : memref<128x128xf32, #tpu.memory_space<vmem>>[vector<16xi32>, vector<16xi32>], vector<16xf32>,
          %iota3A_564 = tpu.iota {dimensions = array<i32: 0>} : vector<16xi32>
          %add3A_565 = arith.constant 32 : i32
          %add3A_566 = vector.broadcast %add3A_565 : i32 to vector<16xi32>
          %add3A_567 = arith.addi %add3A_566, %iota3A_564 : vector<16xi32>
          %gather3A_568 = tpu.vector_load_idx %arg7[%add3A_567, %broadcast_in_dim3A_553] : memref<128x128xf32, #tpu.memory_space<vmem>>[vector<16xi32>, vector<16xi32>], vector<16xf32>,
          %iota3A_569 = tpu.iota {dimensions = array<i32: 0>} : vector<16xi32>
          %add3A_570 = arith.constant 48 : i32
          %add3A_571 = vector.broadcast %add3A_570 : i32 to vector<16xi32>
          %add3A_572 = arith.addi %add3A_571, %iota3A_569 : vector<16xi32>
          %gather3A_573 = tpu.vector_load_idx %arg7[%add3A_572, %broadcast_in_dim3A_553] : memref<128x128xf32, #tpu.memory_space<vmem>>[vector<16xi32>, vector<16xi32>], vector<16xf32>,
          %iota3A_574 = tpu.iota {dimensions = array<i32: 0>} : vector<16xi32>
          %add3A_575 = arith.constant 64 : i32
          %add3A_576 = vector.broadcast %add3A_575 : i32 to vector<16xi32>
          %add3A_577 = arith.addi %add3A_576, %iota3A_574 : vector<16xi32>
          %gather3A_578 = tpu.vector_load_idx %arg7[%add3A_577, %broadcast_in_dim3A_553] : memref<128x128xf32, #tpu.memory_space<vmem>>[vector<16xi32>, vector<16xi32>], vector<16xf32>,
          %iota3A_579 = tpu.iota {dimensions = array<i32: 0>} : vector<16xi32>
          %add3A_580 = arith.constant 80 : i32
          %add3A_581 = vector.broadcast %add3A_580 : i32 to vector<16xi32>
          %add3A_582 = arith.addi %add3A_581, %iota3A_579 : vector<16xi32>
          %gather3A_583 = tpu.vector_load_idx %arg7[%add3A_582, %broadcast_in_dim3A_553] : memref<128x128xf32, #tpu.memory_space<vmem>>[vector<16xi32>, vector<16xi32>], vector<16xf32>,
          %iota3A_584 = tpu.iota {dimensions = array<i32: 0>} : vector<16xi32>
          %add3A_585 = arith.constant 96 : i32
          %add3A_586 = vector.broadcast %add3A_585 : i32 to vector<16xi32>
          %add3A_587 = arith.addi %add3A_586, %iota3A_584 : vector<16xi32>
          %gather3A_588 = tpu.vector_load_idx %arg7[%add3A_587, %broadcast_in_dim3A_553] : memref<128x128xf32, #tpu.memory_space<vmem>>[vector<16xi32>, vector<16xi32>], vector<16xf32>,
          %iota3A_589 = tpu.iota {dimensions = array<i32: 0>} : vector<16xi32>
          %add3A_590 = arith.constant 112 : i32
          %add3A_591 = vector.broadcast %add3A_590 : i32 to vector<16xi32>
          %add3A_592 = arith.addi %add3A_591, %iota3A_589 : vector<16xi32>
          %gather3A_593 = tpu.vector_load_idx %arg7[%add3A_592, %broadcast_in_dim3A_553] : memref<128x128xf32, #tpu.memory_space<vmem>>[vector<16xi32>, vector<16xi32>], vector<16xf32>,
          %swap3A_594 = arith.index_cast %add3A_552 : i32 to index
          %swap3A_595 = arith.constant 0 : index
          %swap3A_596 = tpu.vector_load %arg9[%swap3A_594, %swap3A_595] {strides = array<i32>} : memref<128x128xf32, #tpu.memory_space<vmem>>, vector<16xf32>,
          tpu.vector_store %arg9[%swap3A_594, %swap3A_595], %gather3A_558 {strides = array<i32>} : memref<128x128xf32, #tpu.memory_space<vmem>>, vector<16xf32>,
          %swap3A_597 = arith.index_cast %add3A_552 : i32 to index
          %swap3A_598 = arith.constant 16 : index
          %swap3A_599 = tpu.vector_load %arg9[%swap3A_597, %swap3A_598] {strides = array<i32>} : memref<128x128xf32, #tpu.memory_space<vmem>>, vector<16xf32>,
          tpu.vector_store %arg9[%swap3A_597, %swap3A_598], %gather3A_563 {strides = array<i32>} : memref<128x128xf32, #tpu.memory_space<vmem>>, vector<16xf32>,
          %swap3A_600 = arith.index_cast %add3A_552 : i32 to index
          %swap3A_601 = arith.constant 32 : index
          %swap3A_602 = tpu.vector_load %arg9[%swap3A_600, %swap3A_601] {strides = array<i32>} : memref<128x128xf32, #tpu.memory_space<vmem>>, vector<16xf32>,
          tpu.vector_store %arg9[%swap3A_600, %swap3A_601], %gather3A_568 {strides = array<i32>} : memref<128x128xf32, #tpu.memory_space<vmem>>, vector<16xf32>,
          %swap3A_603 = arith.index_cast %add3A_552 : i32 to index
          %swap3A_604 = arith.constant 48 : index
          %swap3A_605 = tpu.vector_load %arg9[%swap3A_603, %swap3A_604] {strides = array<i32>} : memref<128x128xf32, #tpu.memory_space<vmem>>, vector<16xf32>,
          tpu.vector_store %arg9[%swap3A_603, %swap3A_604], %gather3A_573 {strides = array<i32>} : memref<128x128xf32, #tpu.memory_space<vmem>>, vector<16xf32>,
          %swap3A_606 = arith.index_cast %add3A_552 : i32 to index
          %swap3A_607 = arith.constant 64 : index
          %swap3A_608 = tpu.vector_load %arg9[%swap3A_606, %swap3A_607] {strides = array<i32>} : memref<128x128xf32, #tpu.memory_space<vmem>>, vector<16xf32>,
          tpu.vector_store %arg9[%swap3A_606, %swap3A_607], %gather3A_578 {strides = array<i32>} : memref<128x128xf32, #tpu.memory_space<vmem>>, vector<16xf32>,
          %swap3A_609 = arith.index_cast %add3A_552 : i32 to index
          %swap3A_610 = arith.constant 80 : index
          %swap3A_611 = tpu.vector_load %arg9[%swap3A_609, %swap3A_610] {strides = array<i32>} : memref<128x128xf32, #tpu.memory_space<vmem>>, vector<16xf32>,
          tpu.vector_store %arg9[%swap3A_609, %swap3A_610], %gather3A_583 {strides = array<i32>} : memref<128x128xf32, #tpu.memory_space<vmem>>, vector<16xf32>,
          %swap3A_612 = arith.index_cast %add3A_552 : i32 to index
          %swap3A_613 = arith.constant 96 : index
          %swap3A_614 = tpu.vector_load %arg9[%swap3A_612, %swap3A_613] {strides = array<i32>} : memref<128x128xf32, #tpu.memory_space<vmem>>, vector<16xf32>,
          tpu.vector_store %arg9[%swap3A_612, %swap3A_613], %gather3A_588 {strides = array<i32>} : memref<128x128xf32, #tpu.memory_space<vmem>>, vector<16xf32>,
          %swap3A_615 = arith.index_cast %add3A_552 : i32 to index
          %swap3A_616 = arith.constant 112 : index
          %swap3A_617 = tpu.vector_load %arg9[%swap3A_615, %swap3A_616] {strides = array<i32>} : memref<128x128xf32, #tpu.memory_space<vmem>>, vector<16xf32>,
          tpu.vector_store %arg9[%swap3A_615, %swap3A_616], %gather3A_593 {strides = array<i32>} : memref<128x128xf32, #tpu.memory_space<vmem>>, vector<16xf32>,
          %mul3A_618 = arith.constant 8 : i32
          %mul3A_619 = arith.muli %mul3A_618, %scan3A_138 : i32
          %add3A_620 = arith.constant 7 : i32
          %add3A_621 = arith.addi %mul3A_619, %add3A_620 : i32
          %broadcast_in_dim3A_622 = vector.broadcast %add3A_621 : i32 to vector<16xi32>
          %iota3A_623 = tpu.iota {dimensions = array<i32: 0>} : vector<16xi32>
          %add3A_624 = arith.constant 0 : i32
          %add3A_625 = vector.broadcast %add3A_624 : i32 to vector<16xi32>
          %add3A_626 = arith.addi %add3A_625, %iota3A_623 : vector<16xi32>
          %gather3A_627 = tpu.vector_load_idx %arg7[%add3A_626, %broadcast_in_dim3A_622] : memref<128x128xf32, #tpu.memory_space<vmem>>[vector<16xi32>, vector<16xi32>], vector<16xf32>,
          %iota3A_628 = tpu.iota {dimensions = array<i32: 0>} : vector<16xi32>
          %add3A_629 = arith.constant 16 : i32
          %add3A_630 = vector.broadcast %add3A_629 : i32 to vector<16xi32>
          %add3A_631 = arith.addi %add3A_630, %iota3A_628 : vector<16xi32>
          %gather3A_632 = tpu.vector_load_idx %arg7[%add3A_631, %broadcast_in_dim3A_622] : memref<128x128xf32, #tpu.memory_space<vmem>>[vector<16xi32>, vector<16xi32>], vector<16xf32>,
          %iota3A_633 = tpu.iota {dimensions = array<i32: 0>} : vector<16xi32>
          %add3A_634 = arith.constant 32 : i32
          %add3A_635 = vector.broadcast %add3A_634 : i32 to vector<16xi32>
          %add3A_636 = arith.addi %add3A_635, %iota3A_633 : vector<16xi32>
          %gather3A_637 = tpu.vector_load_idx %arg7[%add3A_636, %broadcast_in_dim3A_622] : memref<128x128xf32, #tpu.memory_space<vmem>>[vector<16xi32>, vector<16xi32>], vector<16xf32>,
          %iota3A_638 = tpu.iota {dimensions = array<i32: 0>} : vector<16xi32>
          %add3A_639 = arith.constant 48 : i32
          %add3A_640 = vector.broadcast %add3A_639 : i32 to vector<16xi32>
          %add3A_641 = arith.addi %add3A_640, %iota3A_638 : vector<16xi32>
          %gather3A_642 = tpu.vector_load_idx %arg7[%add3A_641, %broadcast_in_dim3A_622] : memref<128x128xf32, #tpu.memory_space<vmem>>[vector<16xi32>, vector<16xi32>], vector<16xf32>,
          %iota3A_643 = tpu.iota {dimensions = array<i32: 0>} : vector<16xi32>
          %add3A_644 = arith.constant 64 : i32
          %add3A_645 = vector.broadcast %add3A_644 : i32 to vector<16xi32>
          %add3A_646 = arith.addi %add3A_645, %iota3A_643 : vector<16xi32>
          %gather3A_647 = tpu.vector_load_idx %arg7[%add3A_646, %broadcast_in_dim3A_622] : memref<128x128xf32, #tpu.memory_space<vmem>>[vector<16xi32>, vector<16xi32>], vector<16xf32>,
          %iota3A_648 = tpu.iota {dimensions = array<i32: 0>} : vector<16xi32>
          %add3A_649 = arith.constant 80 : i32
          %add3A_650 = vector.broadcast %add3A_649 : i32 to vector<16xi32>
          %add3A_651 = arith.addi %add3A_650, %iota3A_648 : vector<16xi32>
          %gather3A_652 = tpu.vector_load_idx %arg7[%add3A_651, %broadcast_in_dim3A_622] : memref<128x128xf32, #tpu.memory_space<vmem>>[vector<16xi32>, vector<16xi32>], vector<16xf32>,
          %iota3A_653 = tpu.iota {dimensions = array<i32: 0>} : vector<16xi32>
          %add3A_654 = arith.constant 96 : i32
          %add3A_655 = vector.broadcast %add3A_654 : i32 to vector<16xi32>
          %add3A_656 = arith.addi %add3A_655, %iota3A_653 : vector<16xi32>
          %gather3A_657 = tpu.vector_load_idx %arg7[%add3A_656, %broadcast_in_dim3A_622] : memref<128x128xf32, #tpu.memory_space<vmem>>[vector<16xi32>, vector<16xi32>], vector<16xf32>,
          %iota3A_658 = tpu.iota {dimensions = array<i32: 0>} : vector<16xi32>
          %add3A_659 = arith.constant 112 : i32
          %add3A_660 = vector.broadcast %add3A_659 : i32 to vector<16xi32>
          %add3A_661 = arith.addi %add3A_660, %iota3A_658 : vector<16xi32>
          %gather3A_662 = tpu.vector_load_idx %arg7[%add3A_661, %broadcast_in_dim3A_622] : memref<128x128xf32, #tpu.memory_space<vmem>>[vector<16xi32>, vector<16xi32>], vector<16xf32>,
          %swap3A_663 = arith.index_cast %add3A_621 : i32 to index
          %swap3A_664 = arith.constant 0 : index
          %swap3A_665 = tpu.vector_load %arg9[%swap3A_663, %swap3A_664] {strides = array<i32>} : memref<128x128xf32, #tpu.memory_space<vmem>>, vector<16xf32>,
          tpu.vector_store %arg9[%swap3A_663, %swap3A_664], %gather3A_627 {strides = array<i32>} : memref<128x128xf32, #tpu.memory_space<vmem>>, vector<16xf32>,
          %swap3A_666 = arith.index_cast %add3A_621 : i32 to index
          %swap3A_667 = arith.constant 16 : index
          %swap3A_668 = tpu.vector_load %arg9[%swap3A_666, %swap3A_667] {strides = array<i32>} : memref<128x128xf32, #tpu.memory_space<vmem>>, vector<16xf32>,
          tpu.vector_store %arg9[%swap3A_666, %swap3A_667], %gather3A_632 {strides = array<i32>} : memref<128x128xf32, #tpu.memory_space<vmem>>, vector<16xf32>,
          %swap3A_669 = arith.index_cast %add3A_621 : i32 to index
          %swap3A_670 = arith.constant 32 : index
          %swap3A_671 = tpu.vector_load %arg9[%swap3A_669, %swap3A_670] {strides = array<i32>} : memref<128x128xf32, #tpu.memory_space<vmem>>, vector<16xf32>,
          tpu.vector_store %arg9[%swap3A_669, %swap3A_670], %gather3A_637 {strides = array<i32>} : memref<128x128xf32, #tpu.memory_space<vmem>>, vector<16xf32>,
          %swap3A_672 = arith.index_cast %add3A_621 : i32 to index
          %swap3A_673 = arith.constant 48 : index
          %swap3A_674 = tpu.vector_load %arg9[%swap3A_672, %swap3A_673] {strides = array<i32>} : memref<128x128xf32, #tpu.memory_space<vmem>>, vector<16xf32>,
          tpu.vector_store %arg9[%swap3A_672, %swap3A_673], %gather3A_642 {strides = array<i32>} : memref<128x128xf32, #tpu.memory_space<vmem>>, vector<16xf32>,
          %swap3A_675 = arith.index_cast %add3A_621 : i32 to index
          %swap3A_676 = arith.constant 64 : index
          %swap3A_677 = tpu.vector_load %arg9[%swap3A_675, %swap3A_676] {strides = array<i32>} : memref<128x128xf32, #tpu.memory_space<vmem>>, vector<16xf32>,
          tpu.vector_store %arg9[%swap3A_675, %swap3A_676], %gather3A_647 {strides = array<i32>} : memref<128x128xf32, #tpu.memory_space<vmem>>, vector<16xf32>,
          %swap3A_678 = arith.index_cast %add3A_621 : i32 to index
          %swap3A_679 = arith.constant 80 : index
          %swap3A_680 = tpu.vector_load %arg9[%swap3A_678, %swap3A_679] {strides = array<i32>} : memref<128x128xf32, #tpu.memory_space<vmem>>, vector<16xf32>,
          tpu.vector_store %arg9[%swap3A_678, %swap3A_679], %gather3A_652 {strides = array<i32>} : memref<128x128xf32, #tpu.memory_space<vmem>>, vector<16xf32>,
          %swap3A_681 = arith.index_cast %add3A_621 : i32 to index
          %swap3A_682 = arith.constant 96 : index
          %swap3A_683 = tpu.vector_load %arg9[%swap3A_681, %swap3A_682] {strides = array<i32>} : memref<128x128xf32, #tpu.memory_space<vmem>>, vector<16xf32>,
          tpu.vector_store %arg9[%swap3A_681, %swap3A_682], %gather3A_657 {strides = array<i32>} : memref<128x128xf32, #tpu.memory_space<vmem>>, vector<16xf32>,
          %swap3A_684 = arith.index_cast %add3A_621 : i32 to index
          %swap3A_685 = arith.constant 112 : index
          %swap3A_686 = tpu.vector_load %arg9[%swap3A_684, %swap3A_685] {strides = array<i32>} : memref<128x128xf32, #tpu.memory_space<vmem>>, vector<16xf32>,
          tpu.vector_store %arg9[%swap3A_684, %swap3A_685], %gather3A_662 {strides = array<i32>} : memref<128x128xf32, #tpu.memory_space<vmem>>, vector<16xf32>,
        }
        %scan3A_131 = arith.constant 16 : i32
        %mul3A_132 = arith.constant 128 : i32
        %mul3A_133 = arith.muli %add3A_106, %mul3A_132 : i32
        %dma_start3A_134 = arith.constant 0 : i32
        %dma_start3A_135 = tpu.memref_slice %arg4[%dma_start3A_134, %mul3A_133] : memref<144x320000xf32, #tpu.memory_space<hbm>> -> memref<128x128xf32, #tpu.memory_space<hbm>>
        %dma_start3A_136 = arith.constant 0 : i32
        %dma_start3A_137 = tpu.memref_slice %arg4[%dma_start3A_136, %mul3A_133] : memref<144x320000xf32, #tpu.memory_space<hbm>> -> memref<128x128xf32, #tpu.memory_space<hbm>>
        tpu.enqueue_dma source(%arg9 : memref<128x128xf32, #tpu.memory_space<vmem>>) target(%dma_start3A_137 : memref<128x128xf32, #tpu.memory_space<hbm>>) target_semaphore(%arg13 : memref<!tpu.dma_semaphore, #tpu.memory_space<semaphore_mem>>)
      } else {
      }
    }
    %ge3A = arith.constant 1 : i32
    %ge3A_91 = arith.cmpi sge, %sub3A_47, %ge3A : i32
    %convert_element_type3A = arith.extui %ge3A_91 : i1 to i32
    %cond3A = arith.constant 0 : i32
    %cond3A_92 = arith.cmpi ne, %convert_element_type3A, %cond3A : i32
    scf.if %cond3A_92 {
      %mul3A_98 = arith.constant 128 : i32
      %mul3A_99 = arith.muli %select_n3A, %mul3A_98 : i32
      %dma_wait3A = arith.constant 0 : i32
      %dma_wait3A_100 = tpu.memref_slice %arg4[%dma_wait3A, %mul3A_99] : memref<144x320000xf32, #tpu.memory_space<hbm>> -> memref<128x128xf32, #tpu.memory_space<hbm>>
      %dma_wait3A_101 = arith.constant 0 : i32
      %dma_wait3A_102 = tpu.memref_slice %arg4[%dma_wait3A_101, %mul3A_99] : memref<144x320000xf32, #tpu.memory_space<hbm>> -> memref<128x128xf32, #tpu.memory_space<hbm>>
      tpu.wait_dma2 semaphore(%arg12 : memref<!tpu.dma_semaphore, #tpu.memory_space<semaphore_mem>>) src(%arg8 : memref<128x128xf32, #tpu.memory_space<vmem>>) dst(%dma_wait3A_102 : memref<128x128xf32, #tpu.memory_space<hbm>>)
    } else {
    }
    %ge3A_93 = arith.constant 2 : i32
    %ge3A_94 = arith.cmpi sge, %sub3A_47, %ge3A_93 : i32
    %convert_element_type3A_95 = arith.extui %ge3A_94 : i1 to i32
    %cond3A_96 = arith.constant 0 : i32
    %cond3A_97 = arith.cmpi ne, %convert_element_type3A_95, %cond3A_96 : i32
    scf.if %cond3A_97 {
      %mul3A_98 = arith.constant 128 : i32
      %mul3A_99 = arith.muli %select_n3A, %mul3A_98 : i32
      %dma_wait3A = arith.constant 0 : i32
      %dma_wait3A_100 = tpu.memref_slice %arg4[%dma_wait3A, %mul3A_99] : memref<144x320000xf32, #tpu.memory_space<hbm>> -> memref<128x128xf32, #tpu.memory_space<hbm>>
      %dma_wait3A_101 = arith.constant 0 : i32
      %dma_wait3A_102 = tpu.memref_slice %arg4[%dma_wait3A_101, %mul3A_99] : memref<144x320000xf32, #tpu.memory_space<hbm>> -> memref<128x128xf32, #tpu.memory_space<hbm>>
      tpu.wait_dma2 semaphore(%arg13 : memref<!tpu.dma_semaphore, #tpu.memory_space<semaphore_mem>>) src(%arg9 : memref<128x128xf32, #tpu.memory_space<vmem>>) dst(%dma_wait3A_102 : memref<128x128xf32, #tpu.memory_space<hbm>>)
    } else {
    }
    return
  }
}

module attributes {stable_mosaic.version = 14 : i64} {
  func.func @_node_proj_kernel(%arg0: i32, %arg1: memref<2000x128xf32, #tpu.memory_space<vmem>>, %arg2: memref<128x128xf32, #tpu.memory_space<vmem>>, %arg3: memref<1x128xf32, #tpu.memory_space<vmem>>, %arg4: memref<2000x128xf32, #tpu.memory_space<vmem>>) attributes {dimension_semantics = [#tpu.dimension_semantics<arbitrary>], iteration_bounds = array<i64: 5>, scalar_prefetch = 0 : i64, scratch_operands = 0 : i64, tpu.core_type = #tpu.core_type<tc>, window_params = [{transform_indices = @transform_0, window_bounds = array<i64: 2000, 128>}, {pipeline_mode = #tpu.pipeline_mode<synchronous>, transform_indices = @transform_1, window_bounds = array<i64: 128, 128>}, {pipeline_mode = #tpu.pipeline_mode<synchronous>, transform_indices = @transform_2, window_bounds = array<i64: 1, 128>}, {transform_indices = @transform_3, window_bounds = array<i64: 2000, 128>}]} {
    %get3A = arith.constant 0 : index
    %get3A_0 = arith.constant 0 : index
    %get3A_1 = vector.load %arg1[%get3A, %get3A_0] : memref<2000x128xf32, #tpu.memory_space<vmem>>, vector<2000x128xf32>
    %get3A_2 = arith.constant 0 : index
    %get3A_3 = arith.constant 0 : index
    %get3A_4 = vector.load %arg2[%get3A_2, %get3A_3] : memref<128x128xf32, #tpu.memory_space<vmem>>, vector<128x128xf32>
    %dot_general3A = arith.constant dense<0.000000e+00> : vector<2000x128xf32>
    %dot_general3A_5 = tpu.matmul %get3A_1, %get3A_4, %dot_general3A {dimension_numbers = #tpu.dot_dimension_numbers<[1], [0], [0], [1], [0, 0, 1, 1], [], []>, transpose_lhs_hint = false} : vector<2000x128xf32>, vector<128x128xf32>, vector<2000x128xf32> -> vector<2000x128xf32>
    %get3A_6 = arith.constant 0 : index
    %get3A_7 = arith.constant 0 : index
    %get3A_8 = vector.load %arg3[%get3A_6, %get3A_7] : memref<1x128xf32, #tpu.memory_space<vmem>>, vector<1x128xf32>
    %add3A = vector.broadcast %get3A_8 : vector<1x128xf32> to vector<2000x128xf32>
    %add3A_9 = arith.addf %dot_general3A_5, %add3A : vector<2000x128xf32>
    %swap3A = arith.constant 0 : index
    %swap3A_10 = arith.constant 0 : index
    %swap3A_11 = vector.load %arg4[%swap3A, %swap3A_10] : memref<2000x128xf32, #tpu.memory_space<vmem>>, vector<2000x128xf32>
    tpu.vector_store %arg4[%swap3A, %swap3A_10], %add3A_9 {strides = array<i32>} : memref<2000x128xf32, #tpu.memory_space<vmem>>, vector<2000x128xf32>,
    return
  }
  func.func @transform_0(%arg0: i32) -> (i32, i32) {
    %c0_i32 = arith.constant 0 : i32
    %c0_i32_0 = arith.constant 0 : i32
    return %arg0, %c0_i32 : i32, i32
  }
  func.func @transform_1(%arg0: i32) -> (i32, i32) {
    %c0_i32 = arith.constant 0 : i32
    %c0_i32_0 = arith.constant 0 : i32
    %c0_i32_1 = arith.constant 0 : i32
    return %c0_i32, %c0_i32_0 : i32, i32
  }
  func.func @transform_2(%arg0: i32) -> (i32, i32) {
    %c0_i32 = arith.constant 0 : i32
    %c0_i32_0 = arith.constant 0 : i32
    %c0_i32_1 = arith.constant 0 : i32
    return %c0_i32, %c0_i32_0 : i32, i32
  }
  func.func @transform_3(%arg0: i32) -> (i32, i32) {
    %c0_i32 = arith.constant 0 : i32
    %c0_i32_0 = arith.constant 0 : i32
    return %arg0, %c0_i32 : i32, i32
  }
}

module attributes {stable_mosaic.version = 14 : i64} {
  func.func @_edge_proj_kernel(%arg0: i32, %arg1: memref<16x6400xf32, #tpu.memory_space<vmem>>, %arg2: memref<16x16xf32, #tpu.memory_space<vmem>>, %arg3: memref<16x1xf32, #tpu.memory_space<vmem>>, %arg4: memref<144x320000xf32, #tpu.memory_space<any>>, %arg5: memref<16x6400xf32, #tpu.memory_space<vmem>>) attributes {dimension_semantics = [#tpu.dimension_semantics<arbitrary>], iteration_bounds = array<i64: 50>, scalar_prefetch = 0 : i64, scratch_operands = 0 : i64, tpu.core_type = #tpu.core_type<tc>, window_params = [{transform_indices = @transform_0, window_bounds = array<i64: 16, 6400>}, {pipeline_mode = #tpu.pipeline_mode<synchronous>, transform_indices = @transform_1, window_bounds = array<i64: 16, 16>}, {pipeline_mode = #tpu.pipeline_mode<synchronous>, transform_indices = @transform_2, window_bounds = array<i64: 16, 1>}, {}, {transform_indices = @transform_4, window_bounds = array<i64: 16, 6400>}]} {
    %get3A = arith.constant 0 : index
    %get3A_0 = arith.constant 0 : index
    %get3A_1 = vector.load %arg2[%get3A, %get3A_0] : memref<16x16xf32, #tpu.memory_space<vmem>>, vector<16x16xf32>
    %get3A_2 = arith.constant 0 : index
    %get3A_3 = arith.constant 0 : index
    %get3A_4 = vector.load %arg1[%get3A_2, %get3A_3] : memref<16x6400xf32, #tpu.memory_space<vmem>>, vector<16x6400xf32>
    %dot_general3A = arith.constant dense<0.000000e+00> : vector<16x6400xf32>
    %dot_general3A_5 = tpu.matmul %get3A_1, %get3A_4, %dot_general3A {dimension_numbers = #tpu.dot_dimension_numbers<[1], [0], [0], [1], [0, 0, 1, 1], [], []>, transpose_lhs_hint = false} : vector<16x16xf32>, vector<16x6400xf32>, vector<16x6400xf32> -> vector<16x6400xf32>
    %get3A_6 = arith.constant 0 : index
    %get3A_7 = arith.constant 0 : index
    %get3A_8 = vector.load %arg3[%get3A_6, %get3A_7] : memref<16x1xf32, #tpu.memory_space<vmem>>, vector<16x1xf32>
    %add3A = vector.broadcast %get3A_8 : vector<16x1xf32> to vector<16x6400xf32>
    %add3A_9 = arith.addf %dot_general3A_5, %add3A : vector<16x6400xf32>
    %swap3A = arith.constant 0 : index
    %swap3A_10 = arith.constant 0 : index
    %swap3A_11 = vector.load %arg5[%swap3A, %swap3A_10] : memref<16x6400xf32, #tpu.memory_space<vmem>>, vector<16x6400xf32>
    tpu.vector_store %arg5[%swap3A, %swap3A_10], %add3A_9 {strides = array<i32>} : memref<16x6400xf32, #tpu.memory_space<vmem>>, vector<16x6400xf32>,
    return
  }
  func.func @transform_0(%arg0: i32) -> (i32, i32) {
    %c0_i32 = arith.constant 0 : i32
    %c0_i32_0 = arith.constant 0 : i32
    return %c0_i32, %arg0 : i32, i32
  }
  func.func @transform_1(%arg0: i32) -> (i32, i32) {
    %c0_i32 = arith.constant 0 : i32
    %c0_i32_0 = arith.constant 0 : i32
    %c0_i32_1 = arith.constant 0 : i32
    return %c0_i32, %c0_i32_0 : i32, i32
  }
  func.func @transform_2(%arg0: i32) -> (i32, i32) {
    %c0_i32 = arith.constant 0 : i32
    %c0_i32_0 = arith.constant 0 : i32
    %c0_i32_1 = arith.constant 0 : i32
    return %c0_i32, %c0_i32_0 : i32, i32
  }
  func.func @transform_4(%arg0: i32) -> (i32, i32) {
    %c8_i32 = arith.constant 8 : i32
    %c0_i32 = arith.constant 0 : i32
    return %c8_i32, %arg0 : i32, i32
  }
}

</mosaic_0001>

<sc_bundles>
// kernel: kernel.5.cloned.1.call-start
scs
__scs_entry_jumppad:
0x0: {  	(pc) =	sbr.rel $0x88, $3  }
0x1: {  	(tag) =	ssettag $0x0;
	lr =	simm.s32 $0x1  }
0x2: {  	[smem:$0x3F9A] =	sst lr;
	_ =	strace $0xD0000000  }
0x3: {  	_ = 	snop  }
0x4: {  	_ = 	snop  }
0x5: {  	_ = 	snop  }
0x6: {  	_ = 	snop  }
0x7: {  	_ = 	snop  }
__scs_overlays_trampoline_lowered:
0x8: {  	[smem:$0x3FA9] =	sst s0  }
0x9: {  	[smem:$0x3FAA] =	sst s1  }
0xa: {  	[smem:$0x3FAB] =	sst s2  }
0xb: {  	[smem:$0x3FAC] =	sst s3  }
0xc: {  	[smem:$0x3FAD] =	sst s4  }
0xd: {  	[smem:$0x3FAE] =	sst s5  }
0xe: {  	[smem:$0x3FAF] =	sst s6  }
0xf: {  	[smem:$0x3FB0] =	sst s7  }
0x10: {  	[smem:$0x3FB1] =	sst s8  }
0x11: {  	[smem:$0x3FB2] =	sst s9;
	s0 =	simm.s32 @!p0 $0x0  }
0x12: {  	s1 =	sld [smem:$0x3F98];
	s0 =	simm.s32 @p0 $0x1  }
0x13: {  	[smem:$0x3FB3] =	sst s0;
	s0 =	simm.s32 @!p1 $0x0  }
0x14: {  	s2 =	sld [smem:$0x3F97];
	s0 =	simm.s32 @p1 $0x1  }
0x15: {  	[smem:$0x3FB4] =	sst s0;
	s0 =	simm.s32 @!p2 $0x0  }
0x16: {  	s3 =	sld [smem:$0x3FDB];
	s0 =	simm.s32 @p2 $0x1  }
0x17: {  	s4 =	simm.s32 $0x1BF5;
	[smem:$0x3FB6] =	sst s0  }
0x18: {  	s0 =	sld [smem:$0x3F99];
	_ =	swait.ge [sflag:s4], $0x0  }
0x19: {  	s7 =	sld [smem:$0x3F9A]  }
0x1a: {  	s8 =	sadd.s32 $0xFFFFE003, lr  }
0x1b: {  	s9 =	sadd.s32 $0xFFFFFEF7, lr;
	s5 =	simm.s32 $0xFFFFFFFF;
	p2 =	slt.u32 s8, $0xFFFFF086  }
0x1c: {  	p1 =	slt.u32 s9, $0xF7A;
	s5 =	simm.s32 @!p2 $0x0  }
0x1d: {  	s5 =	simm.s32 @p1 $0x1;
	p0 =	seq.s32 s7, s2  }
0x1e: {  	s7 =	smul.u32 @!p0 $0xF7A, s2;
	p2 =	seq.s32 @!p0 s5, $0x0  }
0x1f: {  	s9 =	smul.u32 $0xF7A, s1;
	s8 =	simm.s32 @!p0 $0x1BF5;
	p2 =	por !p2, p0  }
0x20: {  	[sflag:s8] =	ssyncset.s32 @!p0 $0xFFFFF086;
	s6 =	sadd.s32 @!p0 s3, s7;
	s7 =	simm.s32 @!p0 $0x108  }
0x21: {  	s3 =	sadd.s32 s3, s9;
	s6 =	sadd.s32 @!p0 $0x88, s6;
	s7 =	simm.s32 @p2 $0x1082  }
0x22: {  	[simem:s7], [sflag:s8] =	dma.local @!p0 [hbm:s6], $0xF7A  }
0x23: {  	s9 =	sor.u32 $0xD0000000, s2;
	s6 =	simm.s32 $0x108;
	_ =	swait.ge @!p0 [sflag:s8], $0x0  }
0x24: {  	s3 =	sadd.s32 $0x88, s3;
	s6 =	simm.s32 @!p1 $0x1082;
	[sflag:s4] =	ssyncset.s32 $0xFFFFF086  }
0x25: {  	[simem:s6], [sflag:s4] =	dma.local [hbm:s3], $0xF7A  }
0x26: {  	[smem:$0x3F9A] =	sst s1;
	(tag) =	ssettag s2;
	_ =	strace s9  }
0x27: {  	s1 =	sld [smem:$0x3FAA]  }
0x28: {  	s2 =	sld [smem:$0x3FAB]  }
0x29: {  	s4 =	sld [smem:$0x3FAD]  }
0x2a: {  	p0 =	seq.s32 s5, $0x0;
	s5 =	sld [smem:$0x3FAE]  }
0x2b: {  	s6 =	sld [smem:$0x3FAF]  }
0x2c: {  	s7 =	sld [smem:$0x3FB0]  }
0x2d: {  	s3 =	simm.s32 $0x108;
	s8 =	sld [smem:$0x3FB1]  }
0x2e: {  	s3 =	simm.s32 @!p0 $0x1082;
	s9 =	sld [smem:$0x3FB2]  }
0x2f: {  	lr =	sadd.s32 s0, s3;
	s0 =	sld [smem:$0x3FA9]  }
0x30: {  	s3 =	sld [smem:$0x3FAC]  }
0x31: {  	[smem:$0x3FB5] =	sst s10  }
0x32: {  	s10 =	sld [smem:$0x3FB3];
	_ =	sdelay $0x3  }
0x33: {  	p0 =	seq.s32 s10, $0x1;
	s10 =	sld [smem:$0x3FB5];
	_ =	sdelay $0x3  }
0x34: {  	[smem:$0x3FB5] =	sst s10  }
0x35: {  	s10 =	sld [smem:$0x3FB4];
	_ =	sdelay $0x3  }
0x36: {  	p1 =	seq.s32 s10, $0x1;
	s10 =	sld [smem:$0x3FB5];
	_ =	sdelay $0x3  }
0x37: {  	[smem:$0x3FB5] =	sst s10  }
0x38: {  	s10 =	sld [smem:$0x3FB6]  }
0x39: {  	_ = 	snop;
	(pc) =	sbr.ind lr, $3  }
0x3a: {  	_ = 	snop  }
0x3b: {  	_ = 	snop  }
0x3c: {  	p2 =	seq.s32 s10, $0x1;
	s10 =	sld [smem:$0x3FB5]  }
0x3d: {  	_ =	shalt  }
0x3e: {  	_ =	shalt  }
0x3f: {  	_ =	shalt  }
0x40: {  	_ =	shalt  }
0x41: {  	_ =	shalt  }
0x42: {  	_ =	shalt  }
0x43: {  	_ =	shalt  }
0x44: {  	_ =	shalt  }
0x45: {  	_ =	shalt  }
0x46: {  	_ =	shalt  }
0x47: {  	_ =	shalt  }
0x48: {  	_ =	shalt  }
0x49: {  	_ =	shalt  }
0x4a: {  	_ =	shalt  }
0x4b: {  	_ =	shalt  }
0x4c: {  	_ =	shalt  }
0x4d: {  	_ =	shalt  }
0x4e: {  	_ =	shalt  }
0x4f: {  	_ =	shalt  }
0x50: {  	_ =	shalt  }
0x51: {  	_ =	shalt  }
0x52: {  	_ =	shalt  }
0x53: {  	_ =	shalt  }
0x54: {  	_ =	shalt  }
0x55: {  	_ =	shalt  }
0x56: {  	_ =	shalt  }
0x57: {  	_ =	shalt  }
0x58: {  	_ =	shalt  }
0x59: {  	_ =	shalt  }
0x5a: {  	_ =	shalt  }
0x5b: {  	_ =	shalt  }
0x5c: {  	_ =	shalt  }
0x5d: {  	_ =	shalt  }
0x5e: {  	_ =	shalt  }
0x5f: {  	_ =	shalt  }
0x60: {  	_ =	shalt  }
0x61: {  	_ =	shalt  }
0x62: {  	_ =	shalt  }
0x63: {  	_ =	shalt  }
0x64: {  	_ =	shalt  }
0x65: {  	_ =	shalt  }
0x66: {  	_ =	shalt  }
0x67: {  	_ =	shalt  }
0x68: {  	_ =	shalt  }
0x69: {  	_ =	shalt  }
0x6a: {  	_ =	shalt  }
0x6b: {  	_ =	shalt  }
0x6c: {  	_ =	shalt  }
0x6d: {  	_ =	shalt  }
0x6e: {  	_ =	shalt  }
0x6f: {  	_ =	shalt  }
0x70: {  	_ =	shalt  }
0x71: {  	_ =	shalt  }
0x72: {  	_ =	shalt  }
0x73: {  	_ =	shalt  }
0x74: {  	_ =	shalt  }
0x75: {  	_ =	shalt  }
0x76: {  	_ =	shalt  }
0x77: {  	_ =	shalt  }
0x78: {  	_ =	shalt  }
0x79: {  	_ =	shalt  }
0x7a: {  	_ =	shalt  }
0x7b: {  	_ =	shalt  }
0x7c: {  	_ =	shalt  }
0x7d: {  	_ =	shalt  }
0x7e: {  	_ =	shalt  }
0x7f: {  	_ =	shalt  }
0x80: {  	_ =	shalt  }
0x81: {  	_ =	shalt  }
0x82: {  	_ =	shalt  }
0x83: {  	_ =	shalt  }
0x84: {  	_ =	shalt  }
0x85: {  	_ =	shalt  }
0x86: {  	_ =	shalt  }
0x87: {  	_ =	shalt  }
.Lfunc_end0:
.L_simem_size_0:
called_computation_lowered:
.L_overlay_start_0:
0x88: {  	s2 =	sld [smem:$0x3FD9]  }
0x89: {  	s3 =	sld [smem:$0x3FFE];
	_ =	sdelay $0x1  }
0x8a: {  	s1 =	srdreg.scid  }
0x8b: {  	s0 =	sand.u32 $0x1, s1  }
0x8c: {  	s17 =	sshll.u32 s0, $0xA;
	s2 =	sadd.s32 s3, s2  }
0x8d: {  	s2 =	sadd.s32 s2, s17  }
0x8e: {  	[smem:$0x3FC1] =	sst s2  }
0x8f: {  	_ = 	snop  }
0x90: {  	s2 =	sld [smem:$0x3FD0];
	(tm) =	ssettm $0x1  }
0x91: {  	s18 =	sld [smem:$0x3FFB];
	_ =	sdelay $0x3  }
0x92: {  	_ =	strace s18  }
0x93: {  	s3 =	sld [smem:$0x3FFC];
	_ =	sdelay $0x3  }
0x94: {  	_ =	strace s3  }
0x95: {  	s3 =	sld [smem:$0x3FFD];
	_ =	sdelay $0x3  }
0x96: {  	_ =	strace s3  }
0x97: {  	_ =	strace $0x8FFFFFFF  }
0x98: {  	s19 =	sld [smem:$0x3FDB];
	_ =	sdelay $0x1  }
0x99: {  	s4 =	simm.s32 $_scs_section_size  }
0x9a: {  	s5 =	simm.s32 $_size__tile_overlayer_lowered;
	s6 =	simm.s32 $_tile_overlayer_lowered  }
0x9b: {  	s22 =	simm.s32 $0x1BFF;
	s21 =	sshll.u32 s6, $0x1;
	s3 =	sadd.s32 s4, s19  }
0x9c: {  	s7 =	simm.s32 $0x0;
	s20 =	sshll.u32 s5, $0x1;
	s5 =	sadd.s32 s21, s3  }
0x9d: {  	[timem:s7], [sflag:s22] =	dma.local [hbm:s5], s20  }
0x9e: {  	_ =	swait.ge [sflag:s22], s20  }
0x9f: {  	s4 =	ssub.s32 $0x0, s20;
	[sflag:s22] =	ssyncset.done $0x0  }
0xa0: {  	[sflag:s22] =	ssyncadd.s32 s4;
	_ =	sdelay $0x1  }
0xa1: {  	s23 =	simm.s32 $0x1B8B  }
0xa2: {  	_ =	swait.ge [sflag:s23], $0x1  }
0xa3: {  	[sflag:s23] =	ssyncset.done $0x0  }
0xa4: {  	s25 =	simm.s32 $0x1B8E;
	s24 =	sld [smem:$0x3FFE];
	[sflag:s23] =	ssyncadd.s32 $0xFFFFFFFF  }
0xa5: {  	s26 =	simm.s32 $execute0_lowered;
	[smem:$0x3FD2] =	sst s25  }
0xa6: {  	s5 =	sshll.u32 s26, $0x1;
	_ =	strace $0x80000046;
	[dreg:$0x1] =	wrdreg $0xFFFFFFFF  }
0xa7: {  	s28 =	simm.s32 $_size_execute0_lowered;
	s3 =	sadd.s32 s3, s5;
	[dreg:$0x0] =	wrdreg $0x0  }
0xa8: {  	s5 =	sshll.u32 s28, $0x1;
	[dreg:$0x2] =	wrdreg s3  }
0xa9: {  	[dreg:$0x3] =	wrdreg s5  }
0xaa: {  	[dreg:$0x4] =	wrdreg $0xC0  }
0xab: {  	_ =	task [dreg:s7], $0x5FFFF  }
0xac: {  	[dreg:$0x1] =	wrdreg $0xFFFFFFFF  }
0xad: {  	[dreg:$0x0] =	wrdreg $0x60  }
0xae: {  	[dreg:$0x2] =	wrdreg s24  }
0xaf: {  	[dreg:$0x3] =	wrdreg s2  }
0xb0: {  	[dreg:$0x4] =	wrdreg $0x9  }
0xb1: {  	_ =	task.clear_ibuf [dreg:s7], $0x5FFFF;
	_ =	strace $0x90000046  }
0xb2: {  	s29 =	simm.s32 $0x9;
	_ =	strace $0x80000048  }
0xb3: {  	_ =	swait.ge [sflag:s29], $0x1  }
0xb4: {  	[sflag:s29] =	ssyncadd.s32 $0xFFFFFFFF  }
0xb5: {  	_ =	strace $0x90000048  }
0xb6: {  	_ =	sfence  }
0xb7: {  	s30 =	sld [smem:$0x0];
	_ =	sdelay $0x2  }
0xb8: {  	s31 =	sshll.u32 s1, $0xD;
	s1 =	sshrl.u32 s1, $0x2  }
0xb9: {  	s3 =	sand.u32 $0x4000, s31;
	s1 =	sadd.s32 s1, s30  }
0xba: {  	s0 =	sor.u32 s3, s0;
	s1 =	sshll.u32 s1, $0x11  }
0xbb: {  	s0 =	sor.u32 s1, s0  }
0xbc: {  	s0 =	sadd.s32 $0x8F2B, s0  }
0xbd: {  	[sflag:s0] =	ssyncadd.remote.s32 $0x1  }
0xbe: {  	_ =	sfence.sel $0xFFFF  }
0xbf: {  	[dreg:$0x0] =	wrdreg $0xFFFFFFFF;
	(pc) =	sbr.abs _section_cstart, $3  }
0xc0: {  	[dreg:$0x1] =	wrdreg $0xFFFFFFFF  }
0xc1: {  	_ =	task.clear_ibuf [dreg:s7], $0x2FFFF;
	_ =	strace $0x9FFFFFFF  }
0xc2: {  	(tm) =	ssettm $0x7FFFFFFF  }
0xc3: {  	_ =	shalt  }
tec
execute0_lowered:
.L_overlay_start_1:
0x0: {  	(tag) =	ssettag $0x1  }
0x1: {  	s1 =	srdreg.scid;
	s7 =	rddreg [dreg:$0x0]  }
0x2: {  	s0 =	stileid.u32;
	s2 =	rddreg [dreg:$0x1];
	s3 =	simm.s32 $0x0  }
0x3: {  	s13 =	simm.s32 $0x80;
	s14 =	simm.s32 $0x2780;
	s15 =	simm.s32 $0x400  }
0x4: {  	s16 =	simm.s32 $0x271000;
	s17 =	simm.s32 $0xA780;
	s18 =	simm.s32 $0x2  }
0x5: {  	s19 =	simm.s32 $0x6780;
	s8 =	sand.u32 $0x1, s1;
	s26 =	sshll.u32 s0, $0x1  }
0x6: {  	s21 =	simm.s32 $0x0;
	s1 =	rddreg [dreg:$0x2];
	s4 =	sor.u32 s8, s26  }
0x7: {  	[smem:$0x7FF] =	sst s3;
	s8 =	ssub.s32 $0x2, s8;
	s4 =	smul.u32 $0x9C4, s4  }
0x8: {  	s6 =	sadd.s32 $0xAA00, s7;
	_ =	strace $0x80000047;
	s10 =	sshrl.u32 s8, $0x1  }
0x9: {  	s29 =	ssub.s32 s8, s10;
	s5 =	sadd.s32 $0x9C4, s4;
	s9 =	sshrl.u32 s4, $0x1  }
0xa: {  	s4 =	sshrl.u32 s4, $0x5;
	s5 =	sshrl.u32 s5, $0x5;
	s9 =	sand.u32 $0xFFF0, s9  }
0xb: {  	s10 =	sadd.s32 $0x2, s4;
	s20 =	ssub.s32 s5, s4;
	s7 =	sadd.s32 s9, s7  }
0xc: {  	s9 =	simm.s32 $0x1;
	s28 =	sadd.s32 $0x1, s20;
	p0 =	slt.s32 s20, $0x0  }
0xd: {  	s7 =	sadd.s32 $0xC00, s7;
	s11 =	sand.u32 $0x8000, s28;
	s12 =	sand.u32 $0x1, s28  }
0xe: {  	v0 =	vlaneseq.u32;
	s11 =	sshrl.u32 s11, $0xF;
	p1 =	seq.s32 s12, $0x1;
	s12 =	simm.s32 $0x5  }
.Ltmp0:
0xf: {  	v0 =	vmul.u32 $0x80, v0;
	s30 =	sadd.s32 s11, s28;
	p0 =	por !p0, !p1;
	(pc) =	sbr.rel .LBB2_1-.Ltmp0, $4  }
0x10: {  	s11 =	smax.u32 s29, $0x1;
	s8 =	sshll.u32 s30, $0x10;
	p0 =	por !p0, !p0  }
0x11: {  	v1 =	vor.u32 $0x800, v0;
	p1 =	slt.s32 s20, $0x1;
	s31 =	sshra.s32 s8, $0x11;
	s9 =	simm.s32 @!p0 $0x0  }
0x12: {  	v2 =	vor.u32 $0x1000, v0;
	v3 =	vor.u32 $0x1800, v0;
	v4 =	vor.u32 $0x2000, v0;
	p2 =	seq.s32 @!p1 s20, $0x1;
	s20 =	simm.s32 $0xE780;
	s9 =	ssub.s32 s31, s9  }
0x13: {  	v5 =	vor.u32 $0x2800, v0;
	v6 =	vor.u32 $0x3000, v0;
	v7 =	vor.u32 $0x3800, v0;
	s8 =	simm.s32 $0x1;
	p2 =	por p2, p1;
	p0 =	slt.s32 s9, $0x1  }
.LBB2_11:
0x14: {  	s22 =	simm.s32 @!p1 $0x3;
	s21 =	sadd.s32 $0x1, s21  }
0x15: {  	_ =	swait.ge @!p1 [sflag:s22], $0x4000;
	p3 =	sne.s32 s21, s11  }
.Ltmp1:
0x16: {  	[sflag:s22] =	ssyncset.done @!p1 $0x0;
	(pc) =	sbr.rel @!p3 .LBB2_12-.Ltmp1, $4  }
0x17: {  	[sflag:s22] =	ssyncadd.s32 @!p1 $0xFFFFC000;
	s22 =	simm.s32 @!p2 $0x4  }
0x18: {  	_ =	swait.ge @!p2 [sflag:s22], $0x4000  }
0x19: {  	[sflag:s22] =	ssyncset.done @!p2 $0x0  }
0x1a: {  	[sflag:s22] =	ssyncadd.s32 @!p2 $0xFFFFC000  }
.LBB2_1:
0x1b: {  	[tilespmem:s3], [sflag:$0x5] =	stream.linear.gather [hbm4b:s7+s3], $0x2780, $0x38;
	[tilespmem:$0x12780] =	vst v63  }
.Ltmp2:
0x1c: {  	_ = 	snop;
	(pc) =	sbr.rel @!p0 .LBB2_2-.Ltmp2, $4  }
.Ltmp3:
0x1d: {  	_ =	swait.ge [sflag:s12], $0x2780;
	(pc) =	sbr.rel @p0 .LBB2_11-.Ltmp3, $4  }
0x1e: {  	[sflag:s12] =	ssyncset.done $0x0  }
0x1f: {  	s22 =	simm.s32 $0x0;
	[sflag:s12] =	ssyncadd.s32 $0xFFFFD880  }
0x20: {  	[tilespmem:s14], [sflag:$0x1] =	stream.indirect.gather [hbm4b:s6+s13], $0x80, s3, s13, $0xb8;
	[tilespmem:$0x12780] =	vst v63  }
0x21: {  	_ = 	snop  }
.LBB2_10:
0x22: {  	s22 =	sadd.s32 $0x1, s22  }
0x23: {  	p3 =	slt.s32 s22, s9  }
.Ltmp4:
0x24: {  	_ = 	snop;
	(pc) =	sbr.rel @!p3 .LBB2_11-.Ltmp4, $1  }
0x25: {  	_ =	sdelay $0x3  }
.LBB2_2:
0x26: {  	s23 =	sshll.u32 s22, $0x1  }
0x27: {  	s24 =	sadd.s32 s4, s23  }
0x28: {  	p3 =	slt.u32 s24, s5  }
.Ltmp5:
0x29: {  	_ = 	snop;
	(pc) =	sbr.rel @!p3 .LBB2_6-.Ltmp5, $2  }
0x2a: {  	_ =	sdelay $0x2  }
0x2b: {  	s23 =	sadd.s32 $0x1, s24  }
0x2c: {  	s23 =	sadd.s32 $0x1, s24  }
0x2d: {  	_ =	swait.ge [sflag:s8], $0x4000;
	p3 =	sge.u32 s23, s5  }
0x2e: {  	[sflag:s8] =	ssyncset.done $0x0;
	s25 =	ssub.s32 @!p3 s23, s4  }
0x2f: {  	[sflag:s8] =	ssyncadd.s32 $0xFFFFC000;
	s25 =	sshll.u32 @!p3 s25, $0x7  }
0x30: {  	s26 =	simm.s32 @!p3 $0x80;
	s28 =	simm.s32 @!p3 $0x6780;
	s25 =	sand.u32 @!p3 $0x3FFFFF80, s25  }
0x31: {  	[tilespmem:s28], [sflag:$0x2] =	stream.indirect.gather @!p3 [hbm4b:s6+s26], $0x80, s25, s26, $0xb8;
	[tilespmem:$0x12780] =	vst v63  }
0x32: {  	p3 =	seq.s32 s22, $0x0  }
0x33: {  	s25 =	simm.s32 @!p3 $0x3  }
0x34: {  	_ =	swait.ge @!p3 [sflag:s25], $0x4000  }
0x35: {  	[sflag:s25] =	ssyncset.done @!p3 $0x0  }
0x36: {  	s26 =	simm.s32 $0xA980;
	[sflag:s25] =	ssyncadd.s32 @!p3 $0xFFFFC000;
	s25 =	simm.s32 $0x7  }
.LBB2_4:
0x37: {  	s28 =	sadd.s32 $0xFFFFFFF9, s25  }
0x38: {  	v8 =	vmov s28  }
0x39: {  	v8 =	vand.u32 $0x78, v8  }
0x3a: {  	v8 =	vbroadcast v8, $0x0;
	_ =	sdelay $0x1  }
0x3b: {  	v9 =	vor.u32 v0, v8  }
0x3c: {  	v10 =	vor.u32 v1, v8  }
0x3d: {  	v11 =	vor.u32 v2, v8  }
0x3e: {  	v12 =	vor.u32 v3, v8  }
0x3f: {  	v13 =	vor.u32 v4, v8  }
0x40: {  	v14 =	vor.u32 v5, v8;
	v9 =	vld.idx.msk [tilespmem:v9+s14+$0x0], $0xffff  }
0x41: {  	v15 =	vor.u32 v6, v8;
	v10 =	vld.idx.msk [tilespmem:v10+s14+$0x0], $0xffff  }
0x42: {  	v8 =	vor.u32 v7, v8;
	v11 =	vld.idx.msk [tilespmem:v11+s14+$0x0], $0xffff  }
0x43: {  	v12 =	vld.idx.msk [tilespmem:v12+s14+$0x0], $0xffff  }
0x44: {  	v13 =	vld.idx.msk [tilespmem:v13+s14+$0x0], $0xffff  }
0x45: {  	s29 =	sadd.s32 $0xFFFFFFFA, s25;
	v14 =	vld.idx.msk [tilespmem:v14+s14+$0x0], $0xffff  }
0x46: {  	v16 =	vmov s29;
	v15 =	vld.idx.msk [tilespmem:v15+s14+$0x0], $0xffff  }
0x47: {  	v56 =	vand.u32 $0x79, v16;
	v8 =	vld.idx.msk [tilespmem:v8+s14+$0x0], $0xffff;
	[tilespmem:s26+$0xFFFFFE00] =	vst v9  }
0x48: {  	[tilespmem:s26+$0xFFFFFE10] =	vst v10;
	v9 =	vbroadcast v56, $0x0  }
0x49: {  	[tilespmem:s26+$0xFFFFFE20] =	vst v11  }
0x4a: {  	[tilespmem:s26+$0xFFFFFE30] =	vst v12;
	v57 =	vor.u32 v0, v9  }
0x4b: {  	[tilespmem:s26+$0xFFFFFE40] =	vst v13;
	v58 =	vor.u32 v1, v9  }
0x4c: {  	[tilespmem:s26+$0xFFFFFE50] =	vst v14;
	v59 =	vor.u32 v2, v9  }
0x4d: {  	[tilespmem:s26+$0xFFFFFE60] =	vst v15;
	v60 =	vor.u32 v3, v9  }
0x4e: {  	[tilespmem:s26+$0xFFFFFE70] =	vst v8;
	v8 =	vor.u32 v4, v9  }
0x4f: {  	v61 =	vor.u32 v5, v9;
	v10 =	vld.idx.msk [tilespmem:v57+s14+$0x0], $0xffff  }
0x50: {  	v62 =	vor.u32 v6, v9;
	v11 =	vld.idx.msk [tilespmem:v58+s14+$0x0], $0xffff  }
0x51: {  	v9 =	vor.u32 v7, v9;
	v12 =	vld.idx.msk [tilespmem:v59+s14+$0x0], $0xffff  }
0x52: {  	v13 =	vld.idx.msk [tilespmem:v60+s14+$0x0], $0xffff  }
0x53: {  	v8 =	vld.idx.msk [tilespmem:v8+s14+$0x0], $0xffff  }
0x54: {  	s30 =	sadd.s32 $0xFFFFFFFB, s25;
	v14 =	vld.idx.msk [tilespmem:v61+s14+$0x0], $0xffff  }
0x55: {  	v63 =	vmov s30;
	v15 =	vld.idx.msk [tilespmem:v62+s14+$0x0], $0xffff  }
0x56: {  	v17 =	vand.u32 $0x7A, v63;
	v9 =	vld.idx.msk [tilespmem:v9+s14+$0x0], $0xffff;
	[tilespmem:s26+$0xFFFFFE80] =	vst v10  }
0x57: {  	[tilespmem:s26+$0xFFFFFE90] =	vst v11;
	v10 =	vbroadcast v17, $0x0  }
0x58: {  	[tilespmem:s26+$0xFFFFFEA0] =	vst v12  }
0x59: {  	[tilespmem:s26+$0xFFFFFEB0] =	vst v13;
	v18 =	vor.u32 v0, v10  }
0x5a: {  	[tilespmem:s26+$0xFFFFFEC0] =	vst v8;
	v8 =	vor.u32 v1, v10  }
0x5b: {  	[tilespmem:s26+$0xFFFFFED0] =	vst v14;
	v19 =	vor.u32 v2, v10  }
0x5c: {  	[tilespmem:s26+$0xFFFFFEE0] =	vst v15;
	v20 =	vor.u32 v3, v10  }
0x5d: {  	[tilespmem:s26+$0xFFFFFEF0] =	vst v9;
	v21 =	vor.u32 v4, v10  }
0x5e: {  	v22 =	vor.u32 v5, v10;
	v11 =	vld.idx.msk [tilespmem:v18+s14+$0x0], $0xffff  }
0x5f: {  	v23 =	vor.u32 v6, v10;
	v8 =	vld.idx.msk [tilespmem:v8+s14+$0x0], $0xffff  }
0x60: {  	v10 =	vor.u32 v7, v10;
	v12 =	vld.idx.msk [tilespmem:v19+s14+$0x0], $0xffff  }
0x61: {  	v13 =	vld.idx.msk [tilespmem:v20+s14+$0x0], $0xffff  }
0x62: {  	v9 =	vld.idx.msk [tilespmem:v21+s14+$0x0], $0xffff  }
0x63: {  	s31 =	sadd.s32 $0xFFFFFFFC, s25;
	v14 =	vld.idx.msk [tilespmem:v22+s14+$0x0], $0xffff  }
0x64: {  	v24 =	vmov s31;
	v15 =	vld.idx.msk [tilespmem:v23+s14+$0x0], $0xffff  }
0x65: {  	v25 =	vand.u32 $0x7B, v24;
	v10 =	vld.idx.msk [tilespmem:v10+s14+$0x0], $0xffff;
	[tilespmem:s26+$0xFFFFFF00] =	vst v11  }
0x66: {  	[tilespmem:s26+$0xFFFFFF10] =	vst v8;
	v8 =	vbroadcast v25, $0x0  }
0x67: {  	[tilespmem:s26+$0xFFFFFF20] =	vst v12  }
0x68: {  	[tilespmem:s26+$0xFFFFFF30] =	vst v13;
	v11 =	vor.u32 v0, v8  }
0x69: {  	[tilespmem:s26+$0xFFFFFF40] =	vst v9;
	v26 =	vor.u32 v1, v8  }
0x6a: {  	[tilespmem:s26+$0xFFFFFF50] =	vst v14;
	v27 =	vor.u32 v2, v8  }
0x6b: {  	[tilespmem:s26+$0xFFFFFF60] =	vst v15;
	v28 =	vor.u32 v3, v8  }
0x6c: {  	[tilespmem:s26+$0xFFFFFF70] =	vst v10;
	v29 =	vor.u32 v4, v8  }
0x6d: {  	v30 =	vor.u32 v5, v8;
	v11 =	vld.idx.msk [tilespmem:v11+s14+$0x0], $0xffff  }
0x6e: {  	v31 =	vor.u32 v6, v8;
	v9 =	vld.idx.msk [tilespmem:v26+s14+$0x0], $0xffff  }
0x6f: {  	v8 =	vor.u32 v7, v8;
	v12 =	vld.idx.msk [tilespmem:v27+s14+$0x0], $0xffff  }
0x70: {  	v13 =	vld.idx.msk [tilespmem:v28+s14+$0x0], $0xffff  }
0x71: {  	v10 =	vld.idx.msk [tilespmem:v29+s14+$0x0], $0xffff  }
0x72: {  	s29 =	sadd.s32 $0xFFFFFFFD, s25;
	v14 =	vld.idx.msk [tilespmem:v30+s14+$0x0], $0xffff  }
0x73: {  	v32 =	vmov s29;
	v15 =	vld.idx.msk [tilespmem:v31+s14+$0x0], $0xffff  }
0x74: {  	v33 =	vand.u32 $0x7C, v32;
	v8 =	vld.idx.msk [tilespmem:v8+s14+$0x0], $0xffff;
	[tilespmem:s26+$0xFFFFFF80] =	vst v11  }
0x75: {  	v34 =	vbroadcast v33, $0x0;
	[tilespmem:s26+$0xFFFFFF90] =	vst v9  }
0x76: {  	[tilespmem:s26+$0xFFFFFFA0] =	vst v12  }
0x77: {  	v35 =	vor.u32 v1, v34;
	[tilespmem:s26+$0xFFFFFFB0] =	vst v13  }
0x78: {  	v36 =	vor.u32 v2, v34;
	[tilespmem:s26+$0xFFFFFFC0] =	vst v10  }
0x79: {  	v37 =	vor.u32 v3, v34;
	[tilespmem:s26+$0xFFFFFFD0] =	vst v14  }
0x7a: {  	v38 =	vor.u32 v5, v34;
	[tilespmem:s26+$0xFFFFFFE0] =	vst v15  }
0x7b: {  	v39 =	vor.u32 v6, v34;
	[tilespmem:s26+$0xFFFFFFF0] =	vst v8  }
0x7c: {  	v11 =	vor.u32 v0, v34;
	v10 =	vld.idx.msk [tilespmem:v35+s14+$0x0], $0xffff  }
0x7d: {  	v8 =	vor.u32 v4, v34;
	v12 =	vld.idx.msk [tilespmem:v36+s14+$0x0], $0xffff  }
0x7e: {  	v9 =	vor.u32 v7, v34;
	v13 =	vld.idx.msk [tilespmem:v37+s14+$0x0], $0xffff  }
0x7f: {  	v14 =	vld.idx.msk [tilespmem:v38+s14+$0x0], $0xffff  }
0x80: {  	v15 =	vld.idx.msk [tilespmem:v39+s14+$0x0], $0xffff  }
0x81: {  	s30 =	sadd.s32 $0xFFFFFFFE, s25;
	v11 =	vld.idx.msk [tilespmem:v11+s14+$0x0], $0xffff  }
0x82: {  	v40 =	vmov s30;
	v8 =	vld.idx.msk [tilespmem:v8+s14+$0x0], $0xffff  }
0x83: {  	v41 =	vand.u32 $0x7D, v40;
	v9 =	vld.idx.msk [tilespmem:v9+s14+$0x0], $0xffff;
	[tilespmem:s26+$0x10] =	vst v10  }
0x84: {  	v42 =	vbroadcast v41, $0x0;
	[tilespmem:s26+$0x20] =	vst v12  }
0x85: {  	[tilespmem:s26+$0x30] =	vst v13  }
0x86: {  	v43 =	vor.u32 v2, v42;
	[tilespmem:s26+$0x50] =	vst v14  }
0x87: {  	v44 =	vor.u32 v3, v42;
	[tilespmem:s26+$0x60] =	vst v15  }
0x88: {  	v45 =	vor.u32 v4, v42;
	[tilespmem:s26+$0x0] =	vst v11  }
0x89: {  	[tilespmem:s26+$0x40] =	vst v8;
	v8 =	vor.u32 v1, v42  }
0x8a: {  	v46 =	vor.u32 v5, v42;
	[tilespmem:s26+$0x70] =	vst v9  }
0x8b: {  	v11 =	vor.u32 v0, v42;
	v12 =	vld.idx.msk [tilespmem:v43+s14+$0x0], $0xffff  }
0x8c: {  	v47 =	vor.u32 v6, v42;
	v13 =	vld.idx.msk [tilespmem:v44+s14+$0x0], $0xffff  }
0x8d: {  	v10 =	vor.u32 v7, v42;
	v9 =	vld.idx.msk [tilespmem:v45+s14+$0x0], $0xffff  }
0x8e: {  	v8 =	vld.idx.msk [tilespmem:v8+s14+$0x0], $0xffff  }
0x8f: {  	v14 =	vld.idx.msk [tilespmem:v46+s14+$0x0], $0xffff  }
0x90: {  	s31 =	sadd.s32 $0xFFFFFFFF, s25;
	v11 =	vld.idx.msk [tilespmem:v11+s14+$0x0], $0xffff  }
0x91: {  	v48 =	vmov s31;
	v15 =	vld.idx.msk [tilespmem:v47+s14+$0x0], $0xffff  }
0x92: {  	v49 =	vand.u32 $0x7E, v48;
	v10 =	vld.idx.msk [tilespmem:v10+s14+$0x0], $0xffff;
	[tilespmem:s26+$0xA0] =	vst v12  }
0x93: {  	[tilespmem:s26+$0x90] =	vst v8;
	v8 =	vbroadcast v49, $0x0  }
0x94: {  	[tilespmem:s26+$0xB0] =	vst v13  }
0x95: {  	[tilespmem:s26+$0x80] =	vst v11;
	v11 =	vor.u32 v0, v8  }
0x96: {  	[tilespmem:s26+$0xC0] =	vst v9;
	v50 =	vor.u32 v1, v8  }
0x97: {  	[tilespmem:s26+$0xD0] =	vst v14;
	v51 =	vor.u32 v2, v8  }
0x98: {  	[tilespmem:s26+$0xE0] =	vst v15;
	v52 =	vor.u32 v3, v8  }
0x99: {  	[tilespmem:s26+$0xF0] =	vst v10;
	v53 =	vor.u32 v4, v8  }
0x9a: {  	v54 =	vor.u32 v5, v8;
	v11 =	vld.idx.msk [tilespmem:v11+s14+$0x0], $0xffff  }
0x9b: {  	v55 =	vor.u32 v6, v8;
	v9 =	vld.idx.msk [tilespmem:v50+s14+$0x0], $0xffff  }
0x9c: {  	v8 =	vor.u32 v7, v8;
	v12 =	vld.idx.msk [tilespmem:v51+s14+$0x0], $0xffff  }
0x9d: {  	v13 =	vld.idx.msk [tilespmem:v52+s14+$0x0], $0xffff  }
0x9e: {  	v10 =	vld.idx.msk [tilespmem:v53+s14+$0x0], $0xffff  }
0x9f: {  	v14 =	vld.idx.msk [tilespmem:v54+s14+$0x0], $0xffff  }
0xa0: {  	v56 =	vmov s25;
	v15 =	vld.idx.msk [tilespmem:v55+s14+$0x0], $0xffff  }
0xa1: {  	v57 =	vand.u32 $0x7F, v56;
	v8 =	vld.idx.msk [tilespmem:v8+s14+$0x0], $0xffff;
	[tilespmem:s26+$0x100] =	vst v11  }
0xa2: {  	v58 =	vbroadcast v57, $0x0;
	[tilespmem:s26+$0x110] =	vst v9  }
0xa3: {  	[tilespmem:s26+$0x120] =	vst v12  }
0xa4: {  	v59 =	vor.u32 v1, v58;
	[tilespmem:s26+$0x130] =	vst v13  }
0xa5: {  	v60 =	vor.u32 v2, v58;
	[tilespmem:s26+$0x140] =	vst v10  }
0xa6: {  	v61 =	vor.u32 v3, v58;
	[tilespmem:s26+$0x150] =	vst v14  }
0xa7: {  	v62 =	vor.u32 v5, v58;
	[tilespmem:s26+$0x160] =	vst v15  }
0xa8: {  	v63 =	vor.u32 v6, v58;
	[tilespmem:s26+$0x170] =	vst v8  }
0xa9: {  	v11 =	vor.u32 v0, v58;
	v10 =	vld.idx.msk [tilespmem:v59+s14+$0x0], $0xffff  }
0xaa: {  	v8 =	vor.u32 v4, v58;
	v12 =	vld.idx.msk [tilespmem:v60+s14+$0x0], $0xffff  }
0xab: {  	v9 =	vor.u32 v7, v58;
	v13 =	vld.idx.msk [tilespmem:v61+s14+$0x0], $0xffff  }
0xac: {  	v14 =	vld.idx.msk [tilespmem:v62+s14+$0x0], $0xffff  }
0xad: {  	v15 =	vld.idx.msk [tilespmem:v63+s14+$0x0], $0xffff  }
0xae: {  	v11 =	vld.idx.msk [tilespmem:v11+s14+$0x0], $0xffff  }
0xaf: {  	v8 =	vld.idx.msk [tilespmem:v8+s14+$0x0], $0xffff  }
0xb0: {  	v9 =	vld.idx.msk [tilespmem:v9+s14+$0x0], $0xffff;
	[tilespmem:s26+$0x190] =	vst v10  }
0xb1: {  	[tilespmem:s26+$0x1A0] =	vst v12  }
0xb2: {  	p3 =	sne.s32 s25, $0x7F;
	[tilespmem:s26+$0x1B0] =	vst v13  }
.Ltmp6:
0xb3: {  	[tilespmem:s26+$0x1D0] =	vst v14;
	(pc) =	sbr.rel @p3 .LBB2_4-.Ltmp6, $4  }
0xb4: {  	[tilespmem:s26+$0x1E0] =	vst v15  }
0xb5: {  	[tilespmem:s26+$0x180] =	vst v11  }
0xb6: {  	[tilespmem:s26+$0x1C0] =	vst v8  }
0xb7: {  	s25 =	sadd.s32 $0x8, s25;
	[tilespmem:s26+$0x1F0] =	vst v9;
	s26 =	sadd.s32 $0x400, s26  }
0xb8: {  	s25 =	sshll.u32 s24, $0x7  }
0xb9: {  	s25 =	sand.u32 $0x1FFFFF80, s25  }
0xba: {  	s25 =	sadd.s32 s2, s25  }
0xbb: {  	[hbm4b:s25+s15] =	stream.strided.scatter [tilespmem:s17], [sflag:$0x3], $0x4000, s16, s15, $0x38;
	[tilespmem:$0x12780] =	vst v63  }
.LBB2_6:
0xbc: {  	p3 =	sge.u32 s23, s5  }
.Ltmp7:
0xbd: {  	_ = 	snop;
	(pc) =	sbr.rel @p3 .LBB2_10-.Ltmp7, $1  }
0xbe: {  	_ =	sdelay $0x3  }
0xbf: {  	s24 =	sadd.s32 $0x2, s24  }
0xc0: {  	_ =	swait.ge [sflag:s18], $0x4000;
	p3 =	sge.u32 s24, s5  }
0xc1: {  	[sflag:s18] =	ssyncset.done $0x0;
	s24 =	ssub.s32 @!p3 s24, s4  }
0xc2: {  	[sflag:s18] =	ssyncadd.s32 $0xFFFFC000;
	s24 =	sshll.u32 @!p3 s24, $0x7  }
0xc3: {  	s25 =	simm.s32 @!p3 $0x80;
	s26 =	simm.s32 @!p3 $0x2780;
	s24 =	sand.u32 @!p3 $0x3FFFFF80, s24  }
0xc4: {  	[tilespmem:s26], [sflag:$0x1] =	stream.indirect.gather @!p3 [hbm4b:s6+s25], $0x80, s24, s25, $0xb8;
	[tilespmem:$0x12780] =	vst v63  }
0xc5: {  	p3 =	slt.u32 s23, s10  }
0xc6: {  	s24 =	simm.s32 @!p3 $0x4  }
0xc7: {  	_ =	swait.ge @!p3 [sflag:s24], $0x4000  }
0xc8: {  	[sflag:s24] =	ssyncset.done @!p3 $0x0  }
0xc9: {  	s25 =	simm.s32 $0xE980;
	[sflag:s24] =	ssyncadd.s32 @!p3 $0xFFFFC000;
	s24 =	simm.s32 $0x7  }
.LBB2_8:
0xca: {  	s26 =	sadd.s32 $0xFFFFFFF9, s24  }
0xcb: {  	v8 =	vmov s26  }
0xcc: {  	v8 =	vand.u32 $0x78, v8  }
0xcd: {  	v8 =	vbroadcast v8, $0x0;
	_ =	sdelay $0x1  }
0xce: {  	v9 =	vor.u32 v0, v8  }
0xcf: {  	v10 =	vor.u32 v1, v8  }
0xd0: {  	v11 =	vor.u32 v2, v8  }
0xd1: {  	v12 =	vor.u32 v3, v8  }
0xd2: {  	v13 =	vor.u32 v4, v8  }
0xd3: {  	v14 =	vor.u32 v5, v8;
	v9 =	vld.idx.msk [tilespmem:v9+s19+$0x0], $0xffff  }
0xd4: {  	v15 =	vor.u32 v6, v8;
	v10 =	vld.idx.msk [tilespmem:v10+s19+$0x0], $0xffff  }
0xd5: {  	v8 =	vor.u32 v7, v8;
	v11 =	vld.idx.msk [tilespmem:v11+s19+$0x0], $0xffff  }
0xd6: {  	v12 =	vld.idx.msk [tilespmem:v12+s19+$0x0], $0xffff  }
0xd7: {  	v13 =	vld.idx.msk [tilespmem:v13+s19+$0x0], $0xffff  }
0xd8: {  	s30 =	sadd.s32 $0xFFFFFFFA, s24;
	v14 =	vld.idx.msk [tilespmem:v14+s19+$0x0], $0xffff  }
0xd9: {  	v16 =	vmov s30;
	v15 =	vld.idx.msk [tilespmem:v15+s19+$0x0], $0xffff  }
0xda: {  	v56 =	vand.u32 $0x79, v16;
	v8 =	vld.idx.msk [tilespmem:v8+s19+$0x0], $0xffff;
	[tilespmem:s25+$0xFFFFFE00] =	vst v9  }
0xdb: {  	[tilespmem:s25+$0xFFFFFE10] =	vst v10;
	v9 =	vbroadcast v56, $0x0  }
0xdc: {  	[tilespmem:s25+$0xFFFFFE20] =	vst v11  }
0xdd: {  	[tilespmem:s25+$0xFFFFFE30] =	vst v12;
	v57 =	vor.u32 v0, v9  }
0xde: {  	[tilespmem:s25+$0xFFFFFE40] =	vst v13;
	v58 =	vor.u32 v1, v9  }
0xdf: {  	[tilespmem:s25+$0xFFFFFE50] =	vst v14;
	v59 =	vor.u32 v2, v9  }
0xe0: {  	[tilespmem:s25+$0xFFFFFE60] =	vst v15;
	v60 =	vor.u32 v3, v9  }
0xe1: {  	[tilespmem:s25+$0xFFFFFE70] =	vst v8;
	v8 =	vor.u32 v4, v9  }
0xe2: {  	v61 =	vor.u32 v5, v9;
	v10 =	vld.idx.msk [tilespmem:v57+s19+$0x0], $0xffff  }
0xe3: {  	v62 =	vor.u32 v6, v9;
	v11 =	vld.idx.msk [tilespmem:v58+s19+$0x0], $0xffff  }
0xe4: {  	v9 =	vor.u32 v7, v9;
	v12 =	vld.idx.msk [tilespmem:v59+s19+$0x0], $0xffff  }
0xe5: {  	v13 =	vld.idx.msk [tilespmem:v60+s19+$0x0], $0xffff  }
0xe6: {  	v8 =	vld.idx.msk [tilespmem:v8+s19+$0x0], $0xffff  }
0xe7: {  	s31 =	sadd.s32 $0xFFFFFFFB, s24;
	v14 =	vld.idx.msk [tilespmem:v61+s19+$0x0], $0xffff  }
0xe8: {  	v63 =	vmov s31;
	v15 =	vld.idx.msk [tilespmem:v62+s19+$0x0], $0xffff  }
0xe9: {  	v17 =	vand.u32 $0x7A, v63;
	v9 =	vld.idx.msk [tilespmem:v9+s19+$0x0], $0xffff;
	[tilespmem:s25+$0xFFFFFE80] =	vst v10  }
0xea: {  	[tilespmem:s25+$0xFFFFFE90] =	vst v11;
	v10 =	vbroadcast v17, $0x0  }
0xeb: {  	[tilespmem:s25+$0xFFFFFEA0] =	vst v12  }
0xec: {  	[tilespmem:s25+$0xFFFFFEB0] =	vst v13;
	v18 =	vor.u32 v0, v10  }
0xed: {  	[tilespmem:s25+$0xFFFFFEC0] =	vst v8;
	v8 =	vor.u32 v1, v10  }
0xee: {  	[tilespmem:s25+$0xFFFFFED0] =	vst v14;
	v19 =	vor.u32 v2, v10  }
0xef: {  	[tilespmem:s25+$0xFFFFFEE0] =	vst v15;
	v20 =	vor.u32 v3, v10  }
0xf0: {  	[tilespmem:s25+$0xFFFFFEF0] =	vst v9;
	v21 =	vor.u32 v4, v10  }
0xf1: {  	v22 =	vor.u32 v5, v10;
	v11 =	vld.idx.msk [tilespmem:v18+s19+$0x0], $0xffff  }
0xf2: {  	v23 =	vor.u32 v6, v10;
	v8 =	vld.idx.msk [tilespmem:v8+s19+$0x0], $0xffff  }
0xf3: {  	v10 =	vor.u32 v7, v10;
	v12 =	vld.idx.msk [tilespmem:v19+s19+$0x0], $0xffff  }
0xf4: {  	v13 =	vld.idx.msk [tilespmem:v20+s19+$0x0], $0xffff  }
0xf5: {  	v9 =	vld.idx.msk [tilespmem:v21+s19+$0x0], $0xffff  }
0xf6: {  	s28 =	sadd.s32 $0xFFFFFFFC, s24;
	v14 =	vld.idx.msk [tilespmem:v22+s19+$0x0], $0xffff  }
0xf7: {  	v24 =	vmov s28;
	v15 =	vld.idx.msk [tilespmem:v23+s19+$0x0], $0xffff  }
0xf8: {  	v25 =	vand.u32 $0x7B, v24;
	v10 =	vld.idx.msk [tilespmem:v10+s19+$0x0], $0xffff;
	[tilespmem:s25+$0xFFFFFF00] =	vst v11  }
0xf9: {  	[tilespmem:s25+$0xFFFFFF10] =	vst v8;
	v8 =	vbroadcast v25, $0x0  }
0xfa: {  	[tilespmem:s25+$0xFFFFFF20] =	vst v12  }
0xfb: {  	[tilespmem:s25+$0xFFFFFF30] =	vst v13;
	v11 =	vor.u32 v0, v8  }
0xfc: {  	[tilespmem:s25+$0xFFFFFF40] =	vst v9;
	v26 =	vor.u32 v1, v8  }
0xfd: {  	[tilespmem:s25+$0xFFFFFF50] =	vst v14;
	v27 =	vor.u32 v2, v8  }
0xfe: {  	[tilespmem:s25+$0xFFFFFF60] =	vst v15;
	v28 =	vor.u32 v3, v8  }
0xff: {  	[tilespmem:s25+$0xFFFFFF70] =	vst v10;
	v29 =	vor.u32 v4, v8  }
0x100: {  	v30 =	vor.u32 v5, v8;
	v11 =	vld.idx.msk [tilespmem:v11+s19+$0x0], $0xffff  }
0x101: {  	v31 =	vor.u32 v6, v8;
	v9 =	vld.idx.msk [tilespmem:v26+s19+$0x0], $0xffff  }
0x102: {  	v8 =	vor.u32 v7, v8;
	v12 =	vld.idx.msk [tilespmem:v27+s19+$0x0], $0xffff  }
0x103: {  	v13 =	vld.idx.msk [tilespmem:v28+s19+$0x0], $0xffff  }
0x104: {  	v10 =	vld.idx.msk [tilespmem:v29+s19+$0x0], $0xffff  }
0x105: {  	s29 =	sadd.s32 $0xFFFFFFFD, s24;
	v14 =	vld.idx.msk [tilespmem:v30+s19+$0x0], $0xffff  }
0x106: {  	v32 =	vmov s29;
	v15 =	vld.idx.msk [tilespmem:v31+s19+$0x0], $0xffff  }
0x107: {  	v33 =	vand.u32 $0x7C, v32;
	v8 =	vld.idx.msk [tilespmem:v8+s19+$0x0], $0xffff;
	[tilespmem:s25+$0xFFFFFF80] =	vst v11  }
0x108: {  	v34 =	vbroadcast v33, $0x0;
	[tilespmem:s25+$0xFFFFFF90] =	vst v9  }
0x109: {  	[tilespmem:s25+$0xFFFFFFA0] =	vst v12  }
0x10a: {  	v35 =	vor.u32 v1, v34;
	[tilespmem:s25+$0xFFFFFFB0] =	vst v13  }
0x10b: {  	v36 =	vor.u32 v2, v34;
	[tilespmem:s25+$0xFFFFFFC0] =	vst v10  }
0x10c: {  	v37 =	vor.u32 v3, v34;
	[tilespmem:s25+$0xFFFFFFD0] =	vst v14  }
0x10d: {  	v38 =	vor.u32 v5, v34;
	[tilespmem:s25+$0xFFFFFFE0] =	vst v15  }
0x10e: {  	v39 =	vor.u32 v6, v34;
	[tilespmem:s25+$0xFFFFFFF0] =	vst v8  }
0x10f: {  	v11 =	vor.u32 v0, v34;
	v10 =	vld.idx.msk [tilespmem:v35+s19+$0x0], $0xffff  }
0x110: {  	v8 =	vor.u32 v4, v34;
	v12 =	vld.idx.msk [tilespmem:v36+s19+$0x0], $0xffff  }
0x111: {  	v9 =	vor.u32 v7, v34;
	v13 =	vld.idx.msk [tilespmem:v37+s19+$0x0], $0xffff  }
0x112: {  	v14 =	vld.idx.msk [tilespmem:v38+s19+$0x0], $0xffff  }
0x113: {  	v15 =	vld.idx.msk [tilespmem:v39+s19+$0x0], $0xffff  }
0x114: {  	s30 =	sadd.s32 $0xFFFFFFFE, s24;
	v11 =	vld.idx.msk [tilespmem:v11+s19+$0x0], $0xffff  }
0x115: {  	v40 =	vmov s30;
	v8 =	vld.idx.msk [tilespmem:v8+s19+$0x0], $0xffff  }
0x116: {  	v41 =	vand.u32 $0x7D, v40;
	v9 =	vld.idx.msk [tilespmem:v9+s19+$0x0], $0xffff;
	[tilespmem:s25+$0x10] =	vst v10  }
0x117: {  	v42 =	vbroadcast v41, $0x0;
	[tilespmem:s25+$0x20] =	vst v12  }
0x118: {  	[tilespmem:s25+$0x30] =	vst v13  }
0x119: {  	v43 =	vor.u32 v2, v42;
	[tilespmem:s25+$0x50] =	vst v14  }
0x11a: {  	v44 =	vor.u32 v3, v42;
	[tilespmem:s25+$0x60] =	vst v15  }
0x11b: {  	v45 =	vor.u32 v4, v42;
	[tilespmem:s25+$0x0] =	vst v11  }
0x11c: {  	[tilespmem:s25+$0x40] =	vst v8;
	v8 =	vor.u32 v1, v42  }
0x11d: {  	v46 =	vor.u32 v5, v42;
	[tilespmem:s25+$0x70] =	vst v9  }
0x11e: {  	v11 =	vor.u32 v0, v42;
	v12 =	vld.idx.msk [tilespmem:v43+s19+$0x0], $0xffff  }
0x11f: {  	v47 =	vor.u32 v6, v42;
	v13 =	vld.idx.msk [tilespmem:v44+s19+$0x0], $0xffff  }
0x120: {  	v10 =	vor.u32 v7, v42;
	v9 =	vld.idx.msk [tilespmem:v45+s19+$0x0], $0xffff  }
0x121: {  	v8 =	vld.idx.msk [tilespmem:v8+s19+$0x0], $0xffff  }
0x122: {  	v14 =	vld.idx.msk [tilespmem:v46+s19+$0x0], $0xffff  }
0x123: {  	s31 =	sadd.s32 $0xFFFFFFFF, s24;
	v11 =	vld.idx.msk [tilespmem:v11+s19+$0x0], $0xffff  }
0x124: {  	v48 =	vmov s31;
	v15 =	vld.idx.msk [tilespmem:v47+s19+$0x0], $0xffff  }
0x125: {  	v49 =	vand.u32 $0x7E, v48;
	v10 =	vld.idx.msk [tilespmem:v10+s19+$0x0], $0xffff;
	[tilespmem:s25+$0xA0] =	vst v12  }
0x126: {  	[tilespmem:s25+$0x90] =	vst v8;
	v8 =	vbroadcast v49, $0x0  }
0x127: {  	[tilespmem:s25+$0xB0] =	vst v13  }
0x128: {  	[tilespmem:s25+$0x80] =	vst v11;
	v11 =	vor.u32 v0, v8  }
0x129: {  	[tilespmem:s25+$0xC0] =	vst v9;
	v50 =	vor.u32 v1, v8  }
0x12a: {  	[tilespmem:s25+$0xD0] =	vst v14;
	v51 =	vor.u32 v2, v8  }
0x12b: {  	[tilespmem:s25+$0xE0] =	vst v15;
	v52 =	vor.u32 v3, v8  }
0x12c: {  	[tilespmem:s25+$0xF0] =	vst v10;
	v53 =	vor.u32 v4, v8  }
0x12d: {  	v54 =	vor.u32 v5, v8;
	v11 =	vld.idx.msk [tilespmem:v11+s19+$0x0], $0xffff  }
0x12e: {  	v55 =	vor.u32 v6, v8;
	v9 =	vld.idx.msk [tilespmem:v50+s19+$0x0], $0xffff  }
0x12f: {  	v8 =	vor.u32 v7, v8;
	v12 =	vld.idx.msk [tilespmem:v51+s19+$0x0], $0xffff  }
0x130: {  	v13 =	vld.idx.msk [tilespmem:v52+s19+$0x0], $0xffff  }
0x131: {  	v10 =	vld.idx.msk [tilespmem:v53+s19+$0x0], $0xffff  }
0x132: {  	v14 =	vld.idx.msk [tilespmem:v54+s19+$0x0], $0xffff  }
0x133: {  	v56 =	vmov s24;
	v15 =	vld.idx.msk [tilespmem:v55+s19+$0x0], $0xffff  }
0x134: {  	v57 =	vand.u32 $0x7F, v56;
	v8 =	vld.idx.msk [tilespmem:v8+s19+$0x0], $0xffff;
	[tilespmem:s25+$0x100] =	vst v11  }
0x135: {  	v58 =	vbroadcast v57, $0x0;
	[tilespmem:s25+$0x110] =	vst v9  }
0x136: {  	[tilespmem:s25+$0x120] =	vst v12  }
0x137: {  	v59 =	vor.u32 v1, v58;
	[tilespmem:s25+$0x130] =	vst v13  }
0x138: {  	v60 =	vor.u32 v2, v58;
	[tilespmem:s25+$0x140] =	vst v10  }
0x139: {  	v61 =	vor.u32 v3, v58;
	[tilespmem:s25+$0x150] =	vst v14  }
0x13a: {  	v62 =	vor.u32 v5, v58;
	[tilespmem:s25+$0x160] =	vst v15  }
0x13b: {  	v63 =	vor.u32 v6, v58;
	[tilespmem:s25+$0x170] =	vst v8  }
0x13c: {  	v11 =	vor.u32 v0, v58;
	v10 =	vld.idx.msk [tilespmem:v59+s19+$0x0], $0xffff  }
0x13d: {  	v8 =	vor.u32 v4, v58;
	v12 =	vld.idx.msk [tilespmem:v60+s19+$0x0], $0xffff  }
0x13e: {  	v9 =	vor.u32 v7, v58;
	v13 =	vld.idx.msk [tilespmem:v61+s19+$0x0], $0xffff  }
0x13f: {  	v14 =	vld.idx.msk [tilespmem:v62+s19+$0x0], $0xffff  }
0x140: {  	v15 =	vld.idx.msk [tilespmem:v63+s19+$0x0], $0xffff  }
0x141: {  	v11 =	vld.idx.msk [tilespmem:v11+s19+$0x0], $0xffff  }
0x142: {  	v8 =	vld.idx.msk [tilespmem:v8+s19+$0x0], $0xffff  }
0x143: {  	v9 =	vld.idx.msk [tilespmem:v9+s19+$0x0], $0xffff;
	[tilespmem:s25+$0x190] =	vst v10  }
0x144: {  	[tilespmem:s25+$0x1A0] =	vst v12  }
0x145: {  	p3 =	sne.s32 s24, $0x7F;
	[tilespmem:s25+$0x1B0] =	vst v13  }
.Ltmp8:
0x146: {  	[tilespmem:s25+$0x1D0] =	vst v14;
	(pc) =	sbr.rel @p3 .LBB2_8-.Ltmp8, $4  }
0x147: {  	[tilespmem:s25+$0x1E0] =	vst v15  }
0x148: {  	[tilespmem:s25+$0x180] =	vst v11  }
0x149: {  	[tilespmem:s25+$0x1C0] =	vst v8  }
0x14a: {  	s24 =	sadd.s32 $0x8, s24;
	[tilespmem:s25+$0x1F0] =	vst v9;
	s25 =	sadd.s32 $0x400, s25  }
.Ltmp9:
0x14b: {  	(pc) =	sbr.rel .LBB2_10-.Ltmp9, $4  }
0x14c: {  	s23 =	sshll.u32 s23, $0x7  }
0x14d: {  	s23 =	sand.u32 $0x1FFFFF80, s23  }
0x14e: {  	s23 =	sadd.s32 s2, s23  }
0x14f: {  	[hbm4b:s23+s15] =	stream.strided.scatter [tilespmem:s20], [sflag:$0x4], $0x4000, s16, s15, $0x38;
	[tilespmem:$0x12780] =	vst v63  }
.LBB2_12:
0x150: {  	_ =	sfence.sel $0x180000  }
0x151: {  	[bflag:$0x0] =	sbarrier.arrive $0xFFFF  }
0x152: {  	p0 =	sne.s32 s0, $0x0;
	_ =	strace $0x90000047  }
0x153: {  	s0 =	sadd.s32 @!p0 $0x100000, s1;
	[bflag:$0x2] =	sbarrier.arrive $0xFFFF  }
0x154: {  	[sflag:s0] =	ssyncadd.tile.s32 @!p0 $0x1;
	_ =	shalt  }
.Lfunc_end2:
_tile_overlayer_lowered:
.L_overlay_start_2:
0x155: {  	(tag) =	ssettag $0x2  }
0x156: {  	s0 =	rddreg [dreg:$0x0];
	s2 =	stileid.u32  }
0x157: {  	s1 =	rddreg [dreg:$0x1];
	p0 =	sne.s32 s2, $0x0  }
0x158: {  	s3 =	rddreg [dreg:$0x2];
	[bflag:$0x3] =	sbarrier.arrive $0xFFFF;
	s2 =	simm.s32 @!p0 $0x1C05  }
0x159: {  	[timem:s3], [sflag:s2] =	dma.local @!p0 [hbm:s0], s1  }
0x15a: {  	s0 =	simm.s32 @!p0 $0x5  }
0x15b: {  	_ =	swait.ge @!p0 [sflag:s0], s1  }
0x15c: {  	s1 =	ssub.s32 @!p0 $0x0, s1;
	[sflag:s0] =	ssyncset.done @!p0 $0x0  }
0x15d: {  	[sflag:s0] =	ssyncadd.s32 @!p0 s1  }
0x15e: {  	[bflag:$0x3] =	sbarrier.arrive $0xFFFF  }
0x15f: {  	_ =	shalt  }

</sc_bundles>
